<compile_context>
chip_gen: v7x
topology: tpu7x:2x2x1
jax: 0.10.2.dev20260603
libtpu: 0.0.44.dev20260713+nightly
codegen_flags: <defaults>
</compile_context>

<pallas_src>
import functools

import jax
import jax.numpy as jnp
from jax import lax
from jax.experimental import pallas as pl
from jax.experimental.pallas import tpu as pltpu
from jax.experimental.pallas import tpu_sc as plsc

N = 10000
E = 640000
H = 128
G = 64
TILES = 16
W = 2 * TILES
NPAD = 10240
NBLK = 10
BLK = NPAD // NBLK
EB = 128
E2 = 655360
RPT = NPAD // TILES


@functools.cache
def _mesh():
    return plsc.VectorSubcoreMesh(core_axis_name="c", subcore_axis_name="s",
                                  num_cores=2)


_SC_PARAMS = pltpu.CompilerParams(needs_layout_passes=False)



def _agg_pass(h_hbm, out_hbm, src_hbm, dst_hbm, idxs_v, idxd_v, rows_v, sem,
              acc_sh, sid):
    ept = E2 // TILES
    pltpu.sync_copy(h_hbm.at[pl.ds(sid * RPT, RPT)],
                    acc_sh.at[pl.ds(sid * RPT, RPT)])
    plsc.subcore_barrier()

    def chunk(j, c):
        base = sid * ept + j * EB
        pltpu.sync_copy(src_hbm.at[pl.ds(base, EB)], idxs_v)
        pltpu.sync_copy(dst_hbm.at[pl.ds(base, EB)], idxd_v)
        pltpu.async_copy(h_hbm.at[idxs_v], rows_v, sem).wait()
        pltpu.sync_copy(rows_v, acc_sh.at[idxd_v], add=True)
        return c
    lax.fori_loop(0, ept // EB, chunk, 0)
    plsc.subcore_barrier()
    pltpu.sync_copy(acc_sh.at[pl.ds(sid * RPT, RPT)],
                    out_hbm.at[pl.ds(sid * RPT, RPT)])


def _agg_body(hc_hbm, hn_hbm, src_hbm, dst_hbm, outc_hbm, outn_hbm,
              idxs_v, idxd_v, rows_v, sem, acc_sh):
    cid = lax.axis_index("c")
    sid = lax.axis_index("s")

    @pl.when(cid == 0)
    def _():
        _agg_pass(hc_hbm, outc_hbm, src_hbm, dst_hbm, idxs_v, idxd_v,
                  rows_v, sem, acc_sh, sid)

    @pl.when(cid == 1)
    def _():
        _agg_pass(hn_hbm, outn_hbm, src_hbm, dst_hbm, idxs_v, idxd_v,
                  rows_v, sem, acc_sh, sid)


@functools.cache
def _sc_aggregate():
    return pl.kernel(
        _agg_body,
        out_type=[jax.ShapeDtypeStruct((NPAD, H), jnp.float32),
                  jax.ShapeDtypeStruct((NPAD, H), jnp.float32)],
        mesh=_mesh(),
        compiler_params=_SC_PARAMS,
        scratch_types=[
            pltpu.VMEM((EB,), jnp.int32),
            pltpu.VMEM((EB,), jnp.int32),
            pltpu.VMEM((EB, H), jnp.float32),
            pltpu.SemaphoreType.DMA,
            pltpu.VMEM_SHARED((NPAD, H), jnp.float32),
        ],
    )



def _elu(x):
    return jnp.where(x > 0.0, x, jnp.exp(jnp.minimum(x, 0.0)) - 1.0)


def _mm(a, b):
    return jnp.dot(a, b, preferred_element_type=jnp.float32)


def _ln(y, g, b):
    mu = jnp.mean(y, axis=-1, keepdims=True)
    var = jnp.mean((y - mu) ** 2, axis=-1, keepdims=True)
    return (y - mu) * lax.rsqrt(var + 1e-5) * g + b


def _prep_body(typef_ref, xn_ref, degp_ref, w1_ref, b1_ref, w2_ref, b2_ref,
               wc0_ref, wn0_ref, hc_ref, hn_ref, dinv_ref):
    t = typef_ref[...]
    iota = lax.broadcasted_iota(jnp.int32, (BLK, H), 1).astype(jnp.float32)
    onehot = (iota == t).astype(jnp.float32)
    xt = _mm(onehot, w1_ref[...]) + b1_ref[...]
    xn = _mm(xn_ref[...], w2_ref[...]) + b2_ref[...]
    deg = degp_ref[...][:, :1]
    dinv = lax.rsqrt(deg)
    dinv_ref[...] = jnp.broadcast_to(dinv, (BLK, 8))
    hc_ref[...] = _mm(xt, wc0_ref[...]) * dinv
    hn_ref[...] = _mm(xn, wn0_ref[...]) * dinv


def _mid_body(aggc_ref, aggn_ref, dinv_ref, bc_ref, gc_ref, betac_ref,
              bn_ref, gn_ref, betan_ref, wc_ref, wn_ref, hc_ref, hn_ref):
    dinv = dinv_ref[...][:, :1]

    def side(agg, b, g, beta, w):
        y = _elu(_ln(dinv * agg + b, g, beta))
        return _mm(y, w) * dinv

    hc_ref[...] = side(aggc_ref[...], bc_ref[...], gc_ref[...],
                       betac_ref[...], wc_ref[...])
    hn_ref[...] = side(aggn_ref[...], bn_ref[...], gn_ref[...],
                       betan_ref[...], wn_ref[...])


def _final_body(aggc_ref, aggn_ref, dinv_ref, bc_ref, bn_ref, batchf_ref,
                wf1_ref, wf2_ref, bf_ref, wo_ref, bo_ref,
                out_ref, pooled_ref, cnt_ref):
    i = pl.program_id(0)
    dinv = dinv_ref[...][:, :1]
    zc = _elu(dinv * aggc_ref[...] + bc_ref[...])
    zn = _elu(dinv * aggn_ref[...] + bn_ref[...])
    z = _elu(_mm(zc, wf1_ref[...]) + _mm(zn, wf2_ref[...]) + bf_ref[...])
    bt = batchf_ref[...]
    iota = lax.broadcasted_iota(jnp.int32, (BLK, G), 1).astype(jnp.float32)
    mask = (iota == bt).astype(jnp.float32)
    contrib = lax.dot_general(mask, z, (((0,), (0,)), ((), ())),
                              preferred_element_type=jnp.float32)
    cnt_c = lax.dot_general(mask, jnp.ones((BLK, 8), jnp.float32),
                            (((0,), (0,)), ((), ())),
                            preferred_element_type=jnp.float32)

    @pl.when(i == 0)
    def _():
        pooled_ref[...] = contrib
        cnt_ref[...] = cnt_c

    @pl.when(i > 0)
    def _():
        pooled_ref[...] = pooled_ref[...] + contrib
        cnt_ref[...] = cnt_ref[...] + cnt_c

    pooled = pooled_ref[...] / jnp.maximum(cnt_ref[...][:, :1], 1.0)
    out_ref[...] = _mm(pooled, wo_ref[...]) + bo_ref[...]


def _rowspec():
    return pl.BlockSpec((BLK, H), lambda i: (i, 0))


def _fullspec(shape):
    return pl.BlockSpec(shape, lambda i: tuple(0 for _ in shape))


def kernel(type, x_num, edge_index, batch, W1, b1, W2, b2, Wc, bc, gc, betac,
           Wn, bn, gn, betan, Wf, bf, Wo, bo):
    f32 = jnp.float32
    pad_e = jnp.full((E2 - E,), NPAD - 1, jnp.int32)
    src = jnp.concatenate([edge_index[0].astype(jnp.int32), pad_e])
    dst = jnp.concatenate([edge_index[1].astype(jnp.int32), pad_e])
    typef = jnp.pad(type.astype(f32), (0, NPAD - N),
                    constant_values=float(H)).reshape(NPAD, 1)
    batchf = jnp.pad(batch.astype(f32), (0, NPAD - N),
                     constant_values=float(G)).reshape(NPAD, 1)
    xnp = jnp.pad(x_num, ((0, NPAD - N), (0, 8 - x_num.shape[1])))
    w1p = jnp.pad(W1, ((0, H - W1.shape[0]), (0, 0)))
    w2p = jnp.pad(W2, ((0, 8 - W2.shape[0]), (0, 0)))
    wop = jnp.pad(Wo, ((0, 0), (0, H - Wo.shape[1])))
    bop = jnp.pad(bo, (0, H - bo.shape[0])).reshape(1, H)
    row = lambda v: v.reshape(1, H)

    onesf = jnp.ones((NPAD, H), f32)
    degp, _ = _sc_aggregate()(onesf, onesf, src, dst)

    nmshape = jax.ShapeDtypeStruct((NPAD, H), f32)
    prep = pl.pallas_call(
        _prep_body,
        grid=(NBLK,),
        in_specs=[
            pl.BlockSpec((BLK, 1), lambda i: (i, 0)),
            pl.BlockSpec((BLK, 8), lambda i: (i, 0)),
            _rowspec(),
            _fullspec((H, H)), _fullspec((1, H)),
            _fullspec((8, H)), _fullspec((1, H)),
            _fullspec((H, H)), _fullspec((H, H)),
        ],
        out_specs=[_rowspec(), _rowspec(),
                   pl.BlockSpec((BLK, 8), lambda i: (i, 0))],
        out_shape=[nmshape, nmshape, jax.ShapeDtypeStruct((NPAD, 8), f32)],
    )
    hcb, hnb, dinv2 = prep(typef, xnp, degp, w1p, row(b1), w2p, row(b2),
                           Wc[0], Wn[0])

    mid = pl.pallas_call(
        _mid_body,
        grid=(NBLK,),
        in_specs=[_rowspec(), _rowspec(),
                  pl.BlockSpec((BLK, 8), lambda i: (i, 0))]
                 + [_fullspec((1, H))] * 6
                 + [_fullspec((H, H)), _fullspec((H, H))],
        out_specs=[_rowspec(), _rowspec()],
        out_shape=[nmshape, nmshape],
    )

    for i in range(2):
        aggc, aggn = _sc_aggregate()(hcb, hnb, src, dst)
        hcb, hnb = mid(aggc, aggn, dinv2,
                       row(bc[i]), row(gc[i]), row(betac[i]),
                       row(bn[i]), row(gn[i]), row(betan[i]),
                       Wc[i + 1], Wn[i + 1])

    aggc, aggn = _sc_aggregate()(hcb, hnb, src, dst)

    final = pl.pallas_call(
        _final_body,
        grid=(NBLK,),
        in_specs=[_rowspec(), _rowspec(),
                  pl.BlockSpec((BLK, 8), lambda i: (i, 0)),
                  _fullspec((1, H)), _fullspec((1, H)),
                  pl.BlockSpec((BLK, 1), lambda i: (i, 0)),
                  _fullspec((H, H)), _fullspec((H, H)), _fullspec((1, H)),
                  _fullspec((H, H)), _fullspec((1, H))],
        out_specs=[_fullspec((G, H)), _fullspec((G, H)), _fullspec((G, 8))],
        out_shape=[jax.ShapeDtypeStruct((G, H), f32),
                   jax.ShapeDtypeStruct((G, H), f32),
                   jax.ShapeDtypeStruct((G, 8), f32)],
    )
    outp, _, _ = final(aggc, aggn, dinv2, row(bc[2]), row(bn[2]), batchf,
                       Wf[:H], Wf[H:], row(bf), wop, bop)
    return outp[:, :4]

# --- scband reference (transcript-rebuilt; emitter-appended) ---
"""Pipeline reference for scband-gnn-89842125897937 (READ-ONLY COPY).

The authoritative reference and input builder live on the scoring server;
editing this copy changes nothing except your own understanding.
"""

import jax, jax.numpy as jnp
import numpy as np

N = 10000
E = 640000
H = 128
T = 32
G = 64
L = 3


def layer_norm(x, g, b):
    mu = jnp.mean(x, axis=-1, keepdims=True)
    var = jnp.var(x, axis=-1, keepdims=True)
    return (x - mu) / jnp.sqrt(var + 1e-5) * g + b


def gcn_conv(x, src, dst, W, b):
    h = x @ W
    n = x.shape[0]
    sl = jnp.arange(n)
    s2 = jnp.concatenate([src, sl])
    d2 = jnp.concatenate([dst, sl])
    deg = jax.ops.segment_sum(jnp.ones(s2.shape[0], jnp.float32), d2, n)
    dinv = jnp.where(deg > 0, 1.0 / jnp.sqrt(deg), 0.0)
    coef = (dinv[s2] * dinv[d2])[:, None]
    agg = jax.ops.segment_sum(h[s2] * coef, d2, n)
    return agg + b


def gcn_stack(x, src, dst, Ws, bs, gammas, betas):
    for i in range(L):
        x = gcn_conv(x, src, dst, Ws[i], bs[i])
        if i < L - 1:
            x = layer_norm(x, gammas[i], betas[i])
            x = jax.nn.elu(x)
    return x


def setup_inputs(seed: int = 0):
    key = jax.random.key(seed)
    ks = jax.random.split(key, 24)
    p = lambda k, shape: jax.random.normal(k, shape, dtype=jnp.float32) * 0.05
    inp = {}
    inp["type"] = jax.random.randint(ks[0], (N,), 0, T)
    inp["x_num"] = jax.random.normal(ks[1], (N, 5), dtype=jnp.float32)
    inp["edge_index"] = jax.random.randint(ks[2], (2, E), 0, N)
    inp["batch"] = jnp.sort(jax.random.randint(ks[3], (N,), 0, G))
    inp["W1"] = p(ks[4], (T, H)); inp["b1"] = jnp.zeros((H,), jnp.float32)
    inp["W2"] = p(ks[5], (5, H)); inp["b2"] = jnp.zeros((H,), jnp.float32)
    inp["Wc"] = p(ks[6], (L, H, H)); inp["bc"] = jnp.zeros((L, H), jnp.float32)
    inp["gc"] = jnp.ones((L - 1, H), jnp.float32); inp["betac"] = jnp.zeros((L - 1, H), jnp.float32)
    inp["Wn"] = p(ks[7], (L, H, H)); inp["bn"] = jnp.zeros((L, H), jnp.float32)
    inp["gn"] = jnp.ones((L - 1, H), jnp.float32); inp["betan"] = jnp.zeros((L - 1, H), jnp.float32)
    inp["Wf"] = p(ks[8], (2 * H, H)); inp["bf"] = jnp.zeros((H,), jnp.float32)
    inp["Wo"] = p(ks[9], (H, 4)); inp["bo"] = jnp.zeros((4,), jnp.float32)
    return inp


def reference(type, x_num, edge_index, batch, W1, b1, W2, b2, Wc, bc, gc, betac, Wn, bn, gn, betan, Wf, bf, Wo, bo):
    src, dst = edge_index[0], edge_index[1]
    xt = jax.nn.one_hot(type, T, dtype=jnp.float32) @ W1 + b1
    xn = x_num @ W2 + b2
    zt = jax.nn.elu(gcn_stack(xt, src, dst, Wc, bc, gc, betac))
    zn = jax.nn.elu(gcn_stack(xn, src, dst, Wn, bn, gn, betan))
    z = jax.nn.elu(jnp.concatenate([zt, zn], axis=-1) @ Wf + bf)
    cnt = jax.ops.segment_sum(jnp.ones((N,), jnp.float32), batch, G)
    pooled = jax.ops.segment_sum(z, batch, G) / jnp.maximum(cnt, 1.0)[:, None]
    return pooled @ Wo + bo

if __name__ == "__main__":
    import jax
    _d = setup_inputs()
    print(jax.jit(kernel)(*tuple(_d.values())))

</pallas_src>

<mosaic_0001>
#map = affine_map<(d0, d1) -> (0, 0)>
#map1 = affine_map<(d0, d1) -> (0)>
module attributes {stable_mosaic.version = 14 : i64} {
  func.func @_agg_body(%arg0: i32, %arg1: i32, %arg2: memref<10240x128xf32, #tpu.memory_space<hbm>>, %arg3: memref<10240x128xf32, #tpu.memory_space<hbm>>, %arg4: memref<655360xi32, #tpu.memory_space<hbm>>, %arg5: memref<655360xi32, #tpu.memory_space<hbm>>, %arg6: memref<10240x128xf32, #tpu.memory_space<hbm>>, %arg7: memref<10240x128xf32, #tpu.memory_space<hbm>>, %arg8: memref<128xi32, #tpu.memory_space<vmem>>, %arg9: memref<128xi32, #tpu.memory_space<vmem>>, %arg10: memref<128x128xf32, #tpu.memory_space<vmem>>, %arg11: memref<!tpu.dma_semaphore, #tpu.memory_space<semaphore_mem>>, %arg12: memref<10240x128xf32, #tpu.memory_space<vmem_shared>>) attributes {dimension_semantics = [#tpu.dimension_semantics<core_parallel>, #tpu.dimension_semantics<subcore_parallel>], iteration_bounds = array<i64: 2, 16>, scalar_prefetch = 0 : i64, scratch_operands = 5 : i64, tpu.core_type = #tpu.core_type<sc_vector_subcore>, window_params = [{transform_indices = #map}, {transform_indices = #map}, {transform_indices = #map1}, {transform_indices = #map1}, {transform_indices = #map}, {transform_indices = #map}]} {
    %eq3A = arith.constant 0 : i32
    %eq3A_0 = arith.cmpi eq, %arg0, %eq3A : i32
    %convert_element_type3A = arith.extui %eq3A_0 : i1 to i32
    %cond3A = arith.constant 0 : i32
    %cond3A_1 = arith.cmpi ne, %convert_element_type3A, %cond3A : i32
    scf.if %cond3A_1 {
      %mul3A = arith.constant 640 : i32
      %mul3A_7 = arith.muli %arg1, %mul3A : i32
      %mul3A_8 = arith.constant 640 : i32
      %mul3A_9 = arith.muli %arg1, %mul3A_8 : i32
      "tpu.region"() ({
        %run_scoped3A = tpu.sem_alloc : memref<!tpu.dma_semaphore, #tpu.memory_space<semaphore_mem>>
        %dma_start3A = arith.constant 0 : i32
        %dma_start3A_20 = tpu.memref_slice %arg12[%mul3A_9, %dma_start3A] : memref<10240x128xf32, #tpu.memory_space<vmem_shared>> -> memref<640x128xf32, #tpu.memory_space<vmem_shared>>
        %dma_start3A_21 = arith.constant 0 : i32
        %dma_start3A_22 = tpu.memref_slice %arg2[%mul3A_7, %dma_start3A_21] : memref<10240x128xf32, #tpu.memory_space<hbm>> -> memref<640x128xf32, #tpu.memory_space<hbm>>
        tpu.enqueue_dma source(%dma_start3A_22 : memref<640x128xf32, #tpu.memory_space<hbm>>) target(%dma_start3A_20 : memref<640x128xf32, #tpu.memory_space<vmem_shared>>) target_semaphore(%run_scoped3A : memref<!tpu.dma_semaphore, #tpu.memory_space<semaphore_mem>>)
        %dma_wait3A = arith.constant 0 : i32
        %dma_wait3A_23 = tpu.memref_slice %arg12[%mul3A_9, %dma_wait3A] : memref<10240x128xf32, #tpu.memory_space<vmem_shared>> -> memref<640x128xf32, #tpu.memory_space<vmem_shared>>
        %dma_wait3A_24 = arith.constant 0 : i32
        %dma_wait3A_25 = tpu.memref_slice %arg2[%mul3A_7, %dma_wait3A_24] : memref<10240x128xf32, #tpu.memory_space<hbm>> -> memref<640x128xf32, #tpu.memory_space<hbm>>
        tpu.wait_dma2 semaphore(%run_scoped3A : memref<!tpu.dma_semaphore, #tpu.memory_space<semaphore_mem>>) src(%dma_wait3A_25 : memref<640x128xf32, #tpu.memory_space<hbm>>) dst(%dma_wait3A_23 : memref<640x128xf32, #tpu.memory_space<vmem_shared>>)
        tpu.yield
      }) : () -> ()
      %barrier3A = arith.constant 0 : index
      tpu.barrier barrier_id(%barrier3A)
      %scan3A = arith.constant 0 : i32
      %scan3A_10 = arith.constant 0 : i32
      %scan3A_11 = arith.constant 320 : i32
      %scan3A_12 = arith.addi %scan3A_10, %scan3A_11 : i32
      %scan3A_13 = arith.constant 1 : i32
      scf.for %scan3A_20 = %scan3A_10 to %scan3A_12 step %scan3A_13  : i32 {
        %mul3A_21 = arith.constant 40960 : i32
        %mul3A_22 = arith.muli %arg1, %mul3A_21 : i32
        %mul3A_23 = arith.constant 128 : i32
        %mul3A_24 = arith.muli %scan3A_20, %mul3A_23 : i32
        %add3A = arith.addi %mul3A_22, %mul3A_24 : i32
        "tpu.region"() ({
          %run_scoped3A = tpu.sem_alloc : memref<!tpu.dma_semaphore, #tpu.memory_space<semaphore_mem>>
          %dma_start3A_29 = tpu.memref_slice %arg4[%add3A] : memref<655360xi32, #tpu.memory_space<hbm>> -> memref<128xi32, #tpu.memory_space<hbm>>
          %dma_start3A_30 = tpu.memref_slice %arg4[%add3A] : memref<655360xi32, #tpu.memory_space<hbm>> -> memref<128xi32, #tpu.memory_space<hbm>>
          tpu.enqueue_dma source(%dma_start3A_30 : memref<128xi32, #tpu.memory_space<hbm>>) target(%arg8 : memref<128xi32, #tpu.memory_space<vmem>>) target_semaphore(%run_scoped3A : memref<!tpu.dma_semaphore, #tpu.memory_space<semaphore_mem>>)
          %dma_wait3A_31 = tpu.memref_slice %arg4[%add3A] : memref<655360xi32, #tpu.memory_space<hbm>> -> memref<128xi32, #tpu.memory_space<hbm>>
          %dma_wait3A_32 = tpu.memref_slice %arg4[%add3A] : memref<655360xi32, #tpu.memory_space<hbm>> -> memref<128xi32, #tpu.memory_space<hbm>>
          tpu.wait_dma2 semaphore(%run_scoped3A : memref<!tpu.dma_semaphore, #tpu.memory_space<semaphore_mem>>) src(%dma_wait3A_32 : memref<128xi32, #tpu.memory_space<hbm>>) dst(%arg8 : memref<128xi32, #tpu.memory_space<vmem>>)
          tpu.yield
        }) : () -> ()
        "tpu.region"() ({
          %run_scoped3A = tpu.sem_alloc : memref<!tpu.dma_semaphore, #tpu.memory_space<semaphore_mem>>
          %dma_start3A_29 = tpu.memref_slice %arg5[%add3A] : memref<655360xi32, #tpu.memory_space<hbm>> -> memref<128xi32, #tpu.memory_space<hbm>>
          %dma_start3A_30 = tpu.memref_slice %arg5[%add3A] : memref<655360xi32, #tpu.memory_space<hbm>> -> memref<128xi32, #tpu.memory_space<hbm>>
          tpu.enqueue_dma source(%dma_start3A_30 : memref<128xi32, #tpu.memory_space<hbm>>) target(%arg9 : memref<128xi32, #tpu.memory_space<vmem>>) target_semaphore(%run_scoped3A : memref<!tpu.dma_semaphore, #tpu.memory_space<semaphore_mem>>)
          %dma_wait3A_31 = tpu.memref_slice %arg5[%add3A] : memref<655360xi32, #tpu.memory_space<hbm>> -> memref<128xi32, #tpu.memory_space<hbm>>
          %dma_wait3A_32 = tpu.memref_slice %arg5[%add3A] : memref<655360xi32, #tpu.memory_space<hbm>> -> memref<128xi32, #tpu.memory_space<hbm>>
          tpu.wait_dma2 semaphore(%run_scoped3A : memref<!tpu.dma_semaphore, #tpu.memory_space<semaphore_mem>>) src(%dma_wait3A_32 : memref<128xi32, #tpu.memory_space<hbm>>) dst(%arg9 : memref<128xi32, #tpu.memory_space<vmem>>)
          tpu.yield
        }) : () -> ()
        %dma_start3A = arith.constant 0 : i32
        %dma_start3A_25 = arith.constant 0 : i32
        %dma_start3A_26 = tpu.memref_slice %arg2[%dma_start3A, %dma_start3A_25] : memref<10240x128xf32, #tpu.memory_space<hbm>> -> memref<10240x128xf32, #tpu.memory_space<hbm>>
        tpu.enqueue_indirect_dma source(%dma_start3A_26 : memref<10240x128xf32, #tpu.memory_space<hbm>>) target(%arg10 : memref<128x128xf32, #tpu.memory_space<vmem>>) offsets(%arg8 : memref<128xi32, #tpu.memory_space<vmem>>) semaphore(%arg11 : memref<!tpu.dma_semaphore, #tpu.memory_space<semaphore_mem>>)
        %dma_wait3A = arith.constant 0 : i32
        %dma_wait3A_27 = arith.constant 0 : i32
        %dma_wait3A_28 = tpu.memref_slice %arg2[%dma_wait3A, %dma_wait3A_27] : memref<10240x128xf32, #tpu.memory_space<hbm>> -> memref<10240x128xf32, #tpu.memory_space<hbm>>
        tpu.wait_indirect_dma semaphore(%arg11 : memref<!tpu.dma_semaphore, #tpu.memory_space<semaphore_mem>>) src(%dma_wait3A_28 : memref<10240x128xf32, #tpu.memory_space<hbm>>) dst(%arg10 : memref<128x128xf32, #tpu.memory_space<vmem>>)
        "tpu.region"() ({
          %run_scoped3A = tpu.sem_alloc : memref<!tpu.dma_semaphore, #tpu.memory_space<semaphore_mem>>
          %dma_start3A_29 = arith.constant 0 : i32
          %dma_start3A_30 = arith.constant 0 : i32
          %dma_start3A_31 = tpu.memref_slice %arg12[%dma_start3A_29, %dma_start3A_30] : memref<10240x128xf32, #tpu.memory_space<vmem_shared>> -> memref<10240x128xf32, #tpu.memory_space<vmem_shared>>
          tpu.enqueue_indirect_dma source(%arg10 : memref<128x128xf32, #tpu.memory_space<vmem>>) target(%dma_start3A_31 : memref<10240x128xf32, #tpu.memory_space<vmem_shared>>) offsets(%arg9 : memref<128xi32, #tpu.memory_space<vmem>>) semaphore(%run_scoped3A : memref<!tpu.dma_semaphore, #tpu.memory_space<semaphore_mem>>) {add = true}
          %dma_wait3A_32 = arith.constant 0 : i32
          %dma_wait3A_33 = arith.constant 0 : i32
          %dma_wait3A_34 = tpu.memref_slice %arg12[%dma_wait3A_32, %dma_wait3A_33] : memref<10240x128xf32, #tpu.memory_space<vmem_shared>> -> memref<10240x128xf32, #tpu.memory_space<vmem_shared>>
          tpu.wait_indirect_dma semaphore(%run_scoped3A : memref<!tpu.dma_semaphore, #tpu.memory_space<semaphore_mem>>) src(%arg10 : memref<128x128xf32, #tpu.memory_space<vmem>>) dst(%dma_wait3A_34 : memref<10240x128xf32, #tpu.memory_space<vmem_shared>>)
          tpu.yield
        }) : () -> ()
      }
      %scan3A_14 = arith.constant 320 : i32
      %barrier3A_15 = arith.constant 0 : index
      tpu.barrier barrier_id(%barrier3A_15)
      %mul3A_16 = arith.constant 640 : i32
      %mul3A_17 = arith.muli %arg1, %mul3A_16 : i32
      %mul3A_18 = arith.constant 640 : i32
      %mul3A_19 = arith.muli %arg1, %mul3A_18 : i32
      "tpu.region"() ({
        %run_scoped3A = tpu.sem_alloc : memref<!tpu.dma_semaphore, #tpu.memory_space<semaphore_mem>>
        %dma_start3A = arith.constant 0 : i32
        %dma_start3A_20 = tpu.memref_slice %arg6[%mul3A_19, %dma_start3A] : memref<10240x128xf32, #tpu.memory_space<hbm>> -> memref<640x128xf32, #tpu.memory_space<hbm>>
        %dma_start3A_21 = arith.constant 0 : i32
        %dma_start3A_22 = tpu.memref_slice %arg12[%mul3A_17, %dma_start3A_21] : memref<10240x128xf32, #tpu.memory_space<vmem_shared>> -> memref<640x128xf32, #tpu.memory_space<vmem_shared>>
        tpu.enqueue_dma source(%dma_start3A_22 : memref<640x128xf32, #tpu.memory_space<vmem_shared>>) target(%dma_start3A_20 : memref<640x128xf32, #tpu.memory_space<hbm>>) target_semaphore(%run_scoped3A : memref<!tpu.dma_semaphore, #tpu.memory_space<semaphore_mem>>)
        %dma_wait3A = arith.constant 0 : i32
        %dma_wait3A_23 = tpu.memref_slice %arg6[%mul3A_19, %dma_wait3A] : memref<10240x128xf32, #tpu.memory_space<hbm>> -> memref<640x128xf32, #tpu.memory_space<hbm>>
        %dma_wait3A_24 = arith.constant 0 : i32
        %dma_wait3A_25 = tpu.memref_slice %arg12[%mul3A_17, %dma_wait3A_24] : memref<10240x128xf32, #tpu.memory_space<vmem_shared>> -> memref<640x128xf32, #tpu.memory_space<vmem_shared>>
        tpu.wait_dma2 semaphore(%run_scoped3A : memref<!tpu.dma_semaphore, #tpu.memory_space<semaphore_mem>>) src(%dma_wait3A_25 : memref<640x128xf32, #tpu.memory_space<vmem_shared>>) dst(%dma_wait3A_23 : memref<640x128xf32, #tpu.memory_space<hbm>>)
        tpu.yield
      }) : () -> ()
    } else {
    }
    %eq3A_2 = arith.constant 1 : i32
    %eq3A_3 = arith.cmpi eq, %arg0, %eq3A_2 : i32
    %convert_element_type3A_4 = arith.extui %eq3A_3 : i1 to i32
    %cond3A_5 = arith.constant 0 : i32
    %cond3A_6 = arith.cmpi ne, %convert_element_type3A_4, %cond3A_5 : i32
    scf.if %cond3A_6 {
      %mul3A = arith.constant 640 : i32
      %mul3A_7 = arith.muli %arg1, %mul3A : i32
      %mul3A_8 = arith.constant 640 : i32
      %mul3A_9 = arith.muli %arg1, %mul3A_8 : i32
      "tpu.region"() ({
        %run_scoped3A = tpu.sem_alloc : memref<!tpu.dma_semaphore, #tpu.memory_space<semaphore_mem>>
        %dma_start3A = arith.constant 0 : i32
        %dma_start3A_20 = tpu.memref_slice %arg12[%mul3A_9, %dma_start3A] : memref<10240x128xf32, #tpu.memory_space<vmem_shared>> -> memref<640x128xf32, #tpu.memory_space<vmem_shared>>
        %dma_start3A_21 = arith.constant 0 : i32
        %dma_start3A_22 = tpu.memref_slice %arg3[%mul3A_7, %dma_start3A_21] : memref<10240x128xf32, #tpu.memory_space<hbm>> -> memref<640x128xf32, #tpu.memory_space<hbm>>
        tpu.enqueue_dma source(%dma_start3A_22 : memref<640x128xf32, #tpu.memory_space<hbm>>) target(%dma_start3A_20 : memref<640x128xf32, #tpu.memory_space<vmem_shared>>) target_semaphore(%run_scoped3A : memref<!tpu.dma_semaphore, #tpu.memory_space<semaphore_mem>>)
        %dma_wait3A = arith.constant 0 : i32
        %dma_wait3A_23 = tpu.memref_slice %arg12[%mul3A_9, %dma_wait3A] : memref<10240x128xf32, #tpu.memory_space<vmem_shared>> -> memref<640x128xf32, #tpu.memory_space<vmem_shared>>
        %dma_wait3A_24 = arith.constant 0 : i32
        %dma_wait3A_25 = tpu.memref_slice %arg3[%mul3A_7, %dma_wait3A_24] : memref<10240x128xf32, #tpu.memory_space<hbm>> -> memref<640x128xf32, #tpu.memory_space<hbm>>
        tpu.wait_dma2 semaphore(%run_scoped3A : memref<!tpu.dma_semaphore, #tpu.memory_space<semaphore_mem>>) src(%dma_wait3A_25 : memref<640x128xf32, #tpu.memory_space<hbm>>) dst(%dma_wait3A_23 : memref<640x128xf32, #tpu.memory_space<vmem_shared>>)
        tpu.yield
      }) : () -> ()
      %barrier3A = arith.constant 0 : index
      tpu.barrier barrier_id(%barrier3A)
      %scan3A = arith.constant 0 : i32
      %scan3A_10 = arith.constant 0 : i32
      %scan3A_11 = arith.constant 320 : i32
      %scan3A_12 = arith.addi %scan3A_10, %scan3A_11 : i32
      %scan3A_13 = arith.constant 1 : i32
      scf.for %scan3A_20 = %scan3A_10 to %scan3A_12 step %scan3A_13  : i32 {
        %mul3A_21 = arith.constant 40960 : i32
        %mul3A_22 = arith.muli %arg1, %mul3A_21 : i32
        %mul3A_23 = arith.constant 128 : i32
        %mul3A_24 = arith.muli %scan3A_20, %mul3A_23 : i32
        %add3A = arith.addi %mul3A_22, %mul3A_24 : i32
        "tpu.region"() ({
          %run_scoped3A = tpu.sem_alloc : memref<!tpu.dma_semaphore, #tpu.memory_space<semaphore_mem>>
          %dma_start3A_29 = tpu.memref_slice %arg4[%add3A] : memref<655360xi32, #tpu.memory_space<hbm>> -> memref<128xi32, #tpu.memory_space<hbm>>
          %dma_start3A_30 = tpu.memref_slice %arg4[%add3A] : memref<655360xi32, #tpu.memory_space<hbm>> -> memref<128xi32, #tpu.memory_space<hbm>>
          tpu.enqueue_dma source(%dma_start3A_30 : memref<128xi32, #tpu.memory_space<hbm>>) target(%arg8 : memref<128xi32, #tpu.memory_space<vmem>>) target_semaphore(%run_scoped3A : memref<!tpu.dma_semaphore, #tpu.memory_space<semaphore_mem>>)
          %dma_wait3A_31 = tpu.memref_slice %arg4[%add3A] : memref<655360xi32, #tpu.memory_space<hbm>> -> memref<128xi32, #tpu.memory_space<hbm>>
          %dma_wait3A_32 = tpu.memref_slice %arg4[%add3A] : memref<655360xi32, #tpu.memory_space<hbm>> -> memref<128xi32, #tpu.memory_space<hbm>>
          tpu.wait_dma2 semaphore(%run_scoped3A : memref<!tpu.dma_semaphore, #tpu.memory_space<semaphore_mem>>) src(%dma_wait3A_32 : memref<128xi32, #tpu.memory_space<hbm>>) dst(%arg8 : memref<128xi32, #tpu.memory_space<vmem>>)
          tpu.yield
        }) : () -> ()
        "tpu.region"() ({
          %run_scoped3A = tpu.sem_alloc : memref<!tpu.dma_semaphore, #tpu.memory_space<semaphore_mem>>
          %dma_start3A_29 = tpu.memref_slice %arg5[%add3A] : memref<655360xi32, #tpu.memory_space<hbm>> -> memref<128xi32, #tpu.memory_space<hbm>>
          %dma_start3A_30 = tpu.memref_slice %arg5[%add3A] : memref<655360xi32, #tpu.memory_space<hbm>> -> memref<128xi32, #tpu.memory_space<hbm>>
          tpu.enqueue_dma source(%dma_start3A_30 : memref<128xi32, #tpu.memory_space<hbm>>) target(%arg9 : memref<128xi32, #tpu.memory_space<vmem>>) target_semaphore(%run_scoped3A : memref<!tpu.dma_semaphore, #tpu.memory_space<semaphore_mem>>)
          %dma_wait3A_31 = tpu.memref_slice %arg5[%add3A] : memref<655360xi32, #tpu.memory_space<hbm>> -> memref<128xi32, #tpu.memory_space<hbm>>
          %dma_wait3A_32 = tpu.memref_slice %arg5[%add3A] : memref<655360xi32, #tpu.memory_space<hbm>> -> memref<128xi32, #tpu.memory_space<hbm>>
          tpu.wait_dma2 semaphore(%run_scoped3A : memref<!tpu.dma_semaphore, #tpu.memory_space<semaphore_mem>>) src(%dma_wait3A_32 : memref<128xi32, #tpu.memory_space<hbm>>) dst(%arg9 : memref<128xi32, #tpu.memory_space<vmem>>)
          tpu.yield
        }) : () -> ()
        %dma_start3A = arith.constant 0 : i32
        %dma_start3A_25 = arith.constant 0 : i32
        %dma_start3A_26 = tpu.memref_slice %arg3[%dma_start3A, %dma_start3A_25] : memref<10240x128xf32, #tpu.memory_space<hbm>> -> memref<10240x128xf32, #tpu.memory_space<hbm>>
        tpu.enqueue_indirect_dma source(%dma_start3A_26 : memref<10240x128xf32, #tpu.memory_space<hbm>>) target(%arg10 : memref<128x128xf32, #tpu.memory_space<vmem>>) offsets(%arg8 : memref<128xi32, #tpu.memory_space<vmem>>) semaphore(%arg11 : memref<!tpu.dma_semaphore, #tpu.memory_space<semaphore_mem>>)
        %dma_wait3A = arith.constant 0 : i32
        %dma_wait3A_27 = arith.constant 0 : i32
        %dma_wait3A_28 = tpu.memref_slice %arg3[%dma_wait3A, %dma_wait3A_27] : memref<10240x128xf32, #tpu.memory_space<hbm>> -> memref<10240x128xf32, #tpu.memory_space<hbm>>
        tpu.wait_indirect_dma semaphore(%arg11 : memref<!tpu.dma_semaphore, #tpu.memory_space<semaphore_mem>>) src(%dma_wait3A_28 : memref<10240x128xf32, #tpu.memory_space<hbm>>) dst(%arg10 : memref<128x128xf32, #tpu.memory_space<vmem>>)
        "tpu.region"() ({
          %run_scoped3A = tpu.sem_alloc : memref<!tpu.dma_semaphore, #tpu.memory_space<semaphore_mem>>
          %dma_start3A_29 = arith.constant 0 : i32
          %dma_start3A_30 = arith.constant 0 : i32
          %dma_start3A_31 = tpu.memref_slice %arg12[%dma_start3A_29, %dma_start3A_30] : memref<10240x128xf32, #tpu.memory_space<vmem_shared>> -> memref<10240x128xf32, #tpu.memory_space<vmem_shared>>
          tpu.enqueue_indirect_dma source(%arg10 : memref<128x128xf32, #tpu.memory_space<vmem>>) target(%dma_start3A_31 : memref<10240x128xf32, #tpu.memory_space<vmem_shared>>) offsets(%arg9 : memref<128xi32, #tpu.memory_space<vmem>>) semaphore(%run_scoped3A : memref<!tpu.dma_semaphore, #tpu.memory_space<semaphore_mem>>) {add = true}
          %dma_wait3A_32 = arith.constant 0 : i32
          %dma_wait3A_33 = arith.constant 0 : i32
          %dma_wait3A_34 = tpu.memref_slice %arg12[%dma_wait3A_32, %dma_wait3A_33] : memref<10240x128xf32, #tpu.memory_space<vmem_shared>> -> memref<10240x128xf32, #tpu.memory_space<vmem_shared>>
          tpu.wait_indirect_dma semaphore(%run_scoped3A : memref<!tpu.dma_semaphore, #tpu.memory_space<semaphore_mem>>) src(%arg10 : memref<128x128xf32, #tpu.memory_space<vmem>>) dst(%dma_wait3A_34 : memref<10240x128xf32, #tpu.memory_space<vmem_shared>>)
          tpu.yield
        }) : () -> ()
      }
      %scan3A_14 = arith.constant 320 : i32
      %barrier3A_15 = arith.constant 0 : index
      tpu.barrier barrier_id(%barrier3A_15)
      %mul3A_16 = arith.constant 640 : i32
      %mul3A_17 = arith.muli %arg1, %mul3A_16 : i32
      %mul3A_18 = arith.constant 640 : i32
      %mul3A_19 = arith.muli %arg1, %mul3A_18 : i32
      "tpu.region"() ({
        %run_scoped3A = tpu.sem_alloc : memref<!tpu.dma_semaphore, #tpu.memory_space<semaphore_mem>>
        %dma_start3A = arith.constant 0 : i32
        %dma_start3A_20 = tpu.memref_slice %arg7[%mul3A_19, %dma_start3A] : memref<10240x128xf32, #tpu.memory_space<hbm>> -> memref<640x128xf32, #tpu.memory_space<hbm>>
        %dma_start3A_21 = arith.constant 0 : i32
        %dma_start3A_22 = tpu.memref_slice %arg12[%mul3A_17, %dma_start3A_21] : memref<10240x128xf32, #tpu.memory_space<vmem_shared>> -> memref<640x128xf32, #tpu.memory_space<vmem_shared>>
        tpu.enqueue_dma source(%dma_start3A_22 : memref<640x128xf32, #tpu.memory_space<vmem_shared>>) target(%dma_start3A_20 : memref<640x128xf32, #tpu.memory_space<hbm>>) target_semaphore(%run_scoped3A : memref<!tpu.dma_semaphore, #tpu.memory_space<semaphore_mem>>)
        %dma_wait3A = arith.constant 0 : i32
        %dma_wait3A_23 = tpu.memref_slice %arg7[%mul3A_19, %dma_wait3A] : memref<10240x128xf32, #tpu.memory_space<hbm>> -> memref<640x128xf32, #tpu.memory_space<hbm>>
        %dma_wait3A_24 = arith.constant 0 : i32
        %dma_wait3A_25 = tpu.memref_slice %arg12[%mul3A_17, %dma_wait3A_24] : memref<10240x128xf32, #tpu.memory_space<vmem_shared>> -> memref<640x128xf32, #tpu.memory_space<vmem_shared>>
        tpu.wait_dma2 semaphore(%run_scoped3A : memref<!tpu.dma_semaphore, #tpu.memory_space<semaphore_mem>>) src(%dma_wait3A_25 : memref<640x128xf32, #tpu.memory_space<vmem_shared>>) dst(%dma_wait3A_23 : memref<640x128xf32, #tpu.memory_space<hbm>>)
        tpu.yield
      }) : () -> ()
    } else {
    }
    return
  }
}

#map = affine_map<(d0, d1) -> (0, 0)>
#map1 = affine_map<(d0, d1) -> (0)>
module attributes {stable_mosaic.version = 14 : i64} {
  func.func @_agg_body(%arg0: i32, %arg1: i32, %arg2: memref<10240x128xf32, #tpu.memory_space<hbm>>, %arg3: memref<10240x128xf32, #tpu.memory_space<hbm>>, %arg4: memref<655360xi32, #tpu.memory_space<hbm>>, %arg5: memref<655360xi32, #tpu.memory_space<hbm>>, %arg6: memref<10240x128xf32, #tpu.memory_space<hbm>>, %arg7: memref<10240x128xf32, #tpu.memory_space<hbm>>, %arg8: memref<128xi32, #tpu.memory_space<vmem>>, %arg9: memref<128xi32, #tpu.memory_space<vmem>>, %arg10: memref<128x128xf32, #tpu.memory_space<vmem>>, %arg11: memref<!tpu.dma_semaphore, #tpu.memory_space<semaphore_mem>>, %arg12: memref<10240x128xf32, #tpu.memory_space<vmem_shared>>) attributes {dimension_semantics = [#tpu.dimension_semantics<core_parallel>, #tpu.dimension_semantics<subcore_parallel>], iteration_bounds = array<i64: 2, 16>, scalar_prefetch = 0 : i64, scratch_operands = 5 : i64, tpu.core_type = #tpu.core_type<sc_vector_subcore>, window_params = [{transform_indices = #map}, {transform_indices = #map}, {transform_indices = #map1}, {transform_indices = #map1}, {transform_indices = #map}, {transform_indices = #map}]} {
    %eq3A = arith.constant 0 : i32
    %eq3A_0 = arith.cmpi eq, %arg0, %eq3A : i32
    %convert_element_type3A = arith.extui %eq3A_0 : i1 to i32
    %cond3A = arith.constant 0 : i32
    %cond3A_1 = arith.cmpi ne, %convert_element_type3A, %cond3A : i32
    scf.if %cond3A_1 {
      %mul3A = arith.constant 640 : i32
      %mul3A_7 = arith.muli %arg1, %mul3A : i32
      %mul3A_8 = arith.constant 640 : i32
      %mul3A_9 = arith.muli %arg1, %mul3A_8 : i32
      "tpu.region"() ({
        %run_scoped3A = tpu.sem_alloc : memref<!tpu.dma_semaphore, #tpu.memory_space<semaphore_mem>>
        %dma_start3A = arith.constant 0 : i32
        %dma_start3A_20 = tpu.memref_slice %arg12[%mul3A_9, %dma_start3A] : memref<10240x128xf32, #tpu.memory_space<vmem_shared>> -> memref<640x128xf32, #tpu.memory_space<vmem_shared>>
        %dma_start3A_21 = arith.constant 0 : i32
        %dma_start3A_22 = tpu.memref_slice %arg2[%mul3A_7, %dma_start3A_21] : memref<10240x128xf32, #tpu.memory_space<hbm>> -> memref<640x128xf32, #tpu.memory_space<hbm>>
        tpu.enqueue_dma source(%dma_start3A_22 : memref<640x128xf32, #tpu.memory_space<hbm>>) target(%dma_start3A_20 : memref<640x128xf32, #tpu.memory_space<vmem_shared>>) target_semaphore(%run_scoped3A : memref<!tpu.dma_semaphore, #tpu.memory_space<semaphore_mem>>)
        %dma_wait3A = arith.constant 0 : i32
        %dma_wait3A_23 = tpu.memref_slice %arg12[%mul3A_9, %dma_wait3A] : memref<10240x128xf32, #tpu.memory_space<vmem_shared>> -> memref<640x128xf32, #tpu.memory_space<vmem_shared>>
        %dma_wait3A_24 = arith.constant 0 : i32
        %dma_wait3A_25 = tpu.memref_slice %arg2[%mul3A_7, %dma_wait3A_24] : memref<10240x128xf32, #tpu.memory_space<hbm>> -> memref<640x128xf32, #tpu.memory_space<hbm>>
        tpu.wait_dma2 semaphore(%run_scoped3A : memref<!tpu.dma_semaphore, #tpu.memory_space<semaphore_mem>>) src(%dma_wait3A_25 : memref<640x128xf32, #tpu.memory_space<hbm>>) dst(%dma_wait3A_23 : memref<640x128xf32, #tpu.memory_space<vmem_shared>>)
        tpu.yield
      }) : () -> ()
      %barrier3A = arith.constant 0 : index
      tpu.barrier barrier_id(%barrier3A)
      %scan3A = arith.constant 0 : i32
      %scan3A_10 = arith.constant 0 : i32
      %scan3A_11 = arith.constant 320 : i32
      %scan3A_12 = arith.addi %scan3A_10, %scan3A_11 : i32
      %scan3A_13 = arith.constant 1 : i32
      scf.for %scan3A_20 = %scan3A_10 to %scan3A_12 step %scan3A_13  : i32 {
        %mul3A_21 = arith.constant 40960 : i32
        %mul3A_22 = arith.muli %arg1, %mul3A_21 : i32
        %mul3A_23 = arith.constant 128 : i32
        %mul3A_24 = arith.muli %scan3A_20, %mul3A_23 : i32
        %add3A = arith.addi %mul3A_22, %mul3A_24 : i32
        "tpu.region"() ({
          %run_scoped3A = tpu.sem_alloc : memref<!tpu.dma_semaphore, #tpu.memory_space<semaphore_mem>>
          %dma_start3A_29 = tpu.memref_slice %arg4[%add3A] : memref<655360xi32, #tpu.memory_space<hbm>> -> memref<128xi32, #tpu.memory_space<hbm>>
          %dma_start3A_30 = tpu.memref_slice %arg4[%add3A] : memref<655360xi32, #tpu.memory_space<hbm>> -> memref<128xi32, #tpu.memory_space<hbm>>
          tpu.enqueue_dma source(%dma_start3A_30 : memref<128xi32, #tpu.memory_space<hbm>>) target(%arg8 : memref<128xi32, #tpu.memory_space<vmem>>) target_semaphore(%run_scoped3A : memref<!tpu.dma_semaphore, #tpu.memory_space<semaphore_mem>>)
          %dma_wait3A_31 = tpu.memref_slice %arg4[%add3A] : memref<655360xi32, #tpu.memory_space<hbm>> -> memref<128xi32, #tpu.memory_space<hbm>>
          %dma_wait3A_32 = tpu.memref_slice %arg4[%add3A] : memref<655360xi32, #tpu.memory_space<hbm>> -> memref<128xi32, #tpu.memory_space<hbm>>
          tpu.wait_dma2 semaphore(%run_scoped3A : memref<!tpu.dma_semaphore, #tpu.memory_space<semaphore_mem>>) src(%dma_wait3A_32 : memref<128xi32, #tpu.memory_space<hbm>>) dst(%arg8 : memref<128xi32, #tpu.memory_space<vmem>>)
          tpu.yield
        }) : () -> ()
        "tpu.region"() ({
          %run_scoped3A = tpu.sem_alloc : memref<!tpu.dma_semaphore, #tpu.memory_space<semaphore_mem>>
          %dma_start3A_29 = tpu.memref_slice %arg5[%add3A] : memref<655360xi32, #tpu.memory_space<hbm>> -> memref<128xi32, #tpu.memory_space<hbm>>
          %dma_start3A_30 = tpu.memref_slice %arg5[%add3A] : memref<655360xi32, #tpu.memory_space<hbm>> -> memref<128xi32, #tpu.memory_space<hbm>>
          tpu.enqueue_dma source(%dma_start3A_30 : memref<128xi32, #tpu.memory_space<hbm>>) target(%arg9 : memref<128xi32, #tpu.memory_space<vmem>>) target_semaphore(%run_scoped3A : memref<!tpu.dma_semaphore, #tpu.memory_space<semaphore_mem>>)
          %dma_wait3A_31 = tpu.memref_slice %arg5[%add3A] : memref<655360xi32, #tpu.memory_space<hbm>> -> memref<128xi32, #tpu.memory_space<hbm>>
          %dma_wait3A_32 = tpu.memref_slice %arg5[%add3A] : memref<655360xi32, #tpu.memory_space<hbm>> -> memref<128xi32, #tpu.memory_space<hbm>>
          tpu.wait_dma2 semaphore(%run_scoped3A : memref<!tpu.dma_semaphore, #tpu.memory_space<semaphore_mem>>) src(%dma_wait3A_32 : memref<128xi32, #tpu.memory_space<hbm>>) dst(%arg9 : memref<128xi32, #tpu.memory_space<vmem>>)
          tpu.yield
        }) : () -> ()
        %dma_start3A = arith.constant 0 : i32
        %dma_start3A_25 = arith.constant 0 : i32
        %dma_start3A_26 = tpu.memref_slice %arg2[%dma_start3A, %dma_start3A_25] : memref<10240x128xf32, #tpu.memory_space<hbm>> -> memref<10240x128xf32, #tpu.memory_space<hbm>>
        tpu.enqueue_indirect_dma source(%dma_start3A_26 : memref<10240x128xf32, #tpu.memory_space<hbm>>) target(%arg10 : memref<128x128xf32, #tpu.memory_space<vmem>>) offsets(%arg8 : memref<128xi32, #tpu.memory_space<vmem>>) semaphore(%arg11 : memref<!tpu.dma_semaphore, #tpu.memory_space<semaphore_mem>>)
        %dma_wait3A = arith.constant 0 : i32
        %dma_wait3A_27 = arith.constant 0 : i32
        %dma_wait3A_28 = tpu.memref_slice %arg2[%dma_wait3A, %dma_wait3A_27] : memref<10240x128xf32, #tpu.memory_space<hbm>> -> memref<10240x128xf32, #tpu.memory_space<hbm>>
        tpu.wait_indirect_dma semaphore(%arg11 : memref<!tpu.dma_semaphore, #tpu.memory_space<semaphore_mem>>) src(%dma_wait3A_28 : memref<10240x128xf32, #tpu.memory_space<hbm>>) dst(%arg10 : memref<128x128xf32, #tpu.memory_space<vmem>>)
        "tpu.region"() ({
          %run_scoped3A = tpu.sem_alloc : memref<!tpu.dma_semaphore, #tpu.memory_space<semaphore_mem>>
          %dma_start3A_29 = arith.constant 0 : i32
          %dma_start3A_30 = arith.constant 0 : i32
          %dma_start3A_31 = tpu.memref_slice %arg12[%dma_start3A_29, %dma_start3A_30] : memref<10240x128xf32, #tpu.memory_space<vmem_shared>> -> memref<10240x128xf32, #tpu.memory_space<vmem_shared>>
          tpu.enqueue_indirect_dma source(%arg10 : memref<128x128xf32, #tpu.memory_space<vmem>>) target(%dma_start3A_31 : memref<10240x128xf32, #tpu.memory_space<vmem_shared>>) offsets(%arg9 : memref<128xi32, #tpu.memory_space<vmem>>) semaphore(%run_scoped3A : memref<!tpu.dma_semaphore, #tpu.memory_space<semaphore_mem>>) {add = true}
          %dma_wait3A_32 = arith.constant 0 : i32
          %dma_wait3A_33 = arith.constant 0 : i32
          %dma_wait3A_34 = tpu.memref_slice %arg12[%dma_wait3A_32, %dma_wait3A_33] : memref<10240x128xf32, #tpu.memory_space<vmem_shared>> -> memref<10240x128xf32, #tpu.memory_space<vmem_shared>>
          tpu.wait_indirect_dma semaphore(%run_scoped3A : memref<!tpu.dma_semaphore, #tpu.memory_space<semaphore_mem>>) src(%arg10 : memref<128x128xf32, #tpu.memory_space<vmem>>) dst(%dma_wait3A_34 : memref<10240x128xf32, #tpu.memory_space<vmem_shared>>)
          tpu.yield
        }) : () -> ()
      }
      %scan3A_14 = arith.constant 320 : i32
      %barrier3A_15 = arith.constant 0 : index
      tpu.barrier barrier_id(%barrier3A_15)
      %mul3A_16 = arith.constant 640 : i32
      %mul3A_17 = arith.muli %arg1, %mul3A_16 : i32
      %mul3A_18 = arith.constant 640 : i32
      %mul3A_19 = arith.muli %arg1, %mul3A_18 : i32
      "tpu.region"() ({
        %run_scoped3A = tpu.sem_alloc : memref<!tpu.dma_semaphore, #tpu.memory_space<semaphore_mem>>
        %dma_start3A = arith.constant 0 : i32
        %dma_start3A_20 = tpu.memref_slice %arg6[%mul3A_19, %dma_start3A] : memref<10240x128xf32, #tpu.memory_space<hbm>> -> memref<640x128xf32, #tpu.memory_space<hbm>>
        %dma_start3A_21 = arith.constant 0 : i32
        %dma_start3A_22 = tpu.memref_slice %arg12[%mul3A_17, %dma_start3A_21] : memref<10240x128xf32, #tpu.memory_space<vmem_shared>> -> memref<640x128xf32, #tpu.memory_space<vmem_shared>>
        tpu.enqueue_dma source(%dma_start3A_22 : memref<640x128xf32, #tpu.memory_space<vmem_shared>>) target(%dma_start3A_20 : memref<640x128xf32, #tpu.memory_space<hbm>>) target_semaphore(%run_scoped3A : memref<!tpu.dma_semaphore, #tpu.memory_space<semaphore_mem>>)
        %dma_wait3A = arith.constant 0 : i32
        %dma_wait3A_23 = tpu.memref_slice %arg6[%mul3A_19, %dma_wait3A] : memref<10240x128xf32, #tpu.memory_space<hbm>> -> memref<640x128xf32, #tpu.memory_space<hbm>>
        %dma_wait3A_24 = arith.constant 0 : i32
        %dma_wait3A_25 = tpu.memref_slice %arg12[%mul3A_17, %dma_wait3A_24] : memref<10240x128xf32, #tpu.memory_space<vmem_shared>> -> memref<640x128xf32, #tpu.memory_space<vmem_shared>>
        tpu.wait_dma2 semaphore(%run_scoped3A : memref<!tpu.dma_semaphore, #tpu.memory_space<semaphore_mem>>) src(%dma_wait3A_25 : memref<640x128xf32, #tpu.memory_space<vmem_shared>>) dst(%dma_wait3A_23 : memref<640x128xf32, #tpu.memory_space<hbm>>)
        tpu.yield
      }) : () -> ()
    } else {
    }
    %eq3A_2 = arith.constant 1 : i32
    %eq3A_3 = arith.cmpi eq, %arg0, %eq3A_2 : i32
    %convert_element_type3A_4 = arith.extui %eq3A_3 : i1 to i32
    %cond3A_5 = arith.constant 0 : i32
    %cond3A_6 = arith.cmpi ne, %convert_element_type3A_4, %cond3A_5 : i32
    scf.if %cond3A_6 {
      %mul3A = arith.constant 640 : i32
      %mul3A_7 = arith.muli %arg1, %mul3A : i32
      %mul3A_8 = arith.constant 640 : i32
      %mul3A_9 = arith.muli %arg1, %mul3A_8 : i32
      "tpu.region"() ({
        %run_scoped3A = tpu.sem_alloc : memref<!tpu.dma_semaphore, #tpu.memory_space<semaphore_mem>>
        %dma_start3A = arith.constant 0 : i32
        %dma_start3A_20 = tpu.memref_slice %arg12[%mul3A_9, %dma_start3A] : memref<10240x128xf32, #tpu.memory_space<vmem_shared>> -> memref<640x128xf32, #tpu.memory_space<vmem_shared>>
        %dma_start3A_21 = arith.constant 0 : i32
        %dma_start3A_22 = tpu.memref_slice %arg3[%mul3A_7, %dma_start3A_21] : memref<10240x128xf32, #tpu.memory_space<hbm>> -> memref<640x128xf32, #tpu.memory_space<hbm>>
        tpu.enqueue_dma source(%dma_start3A_22 : memref<640x128xf32, #tpu.memory_space<hbm>>) target(%dma_start3A_20 : memref<640x128xf32, #tpu.memory_space<vmem_shared>>) target_semaphore(%run_scoped3A : memref<!tpu.dma_semaphore, #tpu.memory_space<semaphore_mem>>)
        %dma_wait3A = arith.constant 0 : i32
        %dma_wait3A_23 = tpu.memref_slice %arg12[%mul3A_9, %dma_wait3A] : memref<10240x128xf32, #tpu.memory_space<vmem_shared>> -> memref<640x128xf32, #tpu.memory_space<vmem_shared>>
        %dma_wait3A_24 = arith.constant 0 : i32
        %dma_wait3A_25 = tpu.memref_slice %arg3[%mul3A_7, %dma_wait3A_24] : memref<10240x128xf32, #tpu.memory_space<hbm>> -> memref<640x128xf32, #tpu.memory_space<hbm>>
        tpu.wait_dma2 semaphore(%run_scoped3A : memref<!tpu.dma_semaphore, #tpu.memory_space<semaphore_mem>>) src(%dma_wait3A_25 : memref<640x128xf32, #tpu.memory_space<hbm>>) dst(%dma_wait3A_23 : memref<640x128xf32, #tpu.memory_space<vmem_shared>>)
        tpu.yield
      }) : () -> ()
      %barrier3A = arith.constant 0 : index
      tpu.barrier barrier_id(%barrier3A)
      %scan3A = arith.constant 0 : i32
      %scan3A_10 = arith.constant 0 : i32
      %scan3A_11 = arith.constant 320 : i32
      %scan3A_12 = arith.addi %scan3A_10, %scan3A_11 : i32
      %scan3A_13 = arith.constant 1 : i32
      scf.for %scan3A_20 = %scan3A_10 to %scan3A_12 step %scan3A_13  : i32 {
        %mul3A_21 = arith.constant 40960 : i32
        %mul3A_22 = arith.muli %arg1, %mul3A_21 : i32
        %mul3A_23 = arith.constant 128 : i32
        %mul3A_24 = arith.muli %scan3A_20, %mul3A_23 : i32
        %add3A = arith.addi %mul3A_22, %mul3A_24 : i32
        "tpu.region"() ({
          %run_scoped3A = tpu.sem_alloc : memref<!tpu.dma_semaphore, #tpu.memory_space<semaphore_mem>>
          %dma_start3A_29 = tpu.memref_slice %arg4[%add3A] : memref<655360xi32, #tpu.memory_space<hbm>> -> memref<128xi32, #tpu.memory_space<hbm>>
          %dma_start3A_30 = tpu.memref_slice %arg4[%add3A] : memref<655360xi32, #tpu.memory_space<hbm>> -> memref<128xi32, #tpu.memory_space<hbm>>
          tpu.enqueue_dma source(%dma_start3A_30 : memref<128xi32, #tpu.memory_space<hbm>>) target(%arg8 : memref<128xi32, #tpu.memory_space<vmem>>) target_semaphore(%run_scoped3A : memref<!tpu.dma_semaphore, #tpu.memory_space<semaphore_mem>>)
          %dma_wait3A_31 = tpu.memref_slice %arg4[%add3A] : memref<655360xi32, #tpu.memory_space<hbm>> -> memref<128xi32, #tpu.memory_space<hbm>>
          %dma_wait3A_32 = tpu.memref_slice %arg4[%add3A] : memref<655360xi32, #tpu.memory_space<hbm>> -> memref<128xi32, #tpu.memory_space<hbm>>
          tpu.wait_dma2 semaphore(%run_scoped3A : memref<!tpu.dma_semaphore, #tpu.memory_space<semaphore_mem>>) src(%dma_wait3A_32 : memref<128xi32, #tpu.memory_space<hbm>>) dst(%arg8 : memref<128xi32, #tpu.memory_space<vmem>>)
          tpu.yield
        }) : () -> ()
        "tpu.region"() ({
          %run_scoped3A = tpu.sem_alloc : memref<!tpu.dma_semaphore, #tpu.memory_space<semaphore_mem>>
          %dma_start3A_29 = tpu.memref_slice %arg5[%add3A] : memref<655360xi32, #tpu.memory_space<hbm>> -> memref<128xi32, #tpu.memory_space<hbm>>
          %dma_start3A_30 = tpu.memref_slice %arg5[%add3A] : memref<655360xi32, #tpu.memory_space<hbm>> -> memref<128xi32, #tpu.memory_space<hbm>>
          tpu.enqueue_dma source(%dma_start3A_30 : memref<128xi32, #tpu.memory_space<hbm>>) target(%arg9 : memref<128xi32, #tpu.memory_space<vmem>>) target_semaphore(%run_scoped3A : memref<!tpu.dma_semaphore, #tpu.memory_space<semaphore_mem>>)
          %dma_wait3A_31 = tpu.memref_slice %arg5[%add3A] : memref<655360xi32, #tpu.memory_space<hbm>> -> memref<128xi32, #tpu.memory_space<hbm>>
          %dma_wait3A_32 = tpu.memref_slice %arg5[%add3A] : memref<655360xi32, #tpu.memory_space<hbm>> -> memref<128xi32, #tpu.memory_space<hbm>>
          tpu.wait_dma2 semaphore(%run_scoped3A : memref<!tpu.dma_semaphore, #tpu.memory_space<semaphore_mem>>) src(%dma_wait3A_32 : memref<128xi32, #tpu.memory_space<hbm>>) dst(%arg9 : memref<128xi32, #tpu.memory_space<vmem>>)
          tpu.yield
        }) : () -> ()
        %dma_start3A = arith.constant 0 : i32
        %dma_start3A_25 = arith.constant 0 : i32
        %dma_start3A_26 = tpu.memref_slice %arg3[%dma_start3A, %dma_start3A_25] : memref<10240x128xf32, #tpu.memory_space<hbm>> -> memref<10240x128xf32, #tpu.memory_space<hbm>>
        tpu.enqueue_indirect_dma source(%dma_start3A_26 : memref<10240x128xf32, #tpu.memory_space<hbm>>) target(%arg10 : memref<128x128xf32, #tpu.memory_space<vmem>>) offsets(%arg8 : memref<128xi32, #tpu.memory_space<vmem>>) semaphore(%arg11 : memref<!tpu.dma_semaphore, #tpu.memory_space<semaphore_mem>>)
        %dma_wait3A = arith.constant 0 : i32
        %dma_wait3A_27 = arith.constant 0 : i32
        %dma_wait3A_28 = tpu.memref_slice %arg3[%dma_wait3A, %dma_wait3A_27] : memref<10240x128xf32, #tpu.memory_space<hbm>> -> memref<10240x128xf32, #tpu.memory_space<hbm>>
        tpu.wait_indirect_dma semaphore(%arg11 : memref<!tpu.dma_semaphore, #tpu.memory_space<semaphore_mem>>) src(%dma_wait3A_28 : memref<10240x128xf32, #tpu.memory_space<hbm>>) dst(%arg10 : memref<128x128xf32, #tpu.memory_space<vmem>>)
        "tpu.region"() ({
          %run_scoped3A = tpu.sem_alloc : memref<!tpu.dma_semaphore, #tpu.memory_space<semaphore_mem>>
          %dma_start3A_29 = arith.constant 0 : i32
          %dma_start3A_30 = arith.constant 0 : i32
          %dma_start3A_31 = tpu.memref_slice %arg12[%dma_start3A_29, %dma_start3A_30] : memref<10240x128xf32, #tpu.memory_space<vmem_shared>> -> memref<10240x128xf32, #tpu.memory_space<vmem_shared>>
          tpu.enqueue_indirect_dma source(%arg10 : memref<128x128xf32, #tpu.memory_space<vmem>>) target(%dma_start3A_31 : memref<10240x128xf32, #tpu.memory_space<vmem_shared>>) offsets(%arg9 : memref<128xi32, #tpu.memory_space<vmem>>) semaphore(%run_scoped3A : memref<!tpu.dma_semaphore, #tpu.memory_space<semaphore_mem>>) {add = true}
          %dma_wait3A_32 = arith.constant 0 : i32
          %dma_wait3A_33 = arith.constant 0 : i32
          %dma_wait3A_34 = tpu.memref_slice %arg12[%dma_wait3A_32, %dma_wait3A_33] : memref<10240x128xf32, #tpu.memory_space<vmem_shared>> -> memref<10240x128xf32, #tpu.memory_space<vmem_shared>>
          tpu.wait_indirect_dma semaphore(%run_scoped3A : memref<!tpu.dma_semaphore, #tpu.memory_space<semaphore_mem>>) src(%arg10 : memref<128x128xf32, #tpu.memory_space<vmem>>) dst(%dma_wait3A_34 : memref<10240x128xf32, #tpu.memory_space<vmem_shared>>)
          tpu.yield
        }) : () -> ()
      }
      %scan3A_14 = arith.constant 320 : i32
      %barrier3A_15 = arith.constant 0 : index
      tpu.barrier barrier_id(%barrier3A_15)
      %mul3A_16 = arith.constant 640 : i32
      %mul3A_17 = arith.muli %arg1, %mul3A_16 : i32
      %mul3A_18 = arith.constant 640 : i32
      %mul3A_19 = arith.muli %arg1, %mul3A_18 : i32
      "tpu.region"() ({
        %run_scoped3A = tpu.sem_alloc : memref<!tpu.dma_semaphore, #tpu.memory_space<semaphore_mem>>
        %dma_start3A = arith.constant 0 : i32
        %dma_start3A_20 = tpu.memref_slice %arg7[%mul3A_19, %dma_start3A] : memref<10240x128xf32, #tpu.memory_space<hbm>> -> memref<640x128xf32, #tpu.memory_space<hbm>>
        %dma_start3A_21 = arith.constant 0 : i32
        %dma_start3A_22 = tpu.memref_slice %arg12[%mul3A_17, %dma_start3A_21] : memref<10240x128xf32, #tpu.memory_space<vmem_shared>> -> memref<640x128xf32, #tpu.memory_space<vmem_shared>>
        tpu.enqueue_dma source(%dma_start3A_22 : memref<640x128xf32, #tpu.memory_space<vmem_shared>>) target(%dma_start3A_20 : memref<640x128xf32, #tpu.memory_space<hbm>>) target_semaphore(%run_scoped3A : memref<!tpu.dma_semaphore, #tpu.memory_space<semaphore_mem>>)
        %dma_wait3A = arith.constant 0 : i32
        %dma_wait3A_23 = tpu.memref_slice %arg7[%mul3A_19, %dma_wait3A] : memref<10240x128xf32, #tpu.memory_space<hbm>> -> memref<640x128xf32, #tpu.memory_space<hbm>>
        %dma_wait3A_24 = arith.constant 0 : i32
        %dma_wait3A_25 = tpu.memref_slice %arg12[%mul3A_17, %dma_wait3A_24] : memref<10240x128xf32, #tpu.memory_space<vmem_shared>> -> memref<640x128xf32, #tpu.memory_space<vmem_shared>>
        tpu.wait_dma2 semaphore(%run_scoped3A : memref<!tpu.dma_semaphore, #tpu.memory_space<semaphore_mem>>) src(%dma_wait3A_25 : memref<640x128xf32, #tpu.memory_space<vmem_shared>>) dst(%dma_wait3A_23 : memref<640x128xf32, #tpu.memory_space<hbm>>)
        tpu.yield
      }) : () -> ()
    } else {
    }
    return
  }
}

#map = affine_map<(d0, d1) -> (0, 0)>
#map1 = affine_map<(d0, d1) -> (0)>
module attributes {stable_mosaic.version = 14 : i64} {
  func.func @_agg_body(%arg0: i32, %arg1: i32, %arg2: memref<10240x128xf32, #tpu.memory_space<hbm>>, %arg3: memref<10240x128xf32, #tpu.memory_space<hbm>>, %arg4: memref<655360xi32, #tpu.memory_space<hbm>>, %arg5: memref<655360xi32, #tpu.memory_space<hbm>>, %arg6: memref<10240x128xf32, #tpu.memory_space<hbm>>, %arg7: memref<10240x128xf32, #tpu.memory_space<hbm>>, %arg8: memref<128xi32, #tpu.memory_space<vmem>>, %arg9: memref<128xi32, #tpu.memory_space<vmem>>, %arg10: memref<128x128xf32, #tpu.memory_space<vmem>>, %arg11: memref<!tpu.dma_semaphore, #tpu.memory_space<semaphore_mem>>, %arg12: memref<10240x128xf32, #tpu.memory_space<vmem_shared>>) attributes {dimension_semantics = [#tpu.dimension_semantics<core_parallel>, #tpu.dimension_semantics<subcore_parallel>], iteration_bounds = array<i64: 2, 16>, scalar_prefetch = 0 : i64, scratch_operands = 5 : i64, tpu.core_type = #tpu.core_type<sc_vector_subcore>, window_params = [{transform_indices = #map}, {transform_indices = #map}, {transform_indices = #map1}, {transform_indices = #map1}, {transform_indices = #map}, {transform_indices = #map}]} {
    %eq3A = arith.constant 0 : i32
    %eq3A_0 = arith.cmpi eq, %arg0, %eq3A : i32
    %convert_element_type3A = arith.extui %eq3A_0 : i1 to i32
    %cond3A = arith.constant 0 : i32
    %cond3A_1 = arith.cmpi ne, %convert_element_type3A, %cond3A : i32
    scf.if %cond3A_1 {
      %mul3A = arith.constant 640 : i32
      %mul3A_7 = arith.muli %arg1, %mul3A : i32
      %mul3A_8 = arith.constant 640 : i32
      %mul3A_9 = arith.muli %arg1, %mul3A_8 : i32
      "tpu.region"() ({
        %run_scoped3A = tpu.sem_alloc : memref<!tpu.dma_semaphore, #tpu.memory_space<semaphore_mem>>
        %dma_start3A = arith.constant 0 : i32
        %dma_start3A_20 = tpu.memref_slice %arg12[%mul3A_9, %dma_start3A] : memref<10240x128xf32, #tpu.memory_space<vmem_shared>> -> memref<640x128xf32, #tpu.memory_space<vmem_shared>>
        %dma_start3A_21 = arith.constant 0 : i32
        %dma_start3A_22 = tpu.memref_slice %arg2[%mul3A_7, %dma_start3A_21] : memref<10240x128xf32, #tpu.memory_space<hbm>> -> memref<640x128xf32, #tpu.memory_space<hbm>>
        tpu.enqueue_dma source(%dma_start3A_22 : memref<640x128xf32, #tpu.memory_space<hbm>>) target(%dma_start3A_20 : memref<640x128xf32, #tpu.memory_space<vmem_shared>>) target_semaphore(%run_scoped3A : memref<!tpu.dma_semaphore, #tpu.memory_space<semaphore_mem>>)
        %dma_wait3A = arith.constant 0 : i32
        %dma_wait3A_23 = tpu.memref_slice %arg12[%mul3A_9, %dma_wait3A] : memref<10240x128xf32, #tpu.memory_space<vmem_shared>> -> memref<640x128xf32, #tpu.memory_space<vmem_shared>>
        %dma_wait3A_24 = arith.constant 0 : i32
        %dma_wait3A_25 = tpu.memref_slice %arg2[%mul3A_7, %dma_wait3A_24] : memref<10240x128xf32, #tpu.memory_space<hbm>> -> memref<640x128xf32, #tpu.memory_space<hbm>>
        tpu.wait_dma2 semaphore(%run_scoped3A : memref<!tpu.dma_semaphore, #tpu.memory_space<semaphore_mem>>) src(%dma_wait3A_25 : memref<640x128xf32, #tpu.memory_space<hbm>>) dst(%dma_wait3A_23 : memref<640x128xf32, #tpu.memory_space<vmem_shared>>)
        tpu.yield
      }) : () -> ()
      %barrier3A = arith.constant 0 : index
      tpu.barrier barrier_id(%barrier3A)
      %scan3A = arith.constant 0 : i32
      %scan3A_10 = arith.constant 0 : i32
      %scan3A_11 = arith.constant 320 : i32
      %scan3A_12 = arith.addi %scan3A_10, %scan3A_11 : i32
      %scan3A_13 = arith.constant 1 : i32
      scf.for %scan3A_20 = %scan3A_10 to %scan3A_12 step %scan3A_13  : i32 {
        %mul3A_21 = arith.constant 40960 : i32
        %mul3A_22 = arith.muli %arg1, %mul3A_21 : i32
        %mul3A_23 = arith.constant 128 : i32
        %mul3A_24 = arith.muli %scan3A_20, %mul3A_23 : i32
        %add3A = arith.addi %mul3A_22, %mul3A_24 : i32
        "tpu.region"() ({
          %run_scoped3A = tpu.sem_alloc : memref<!tpu.dma_semaphore, #tpu.memory_space<semaphore_mem>>
          %dma_start3A_29 = tpu.memref_slice %arg4[%add3A] : memref<655360xi32, #tpu.memory_space<hbm>> -> memref<128xi32, #tpu.memory_space<hbm>>
          %dma_start3A_30 = tpu.memref_slice %arg4[%add3A] : memref<655360xi32, #tpu.memory_space<hbm>> -> memref<128xi32, #tpu.memory_space<hbm>>
          tpu.enqueue_dma source(%dma_start3A_30 : memref<128xi32, #tpu.memory_space<hbm>>) target(%arg8 : memref<128xi32, #tpu.memory_space<vmem>>) target_semaphore(%run_scoped3A : memref<!tpu.dma_semaphore, #tpu.memory_space<semaphore_mem>>)
          %dma_wait3A_31 = tpu.memref_slice %arg4[%add3A] : memref<655360xi32, #tpu.memory_space<hbm>> -> memref<128xi32, #tpu.memory_space<hbm>>
          %dma_wait3A_32 = tpu.memref_slice %arg4[%add3A] : memref<655360xi32, #tpu.memory_space<hbm>> -> memref<128xi32, #tpu.memory_space<hbm>>
          tpu.wait_dma2 semaphore(%run_scoped3A : memref<!tpu.dma_semaphore, #tpu.memory_space<semaphore_mem>>) src(%dma_wait3A_32 : memref<128xi32, #tpu.memory_space<hbm>>) dst(%arg8 : memref<128xi32, #tpu.memory_space<vmem>>)
          tpu.yield
        }) : () -> ()
        "tpu.region"() ({
          %run_scoped3A = tpu.sem_alloc : memref<!tpu.dma_semaphore, #tpu.memory_space<semaphore_mem>>
          %dma_start3A_29 = tpu.memref_slice %arg5[%add3A] : memref<655360xi32, #tpu.memory_space<hbm>> -> memref<128xi32, #tpu.memory_space<hbm>>
          %dma_start3A_30 = tpu.memref_slice %arg5[%add3A] : memref<655360xi32, #tpu.memory_space<hbm>> -> memref<128xi32, #tpu.memory_space<hbm>>
          tpu.enqueue_dma source(%dma_start3A_30 : memref<128xi32, #tpu.memory_space<hbm>>) target(%arg9 : memref<128xi32, #tpu.memory_space<vmem>>) target_semaphore(%run_scoped3A : memref<!tpu.dma_semaphore, #tpu.memory_space<semaphore_mem>>)
          %dma_wait3A_31 = tpu.memref_slice %arg5[%add3A] : memref<655360xi32, #tpu.memory_space<hbm>> -> memref<128xi32, #tpu.memory_space<hbm>>
          %dma_wait3A_32 = tpu.memref_slice %arg5[%add3A] : memref<655360xi32, #tpu.memory_space<hbm>> -> memref<128xi32, #tpu.memory_space<hbm>>
          tpu.wait_dma2 semaphore(%run_scoped3A : memref<!tpu.dma_semaphore, #tpu.memory_space<semaphore_mem>>) src(%dma_wait3A_32 : memref<128xi32, #tpu.memory_space<hbm>>) dst(%arg9 : memref<128xi32, #tpu.memory_space<vmem>>)
          tpu.yield
        }) : () -> ()
        %dma_start3A = arith.constant 0 : i32
        %dma_start3A_25 = arith.constant 0 : i32
        %dma_start3A_26 = tpu.memref_slice %arg2[%dma_start3A, %dma_start3A_25] : memref<10240x128xf32, #tpu.memory_space<hbm>> -> memref<10240x128xf32, #tpu.memory_space<hbm>>
        tpu.enqueue_indirect_dma source(%dma_start3A_26 : memref<10240x128xf32, #tpu.memory_space<hbm>>) target(%arg10 : memref<128x128xf32, #tpu.memory_space<vmem>>) offsets(%arg8 : memref<128xi32, #tpu.memory_space<vmem>>) semaphore(%arg11 : memref<!tpu.dma_semaphore, #tpu.memory_space<semaphore_mem>>)
        %dma_wait3A = arith.constant 0 : i32
        %dma_wait3A_27 = arith.constant 0 : i32
        %dma_wait3A_28 = tpu.memref_slice %arg2[%dma_wait3A, %dma_wait3A_27] : memref<10240x128xf32, #tpu.memory_space<hbm>> -> memref<10240x128xf32, #tpu.memory_space<hbm>>
        tpu.wait_indirect_dma semaphore(%arg11 : memref<!tpu.dma_semaphore, #tpu.memory_space<semaphore_mem>>) src(%dma_wait3A_28 : memref<10240x128xf32, #tpu.memory_space<hbm>>) dst(%arg10 : memref<128x128xf32, #tpu.memory_space<vmem>>)
        "tpu.region"() ({
          %run_scoped3A = tpu.sem_alloc : memref<!tpu.dma_semaphore, #tpu.memory_space<semaphore_mem>>
          %dma_start3A_29 = arith.constant 0 : i32
          %dma_start3A_30 = arith.constant 0 : i32
          %dma_start3A_31 = tpu.memref_slice %arg12[%dma_start3A_29, %dma_start3A_30] : memref<10240x128xf32, #tpu.memory_space<vmem_shared>> -> memref<10240x128xf32, #tpu.memory_space<vmem_shared>>
          tpu.enqueue_indirect_dma source(%arg10 : memref<128x128xf32, #tpu.memory_space<vmem>>) target(%dma_start3A_31 : memref<10240x128xf32, #tpu.memory_space<vmem_shared>>) offsets(%arg9 : memref<128xi32, #tpu.memory_space<vmem>>) semaphore(%run_scoped3A : memref<!tpu.dma_semaphore, #tpu.memory_space<semaphore_mem>>) {add = true}
          %dma_wait3A_32 = arith.constant 0 : i32
          %dma_wait3A_33 = arith.constant 0 : i32
          %dma_wait3A_34 = tpu.memref_slice %arg12[%dma_wait3A_32, %dma_wait3A_33] : memref<10240x128xf32, #tpu.memory_space<vmem_shared>> -> memref<10240x128xf32, #tpu.memory_space<vmem_shared>>
          tpu.wait_indirect_dma semaphore(%run_scoped3A : memref<!tpu.dma_semaphore, #tpu.memory_space<semaphore_mem>>) src(%arg10 : memref<128x128xf32, #tpu.memory_space<vmem>>) dst(%dma_wait3A_34 : memref<10240x128xf32, #tpu.memory_space<vmem_shared>>)
          tpu.yield
        }) : () -> ()
      }
      %scan3A_14 = arith.constant 320 : i32
      %barrier3A_15 = arith.constant 0 : index
      tpu.barrier barrier_id(%barrier3A_15)
      %mul3A_16 = arith.constant 640 : i32
      %mul3A_17 = arith.muli %arg1, %mul3A_16 : i32
      %mul3A_18 = arith.constant 640 : i32
      %mul3A_19 = arith.muli %arg1, %mul3A_18 : i32
      "tpu.region"() ({
        %run_scoped3A = tpu.sem_alloc : memref<!tpu.dma_semaphore, #tpu.memory_space<semaphore_mem>>
        %dma_start3A = arith.constant 0 : i32
        %dma_start3A_20 = tpu.memref_slice %arg6[%mul3A_19, %dma_start3A] : memref<10240x128xf32, #tpu.memory_space<hbm>> -> memref<640x128xf32, #tpu.memory_space<hbm>>
        %dma_start3A_21 = arith.constant 0 : i32
        %dma_start3A_22 = tpu.memref_slice %arg12[%mul3A_17, %dma_start3A_21] : memref<10240x128xf32, #tpu.memory_space<vmem_shared>> -> memref<640x128xf32, #tpu.memory_space<vmem_shared>>
        tpu.enqueue_dma source(%dma_start3A_22 : memref<640x128xf32, #tpu.memory_space<vmem_shared>>) target(%dma_start3A_20 : memref<640x128xf32, #tpu.memory_space<hbm>>) target_semaphore(%run_scoped3A : memref<!tpu.dma_semaphore, #tpu.memory_space<semaphore_mem>>)
        %dma_wait3A = arith.constant 0 : i32
        %dma_wait3A_23 = tpu.memref_slice %arg6[%mul3A_19, %dma_wait3A] : memref<10240x128xf32, #tpu.memory_space<hbm>> -> memref<640x128xf32, #tpu.memory_space<hbm>>
        %dma_wait3A_24 = arith.constant 0 : i32
        %dma_wait3A_25 = tpu.memref_slice %arg12[%mul3A_17, %dma_wait3A_24] : memref<10240x128xf32, #tpu.memory_space<vmem_shared>> -> memref<640x128xf32, #tpu.memory_space<vmem_shared>>
        tpu.wait_dma2 semaphore(%run_scoped3A : memref<!tpu.dma_semaphore, #tpu.memory_space<semaphore_mem>>) src(%dma_wait3A_25 : memref<640x128xf32, #tpu.memory_space<vmem_shared>>) dst(%dma_wait3A_23 : memref<640x128xf32, #tpu.memory_space<hbm>>)
        tpu.yield
      }) : () -> ()
    } else {
    }
    %eq3A_2 = arith.constant 1 : i32
    %eq3A_3 = arith.cmpi eq, %arg0, %eq3A_2 : i32
    %convert_element_type3A_4 = arith.extui %eq3A_3 : i1 to i32
    %cond3A_5 = arith.constant 0 : i32
    %cond3A_6 = arith.cmpi ne, %convert_element_type3A_4, %cond3A_5 : i32
    scf.if %cond3A_6 {
      %mul3A = arith.constant 640 : i32
      %mul3A_7 = arith.muli %arg1, %mul3A : i32
      %mul3A_8 = arith.constant 640 : i32
      %mul3A_9 = arith.muli %arg1, %mul3A_8 : i32
      "tpu.region"() ({
        %run_scoped3A = tpu.sem_alloc : memref<!tpu.dma_semaphore, #tpu.memory_space<semaphore_mem>>
        %dma_start3A = arith.constant 0 : i32
        %dma_start3A_20 = tpu.memref_slice %arg12[%mul3A_9, %dma_start3A] : memref<10240x128xf32, #tpu.memory_space<vmem_shared>> -> memref<640x128xf32, #tpu.memory_space<vmem_shared>>
        %dma_start3A_21 = arith.constant 0 : i32
        %dma_start3A_22 = tpu.memref_slice %arg3[%mul3A_7, %dma_start3A_21] : memref<10240x128xf32, #tpu.memory_space<hbm>> -> memref<640x128xf32, #tpu.memory_space<hbm>>
        tpu.enqueue_dma source(%dma_start3A_22 : memref<640x128xf32, #tpu.memory_space<hbm>>) target(%dma_start3A_20 : memref<640x128xf32, #tpu.memory_space<vmem_shared>>) target_semaphore(%run_scoped3A : memref<!tpu.dma_semaphore, #tpu.memory_space<semaphore_mem>>)
        %dma_wait3A = arith.constant 0 : i32
        %dma_wait3A_23 = tpu.memref_slice %arg12[%mul3A_9, %dma_wait3A] : memref<10240x128xf32, #tpu.memory_space<vmem_shared>> -> memref<640x128xf32, #tpu.memory_space<vmem_shared>>
        %dma_wait3A_24 = arith.constant 0 : i32
        %dma_wait3A_25 = tpu.memref_slice %arg3[%mul3A_7, %dma_wait3A_24] : memref<10240x128xf32, #tpu.memory_space<hbm>> -> memref<640x128xf32, #tpu.memory_space<hbm>>
        tpu.wait_dma2 semaphore(%run_scoped3A : memref<!tpu.dma_semaphore, #tpu.memory_space<semaphore_mem>>) src(%dma_wait3A_25 : memref<640x128xf32, #tpu.memory_space<hbm>>) dst(%dma_wait3A_23 : memref<640x128xf32, #tpu.memory_space<vmem_shared>>)
        tpu.yield
      }) : () -> ()
      %barrier3A = arith.constant 0 : index
      tpu.barrier barrier_id(%barrier3A)
      %scan3A = arith.constant 0 : i32
      %scan3A_10 = arith.constant 0 : i32
      %scan3A_11 = arith.constant 320 : i32
      %scan3A_12 = arith.addi %scan3A_10, %scan3A_11 : i32
      %scan3A_13 = arith.constant 1 : i32
      scf.for %scan3A_20 = %scan3A_10 to %scan3A_12 step %scan3A_13  : i32 {
        %mul3A_21 = arith.constant 40960 : i32
        %mul3A_22 = arith.muli %arg1, %mul3A_21 : i32
        %mul3A_23 = arith.constant 128 : i32
        %mul3A_24 = arith.muli %scan3A_20, %mul3A_23 : i32
        %add3A = arith.addi %mul3A_22, %mul3A_24 : i32
        "tpu.region"() ({
          %run_scoped3A = tpu.sem_alloc : memref<!tpu.dma_semaphore, #tpu.memory_space<semaphore_mem>>
          %dma_start3A_29 = tpu.memref_slice %arg4[%add3A] : memref<655360xi32, #tpu.memory_space<hbm>> -> memref<128xi32, #tpu.memory_space<hbm>>
          %dma_start3A_30 = tpu.memref_slice %arg4[%add3A] : memref<655360xi32, #tpu.memory_space<hbm>> -> memref<128xi32, #tpu.memory_space<hbm>>
          tpu.enqueue_dma source(%dma_start3A_30 : memref<128xi32, #tpu.memory_space<hbm>>) target(%arg8 : memref<128xi32, #tpu.memory_space<vmem>>) target_semaphore(%run_scoped3A : memref<!tpu.dma_semaphore, #tpu.memory_space<semaphore_mem>>)
          %dma_wait3A_31 = tpu.memref_slice %arg4[%add3A] : memref<655360xi32, #tpu.memory_space<hbm>> -> memref<128xi32, #tpu.memory_space<hbm>>
          %dma_wait3A_32 = tpu.memref_slice %arg4[%add3A] : memref<655360xi32, #tpu.memory_space<hbm>> -> memref<128xi32, #tpu.memory_space<hbm>>
          tpu.wait_dma2 semaphore(%run_scoped3A : memref<!tpu.dma_semaphore, #tpu.memory_space<semaphore_mem>>) src(%dma_wait3A_32 : memref<128xi32, #tpu.memory_space<hbm>>) dst(%arg8 : memref<128xi32, #tpu.memory_space<vmem>>)
          tpu.yield
        }) : () -> ()
        "tpu.region"() ({
          %run_scoped3A = tpu.sem_alloc : memref<!tpu.dma_semaphore, #tpu.memory_space<semaphore_mem>>
          %dma_start3A_29 = tpu.memref_slice %arg5[%add3A] : memref<655360xi32, #tpu.memory_space<hbm>> -> memref<128xi32, #tpu.memory_space<hbm>>
          %dma_start3A_30 = tpu.memref_slice %arg5[%add3A] : memref<655360xi32, #tpu.memory_space<hbm>> -> memref<128xi32, #tpu.memory_space<hbm>>
          tpu.enqueue_dma source(%dma_start3A_30 : memref<128xi32, #tpu.memory_space<hbm>>) target(%arg9 : memref<128xi32, #tpu.memory_space<vmem>>) target_semaphore(%run_scoped3A : memref<!tpu.dma_semaphore, #tpu.memory_space<semaphore_mem>>)
          %dma_wait3A_31 = tpu.memref_slice %arg5[%add3A] : memref<655360xi32, #tpu.memory_space<hbm>> -> memref<128xi32, #tpu.memory_space<hbm>>
          %dma_wait3A_32 = tpu.memref_slice %arg5[%add3A] : memref<655360xi32, #tpu.memory_space<hbm>> -> memref<128xi32, #tpu.memory_space<hbm>>
          tpu.wait_dma2 semaphore(%run_scoped3A : memref<!tpu.dma_semaphore, #tpu.memory_space<semaphore_mem>>) src(%dma_wait3A_32 : memref<128xi32, #tpu.memory_space<hbm>>) dst(%arg9 : memref<128xi32, #tpu.memory_space<vmem>>)
          tpu.yield
        }) : () -> ()
        %dma_start3A = arith.constant 0 : i32
        %dma_start3A_25 = arith.constant 0 : i32
        %dma_start3A_26 = tpu.memref_slice %arg3[%dma_start3A, %dma_start3A_25] : memref<10240x128xf32, #tpu.memory_space<hbm>> -> memref<10240x128xf32, #tpu.memory_space<hbm>>
        tpu.enqueue_indirect_dma source(%dma_start3A_26 : memref<10240x128xf32, #tpu.memory_space<hbm>>) target(%arg10 : memref<128x128xf32, #tpu.memory_space<vmem>>) offsets(%arg8 : memref<128xi32, #tpu.memory_space<vmem>>) semaphore(%arg11 : memref<!tpu.dma_semaphore, #tpu.memory_space<semaphore_mem>>)
        %dma_wait3A = arith.constant 0 : i32
        %dma_wait3A_27 = arith.constant 0 : i32
        %dma_wait3A_28 = tpu.memref_slice %arg3[%dma_wait3A, %dma_wait3A_27] : memref<10240x128xf32, #tpu.memory_space<hbm>> -> memref<10240x128xf32, #tpu.memory_space<hbm>>
        tpu.wait_indirect_dma semaphore(%arg11 : memref<!tpu.dma_semaphore, #tpu.memory_space<semaphore_mem>>) src(%dma_wait3A_28 : memref<10240x128xf32, #tpu.memory_space<hbm>>) dst(%arg10 : memref<128x128xf32, #tpu.memory_space<vmem>>)
        "tpu.region"() ({
          %run_scoped3A = tpu.sem_alloc : memref<!tpu.dma_semaphore, #tpu.memory_space<semaphore_mem>>
          %dma_start3A_29 = arith.constant 0 : i32
          %dma_start3A_30 = arith.constant 0 : i32
          %dma_start3A_31 = tpu.memref_slice %arg12[%dma_start3A_29, %dma_start3A_30] : memref<10240x128xf32, #tpu.memory_space<vmem_shared>> -> memref<10240x128xf32, #tpu.memory_space<vmem_shared>>
          tpu.enqueue_indirect_dma source(%arg10 : memref<128x128xf32, #tpu.memory_space<vmem>>) target(%dma_start3A_31 : memref<10240x128xf32, #tpu.memory_space<vmem_shared>>) offsets(%arg9 : memref<128xi32, #tpu.memory_space<vmem>>) semaphore(%run_scoped3A : memref<!tpu.dma_semaphore, #tpu.memory_space<semaphore_mem>>) {add = true}
          %dma_wait3A_32 = arith.constant 0 : i32
          %dma_wait3A_33 = arith.constant 0 : i32
          %dma_wait3A_34 = tpu.memref_slice %arg12[%dma_wait3A_32, %dma_wait3A_33] : memref<10240x128xf32, #tpu.memory_space<vmem_shared>> -> memref<10240x128xf32, #tpu.memory_space<vmem_shared>>
          tpu.wait_indirect_dma semaphore(%run_scoped3A : memref<!tpu.dma_semaphore, #tpu.memory_space<semaphore_mem>>) src(%arg10 : memref<128x128xf32, #tpu.memory_space<vmem>>) dst(%dma_wait3A_34 : memref<10240x128xf32, #tpu.memory_space<vmem_shared>>)
          tpu.yield
        }) : () -> ()
      }
      %scan3A_14 = arith.constant 320 : i32
      %barrier3A_15 = arith.constant 0 : index
      tpu.barrier barrier_id(%barrier3A_15)
      %mul3A_16 = arith.constant 640 : i32
      %mul3A_17 = arith.muli %arg1, %mul3A_16 : i32
      %mul3A_18 = arith.constant 640 : i32
      %mul3A_19 = arith.muli %arg1, %mul3A_18 : i32
      "tpu.region"() ({
        %run_scoped3A = tpu.sem_alloc : memref<!tpu.dma_semaphore, #tpu.memory_space<semaphore_mem>>
        %dma_start3A = arith.constant 0 : i32
        %dma_start3A_20 = tpu.memref_slice %arg7[%mul3A_19, %dma_start3A] : memref<10240x128xf32, #tpu.memory_space<hbm>> -> memref<640x128xf32, #tpu.memory_space<hbm>>
        %dma_start3A_21 = arith.constant 0 : i32
        %dma_start3A_22 = tpu.memref_slice %arg12[%mul3A_17, %dma_start3A_21] : memref<10240x128xf32, #tpu.memory_space<vmem_shared>> -> memref<640x128xf32, #tpu.memory_space<vmem_shared>>
        tpu.enqueue_dma source(%dma_start3A_22 : memref<640x128xf32, #tpu.memory_space<vmem_shared>>) target(%dma_start3A_20 : memref<640x128xf32, #tpu.memory_space<hbm>>) target_semaphore(%run_scoped3A : memref<!tpu.dma_semaphore, #tpu.memory_space<semaphore_mem>>)
        %dma_wait3A = arith.constant 0 : i32
        %dma_wait3A_23 = tpu.memref_slice %arg7[%mul3A_19, %dma_wait3A] : memref<10240x128xf32, #tpu.memory_space<hbm>> -> memref<640x128xf32, #tpu.memory_space<hbm>>
        %dma_wait3A_24 = arith.constant 0 : i32
        %dma_wait3A_25 = tpu.memref_slice %arg12[%mul3A_17, %dma_wait3A_24] : memref<10240x128xf32, #tpu.memory_space<vmem_shared>> -> memref<640x128xf32, #tpu.memory_space<vmem_shared>>
        tpu.wait_dma2 semaphore(%run_scoped3A : memref<!tpu.dma_semaphore, #tpu.memory_space<semaphore_mem>>) src(%dma_wait3A_25 : memref<640x128xf32, #tpu.memory_space<vmem_shared>>) dst(%dma_wait3A_23 : memref<640x128xf32, #tpu.memory_space<hbm>>)
        tpu.yield
      }) : () -> ()
    } else {
    }
    return
  }
}

#map = affine_map<(d0, d1) -> (0, 0)>
#map1 = affine_map<(d0, d1) -> (0)>
module attributes {stable_mosaic.version = 14 : i64} {
  func.func @_agg_body(%arg0: i32, %arg1: i32, %arg2: memref<10240x128xf32, #tpu.memory_space<hbm>>, %arg3: memref<10240x128xf32, #tpu.memory_space<hbm>>, %arg4: memref<655360xi32, #tpu.memory_space<hbm>>, %arg5: memref<655360xi32, #tpu.memory_space<hbm>>, %arg6: memref<10240x128xf32, #tpu.memory_space<hbm>>, %arg7: memref<10240x128xf32, #tpu.memory_space<hbm>>, %arg8: memref<128xi32, #tpu.memory_space<vmem>>, %arg9: memref<128xi32, #tpu.memory_space<vmem>>, %arg10: memref<128x128xf32, #tpu.memory_space<vmem>>, %arg11: memref<!tpu.dma_semaphore, #tpu.memory_space<semaphore_mem>>, %arg12: memref<10240x128xf32, #tpu.memory_space<vmem_shared>>) attributes {dimension_semantics = [#tpu.dimension_semantics<core_parallel>, #tpu.dimension_semantics<subcore_parallel>], iteration_bounds = array<i64: 2, 16>, scalar_prefetch = 0 : i64, scratch_operands = 5 : i64, tpu.core_type = #tpu.core_type<sc_vector_subcore>, window_params = [{transform_indices = #map}, {transform_indices = #map}, {transform_indices = #map1}, {transform_indices = #map1}, {transform_indices = #map}, {transform_indices = #map}]} {
    %eq3A = arith.constant 0 : i32
    %eq3A_0 = arith.cmpi eq, %arg0, %eq3A : i32
    %convert_element_type3A = arith.extui %eq3A_0 : i1 to i32
    %cond3A = arith.constant 0 : i32
    %cond3A_1 = arith.cmpi ne, %convert_element_type3A, %cond3A : i32
    scf.if %cond3A_1 {
      %mul3A = arith.constant 640 : i32
      %mul3A_7 = arith.muli %arg1, %mul3A : i32
      %mul3A_8 = arith.constant 640 : i32
      %mul3A_9 = arith.muli %arg1, %mul3A_8 : i32
      "tpu.region"() ({
        %run_scoped3A = tpu.sem_alloc : memref<!tpu.dma_semaphore, #tpu.memory_space<semaphore_mem>>
        %dma_start3A = arith.constant 0 : i32
        %dma_start3A_20 = tpu.memref_slice %arg12[%mul3A_9, %dma_start3A] : memref<10240x128xf32, #tpu.memory_space<vmem_shared>> -> memref<640x128xf32, #tpu.memory_space<vmem_shared>>
        %dma_start3A_21 = arith.constant 0 : i32
        %dma_start3A_22 = tpu.memref_slice %arg2[%mul3A_7, %dma_start3A_21] : memref<10240x128xf32, #tpu.memory_space<hbm>> -> memref<640x128xf32, #tpu.memory_space<hbm>>
        tpu.enqueue_dma source(%dma_start3A_22 : memref<640x128xf32, #tpu.memory_space<hbm>>) target(%dma_start3A_20 : memref<640x128xf32, #tpu.memory_space<vmem_shared>>) target_semaphore(%run_scoped3A : memref<!tpu.dma_semaphore, #tpu.memory_space<semaphore_mem>>)
        %dma_wait3A = arith.constant 0 : i32
        %dma_wait3A_23 = tpu.memref_slice %arg12[%mul3A_9, %dma_wait3A] : memref<10240x128xf32, #tpu.memory_space<vmem_shared>> -> memref<640x128xf32, #tpu.memory_space<vmem_shared>>
        %dma_wait3A_24 = arith.constant 0 : i32
        %dma_wait3A_25 = tpu.memref_slice %arg2[%mul3A_7, %dma_wait3A_24] : memref<10240x128xf32, #tpu.memory_space<hbm>> -> memref<640x128xf32, #tpu.memory_space<hbm>>
        tpu.wait_dma2 semaphore(%run_scoped3A : memref<!tpu.dma_semaphore, #tpu.memory_space<semaphore_mem>>) src(%dma_wait3A_25 : memref<640x128xf32, #tpu.memory_space<hbm>>) dst(%dma_wait3A_23 : memref<640x128xf32, #tpu.memory_space<vmem_shared>>)
        tpu.yield
      }) : () -> ()
      %barrier3A = arith.constant 0 : index
      tpu.barrier barrier_id(%barrier3A)
      %scan3A = arith.constant 0 : i32
      %scan3A_10 = arith.constant 0 : i32
      %scan3A_11 = arith.constant 320 : i32
      %scan3A_12 = arith.addi %scan3A_10, %scan3A_11 : i32
      %scan3A_13 = arith.constant 1 : i32
      scf.for %scan3A_20 = %scan3A_10 to %scan3A_12 step %scan3A_13  : i32 {
        %mul3A_21 = arith.constant 40960 : i32
        %mul3A_22 = arith.muli %arg1, %mul3A_21 : i32
        %mul3A_23 = arith.constant 128 : i32
        %mul3A_24 = arith.muli %scan3A_20, %mul3A_23 : i32
        %add3A = arith.addi %mul3A_22, %mul3A_24 : i32
        "tpu.region"() ({
          %run_scoped3A = tpu.sem_alloc : memref<!tpu.dma_semaphore, #tpu.memory_space<semaphore_mem>>
          %dma_start3A_29 = tpu.memref_slice %arg4[%add3A] : memref<655360xi32, #tpu.memory_space<hbm>> -> memref<128xi32, #tpu.memory_space<hbm>>
          %dma_start3A_30 = tpu.memref_slice %arg4[%add3A] : memref<655360xi32, #tpu.memory_space<hbm>> -> memref<128xi32, #tpu.memory_space<hbm>>
          tpu.enqueue_dma source(%dma_start3A_30 : memref<128xi32, #tpu.memory_space<hbm>>) target(%arg8 : memref<128xi32, #tpu.memory_space<vmem>>) target_semaphore(%run_scoped3A : memref<!tpu.dma_semaphore, #tpu.memory_space<semaphore_mem>>)
          %dma_wait3A_31 = tpu.memref_slice %arg4[%add3A] : memref<655360xi32, #tpu.memory_space<hbm>> -> memref<128xi32, #tpu.memory_space<hbm>>
          %dma_wait3A_32 = tpu.memref_slice %arg4[%add3A] : memref<655360xi32, #tpu.memory_space<hbm>> -> memref<128xi32, #tpu.memory_space<hbm>>
          tpu.wait_dma2 semaphore(%run_scoped3A : memref<!tpu.dma_semaphore, #tpu.memory_space<semaphore_mem>>) src(%dma_wait3A_32 : memref<128xi32, #tpu.memory_space<hbm>>) dst(%arg8 : memref<128xi32, #tpu.memory_space<vmem>>)
          tpu.yield
        }) : () -> ()
        "tpu.region"() ({
          %run_scoped3A = tpu.sem_alloc : memref<!tpu.dma_semaphore, #tpu.memory_space<semaphore_mem>>
          %dma_start3A_29 = tpu.memref_slice %arg5[%add3A] : memref<655360xi32, #tpu.memory_space<hbm>> -> memref<128xi32, #tpu.memory_space<hbm>>
          %dma_start3A_30 = tpu.memref_slice %arg5[%add3A] : memref<655360xi32, #tpu.memory_space<hbm>> -> memref<128xi32, #tpu.memory_space<hbm>>
          tpu.enqueue_dma source(%dma_start3A_30 : memref<128xi32, #tpu.memory_space<hbm>>) target(%arg9 : memref<128xi32, #tpu.memory_space<vmem>>) target_semaphore(%run_scoped3A : memref<!tpu.dma_semaphore, #tpu.memory_space<semaphore_mem>>)
          %dma_wait3A_31 = tpu.memref_slice %arg5[%add3A] : memref<655360xi32, #tpu.memory_space<hbm>> -> memref<128xi32, #tpu.memory_space<hbm>>
          %dma_wait3A_32 = tpu.memref_slice %arg5[%add3A] : memref<655360xi32, #tpu.memory_space<hbm>> -> memref<128xi32, #tpu.memory_space<hbm>>
          tpu.wait_dma2 semaphore(%run_scoped3A : memref<!tpu.dma_semaphore, #tpu.memory_space<semaphore_mem>>) src(%dma_wait3A_32 : memref<128xi32, #tpu.memory_space<hbm>>) dst(%arg9 : memref<128xi32, #tpu.memory_space<vmem>>)
          tpu.yield
        }) : () -> ()
        %dma_start3A = arith.constant 0 : i32
        %dma_start3A_25 = arith.constant 0 : i32
        %dma_start3A_26 = tpu.memref_slice %arg2[%dma_start3A, %dma_start3A_25] : memref<10240x128xf32, #tpu.memory_space<hbm>> -> memref<10240x128xf32, #tpu.memory_space<hbm>>
        tpu.enqueue_indirect_dma source(%dma_start3A_26 : memref<10240x128xf32, #tpu.memory_space<hbm>>) target(%arg10 : memref<128x128xf32, #tpu.memory_space<vmem>>) offsets(%arg8 : memref<128xi32, #tpu.memory_space<vmem>>) semaphore(%arg11 : memref<!tpu.dma_semaphore, #tpu.memory_space<semaphore_mem>>)
        %dma_wait3A = arith.constant 0 : i32
        %dma_wait3A_27 = arith.constant 0 : i32
        %dma_wait3A_28 = tpu.memref_slice %arg2[%dma_wait3A, %dma_wait3A_27] : memref<10240x128xf32, #tpu.memory_space<hbm>> -> memref<10240x128xf32, #tpu.memory_space<hbm>>
        tpu.wait_indirect_dma semaphore(%arg11 : memref<!tpu.dma_semaphore, #tpu.memory_space<semaphore_mem>>) src(%dma_wait3A_28 : memref<10240x128xf32, #tpu.memory_space<hbm>>) dst(%arg10 : memref<128x128xf32, #tpu.memory_space<vmem>>)
        "tpu.region"() ({
          %run_scoped3A = tpu.sem_alloc : memref<!tpu.dma_semaphore, #tpu.memory_space<semaphore_mem>>
          %dma_start3A_29 = arith.constant 0 : i32
          %dma_start3A_30 = arith.constant 0 : i32
          %dma_start3A_31 = tpu.memref_slice %arg12[%dma_start3A_29, %dma_start3A_30] : memref<10240x128xf32, #tpu.memory_space<vmem_shared>> -> memref<10240x128xf32, #tpu.memory_space<vmem_shared>>
          tpu.enqueue_indirect_dma source(%arg10 : memref<128x128xf32, #tpu.memory_space<vmem>>) target(%dma_start3A_31 : memref<10240x128xf32, #tpu.memory_space<vmem_shared>>) offsets(%arg9 : memref<128xi32, #tpu.memory_space<vmem>>) semaphore(%run_scoped3A : memref<!tpu.dma_semaphore, #tpu.memory_space<semaphore_mem>>) {add = true}
          %dma_wait3A_32 = arith.constant 0 : i32
          %dma_wait3A_33 = arith.constant 0 : i32
          %dma_wait3A_34 = tpu.memref_slice %arg12[%dma_wait3A_32, %dma_wait3A_33] : memref<10240x128xf32, #tpu.memory_space<vmem_shared>> -> memref<10240x128xf32, #tpu.memory_space<vmem_shared>>
          tpu.wait_indirect_dma semaphore(%run_scoped3A : memref<!tpu.dma_semaphore, #tpu.memory_space<semaphore_mem>>) src(%arg10 : memref<128x128xf32, #tpu.memory_space<vmem>>) dst(%dma_wait3A_34 : memref<10240x128xf32, #tpu.memory_space<vmem_shared>>)
          tpu.yield
        }) : () -> ()
      }
      %scan3A_14 = arith.constant 320 : i32
      %barrier3A_15 = arith.constant 0 : index
      tpu.barrier barrier_id(%barrier3A_15)
      %mul3A_16 = arith.constant 640 : i32
      %mul3A_17 = arith.muli %arg1, %mul3A_16 : i32
      %mul3A_18 = arith.constant 640 : i32
      %mul3A_19 = arith.muli %arg1, %mul3A_18 : i32
      "tpu.region"() ({
        %run_scoped3A = tpu.sem_alloc : memref<!tpu.dma_semaphore, #tpu.memory_space<semaphore_mem>>
        %dma_start3A = arith.constant 0 : i32
        %dma_start3A_20 = tpu.memref_slice %arg6[%mul3A_19, %dma_start3A] : memref<10240x128xf32, #tpu.memory_space<hbm>> -> memref<640x128xf32, #tpu.memory_space<hbm>>
        %dma_start3A_21 = arith.constant 0 : i32
        %dma_start3A_22 = tpu.memref_slice %arg12[%mul3A_17, %dma_start3A_21] : memref<10240x128xf32, #tpu.memory_space<vmem_shared>> -> memref<640x128xf32, #tpu.memory_space<vmem_shared>>
        tpu.enqueue_dma source(%dma_start3A_22 : memref<640x128xf32, #tpu.memory_space<vmem_shared>>) target(%dma_start3A_20 : memref<640x128xf32, #tpu.memory_space<hbm>>) target_semaphore(%run_scoped3A : memref<!tpu.dma_semaphore, #tpu.memory_space<semaphore_mem>>)
        %dma_wait3A = arith.constant 0 : i32
        %dma_wait3A_23 = tpu.memref_slice %arg6[%mul3A_19, %dma_wait3A] : memref<10240x128xf32, #tpu.memory_space<hbm>> -> memref<640x128xf32, #tpu.memory_space<hbm>>
        %dma_wait3A_24 = arith.constant 0 : i32
        %dma_wait3A_25 = tpu.memref_slice %arg12[%mul3A_17, %dma_wait3A_24] : memref<10240x128xf32, #tpu.memory_space<vmem_shared>> -> memref<640x128xf32, #tpu.memory_space<vmem_shared>>
        tpu.wait_dma2 semaphore(%run_scoped3A : memref<!tpu.dma_semaphore, #tpu.memory_space<semaphore_mem>>) src(%dma_wait3A_25 : memref<640x128xf32, #tpu.memory_space<vmem_shared>>) dst(%dma_wait3A_23 : memref<640x128xf32, #tpu.memory_space<hbm>>)
        tpu.yield
      }) : () -> ()
    } else {
    }
    %eq3A_2 = arith.constant 1 : i32
    %eq3A_3 = arith.cmpi eq, %arg0, %eq3A_2 : i32
    %convert_element_type3A_4 = arith.extui %eq3A_3 : i1 to i32
    %cond3A_5 = arith.constant 0 : i32
    %cond3A_6 = arith.cmpi ne, %convert_element_type3A_4, %cond3A_5 : i32
    scf.if %cond3A_6 {
      %mul3A = arith.constant 640 : i32
      %mul3A_7 = arith.muli %arg1, %mul3A : i32
      %mul3A_8 = arith.constant 640 : i32
      %mul3A_9 = arith.muli %arg1, %mul3A_8 : i32
      "tpu.region"() ({
        %run_scoped3A = tpu.sem_alloc : memref<!tpu.dma_semaphore, #tpu.memory_space<semaphore_mem>>
        %dma_start3A = arith.constant 0 : i32
        %dma_start3A_20 = tpu.memref_slice %arg12[%mul3A_9, %dma_start3A] : memref<10240x128xf32, #tpu.memory_space<vmem_shared>> -> memref<640x128xf32, #tpu.memory_space<vmem_shared>>
        %dma_start3A_21 = arith.constant 0 : i32
        %dma_start3A_22 = tpu.memref_slice %arg3[%mul3A_7, %dma_start3A_21] : memref<10240x128xf32, #tpu.memory_space<hbm>> -> memref<640x128xf32, #tpu.memory_space<hbm>>
        tpu.enqueue_dma source(%dma_start3A_22 : memref<640x128xf32, #tpu.memory_space<hbm>>) target(%dma_start3A_20 : memref<640x128xf32, #tpu.memory_space<vmem_shared>>) target_semaphore(%run_scoped3A : memref<!tpu.dma_semaphore, #tpu.memory_space<semaphore_mem>>)
        %dma_wait3A = arith.constant 0 : i32
        %dma_wait3A_23 = tpu.memref_slice %arg12[%mul3A_9, %dma_wait3A] : memref<10240x128xf32, #tpu.memory_space<vmem_shared>> -> memref<640x128xf32, #tpu.memory_space<vmem_shared>>
        %dma_wait3A_24 = arith.constant 0 : i32
        %dma_wait3A_25 = tpu.memref_slice %arg3[%mul3A_7, %dma_wait3A_24] : memref<10240x128xf32, #tpu.memory_space<hbm>> -> memref<640x128xf32, #tpu.memory_space<hbm>>
        tpu.wait_dma2 semaphore(%run_scoped3A : memref<!tpu.dma_semaphore, #tpu.memory_space<semaphore_mem>>) src(%dma_wait3A_25 : memref<640x128xf32, #tpu.memory_space<hbm>>) dst(%dma_wait3A_23 : memref<640x128xf32, #tpu.memory_space<vmem_shared>>)
        tpu.yield
      }) : () -> ()
      %barrier3A = arith.constant 0 : index
      tpu.barrier barrier_id(%barrier3A)
      %scan3A = arith.constant 0 : i32
      %scan3A_10 = arith.constant 0 : i32
      %scan3A_11 = arith.constant 320 : i32
      %scan3A_12 = arith.addi %scan3A_10, %scan3A_11 : i32
      %scan3A_13 = arith.constant 1 : i32
      scf.for %scan3A_20 = %scan3A_10 to %scan3A_12 step %scan3A_13  : i32 {
        %mul3A_21 = arith.constant 40960 : i32
        %mul3A_22 = arith.muli %arg1, %mul3A_21 : i32
        %mul3A_23 = arith.constant 128 : i32
        %mul3A_24 = arith.muli %scan3A_20, %mul3A_23 : i32
        %add3A = arith.addi %mul3A_22, %mul3A_24 : i32
        "tpu.region"() ({
          %run_scoped3A = tpu.sem_alloc : memref<!tpu.dma_semaphore, #tpu.memory_space<semaphore_mem>>
          %dma_start3A_29 = tpu.memref_slice %arg4[%add3A] : memref<655360xi32, #tpu.memory_space<hbm>> -> memref<128xi32, #tpu.memory_space<hbm>>
          %dma_start3A_30 = tpu.memref_slice %arg4[%add3A] : memref<655360xi32, #tpu.memory_space<hbm>> -> memref<128xi32, #tpu.memory_space<hbm>>
          tpu.enqueue_dma source(%dma_start3A_30 : memref<128xi32, #tpu.memory_space<hbm>>) target(%arg8 : memref<128xi32, #tpu.memory_space<vmem>>) target_semaphore(%run_scoped3A : memref<!tpu.dma_semaphore, #tpu.memory_space<semaphore_mem>>)
          %dma_wait3A_31 = tpu.memref_slice %arg4[%add3A] : memref<655360xi32, #tpu.memory_space<hbm>> -> memref<128xi32, #tpu.memory_space<hbm>>
          %dma_wait3A_32 = tpu.memref_slice %arg4[%add3A] : memref<655360xi32, #tpu.memory_space<hbm>> -> memref<128xi32, #tpu.memory_space<hbm>>
          tpu.wait_dma2 semaphore(%run_scoped3A : memref<!tpu.dma_semaphore, #tpu.memory_space<semaphore_mem>>) src(%dma_wait3A_32 : memref<128xi32, #tpu.memory_space<hbm>>) dst(%arg8 : memref<128xi32, #tpu.memory_space<vmem>>)
          tpu.yield
        }) : () -> ()
        "tpu.region"() ({
          %run_scoped3A = tpu.sem_alloc : memref<!tpu.dma_semaphore, #tpu.memory_space<semaphore_mem>>
          %dma_start3A_29 = tpu.memref_slice %arg5[%add3A] : memref<655360xi32, #tpu.memory_space<hbm>> -> memref<128xi32, #tpu.memory_space<hbm>>
          %dma_start3A_30 = tpu.memref_slice %arg5[%add3A] : memref<655360xi32, #tpu.memory_space<hbm>> -> memref<128xi32, #tpu.memory_space<hbm>>
          tpu.enqueue_dma source(%dma_start3A_30 : memref<128xi32, #tpu.memory_space<hbm>>) target(%arg9 : memref<128xi32, #tpu.memory_space<vmem>>) target_semaphore(%run_scoped3A : memref<!tpu.dma_semaphore, #tpu.memory_space<semaphore_mem>>)
          %dma_wait3A_31 = tpu.memref_slice %arg5[%add3A] : memref<655360xi32, #tpu.memory_space<hbm>> -> memref<128xi32, #tpu.memory_space<hbm>>
          %dma_wait3A_32 = tpu.memref_slice %arg5[%add3A] : memref<655360xi32, #tpu.memory_space<hbm>> -> memref<128xi32, #tpu.memory_space<hbm>>
          tpu.wait_dma2 semaphore(%run_scoped3A : memref<!tpu.dma_semaphore, #tpu.memory_space<semaphore_mem>>) src(%dma_wait3A_32 : memref<128xi32, #tpu.memory_space<hbm>>) dst(%arg9 : memref<128xi32, #tpu.memory_space<vmem>>)
          tpu.yield
        }) : () -> ()
        %dma_start3A = arith.constant 0 : i32
        %dma_start3A_25 = arith.constant 0 : i32
        %dma_start3A_26 = tpu.memref_slice %arg3[%dma_start3A, %dma_start3A_25] : memref<10240x128xf32, #tpu.memory_space<hbm>> -> memref<10240x128xf32, #tpu.memory_space<hbm>>
        tpu.enqueue_indirect_dma source(%dma_start3A_26 : memref<10240x128xf32, #tpu.memory_space<hbm>>) target(%arg10 : memref<128x128xf32, #tpu.memory_space<vmem>>) offsets(%arg8 : memref<128xi32, #tpu.memory_space<vmem>>) semaphore(%arg11 : memref<!tpu.dma_semaphore, #tpu.memory_space<semaphore_mem>>)
        %dma_wait3A = arith.constant 0 : i32
        %dma_wait3A_27 = arith.constant 0 : i32
        %dma_wait3A_28 = tpu.memref_slice %arg3[%dma_wait3A, %dma_wait3A_27] : memref<10240x128xf32, #tpu.memory_space<hbm>> -> memref<10240x128xf32, #tpu.memory_space<hbm>>
        tpu.wait_indirect_dma semaphore(%arg11 : memref<!tpu.dma_semaphore, #tpu.memory_space<semaphore_mem>>) src(%dma_wait3A_28 : memref<10240x128xf32, #tpu.memory_space<hbm>>) dst(%arg10 : memref<128x128xf32, #tpu.memory_space<vmem>>)
        "tpu.region"() ({
          %run_scoped3A = tpu.sem_alloc : memref<!tpu.dma_semaphore, #tpu.memory_space<semaphore_mem>>
          %dma_start3A_29 = arith.constant 0 : i32
          %dma_start3A_30 = arith.constant 0 : i32
          %dma_start3A_31 = tpu.memref_slice %arg12[%dma_start3A_29, %dma_start3A_30] : memref<10240x128xf32, #tpu.memory_space<vmem_shared>> -> memref<10240x128xf32, #tpu.memory_space<vmem_shared>>
          tpu.enqueue_indirect_dma source(%arg10 : memref<128x128xf32, #tpu.memory_space<vmem>>) target(%dma_start3A_31 : memref<10240x128xf32, #tpu.memory_space<vmem_shared>>) offsets(%arg9 : memref<128xi32, #tpu.memory_space<vmem>>) semaphore(%run_scoped3A : memref<!tpu.dma_semaphore, #tpu.memory_space<semaphore_mem>>) {add = true}
          %dma_wait3A_32 = arith.constant 0 : i32
          %dma_wait3A_33 = arith.constant 0 : i32
          %dma_wait3A_34 = tpu.memref_slice %arg12[%dma_wait3A_32, %dma_wait3A_33] : memref<10240x128xf32, #tpu.memory_space<vmem_shared>> -> memref<10240x128xf32, #tpu.memory_space<vmem_shared>>
          tpu.wait_indirect_dma semaphore(%run_scoped3A : memref<!tpu.dma_semaphore, #tpu.memory_space<semaphore_mem>>) src(%arg10 : memref<128x128xf32, #tpu.memory_space<vmem>>) dst(%dma_wait3A_34 : memref<10240x128xf32, #tpu.memory_space<vmem_shared>>)
          tpu.yield
        }) : () -> ()
      }
      %scan3A_14 = arith.constant 320 : i32
      %barrier3A_15 = arith.constant 0 : index
      tpu.barrier barrier_id(%barrier3A_15)
      %mul3A_16 = arith.constant 640 : i32
      %mul3A_17 = arith.muli %arg1, %mul3A_16 : i32
      %mul3A_18 = arith.constant 640 : i32
      %mul3A_19 = arith.muli %arg1, %mul3A_18 : i32
      "tpu.region"() ({
        %run_scoped3A = tpu.sem_alloc : memref<!tpu.dma_semaphore, #tpu.memory_space<semaphore_mem>>
        %dma_start3A = arith.constant 0 : i32
        %dma_start3A_20 = tpu.memref_slice %arg7[%mul3A_19, %dma_start3A] : memref<10240x128xf32, #tpu.memory_space<hbm>> -> memref<640x128xf32, #tpu.memory_space<hbm>>
        %dma_start3A_21 = arith.constant 0 : i32
        %dma_start3A_22 = tpu.memref_slice %arg12[%mul3A_17, %dma_start3A_21] : memref<10240x128xf32, #tpu.memory_space<vmem_shared>> -> memref<640x128xf32, #tpu.memory_space<vmem_shared>>
        tpu.enqueue_dma source(%dma_start3A_22 : memref<640x128xf32, #tpu.memory_space<vmem_shared>>) target(%dma_start3A_20 : memref<640x128xf32, #tpu.memory_space<hbm>>) target_semaphore(%run_scoped3A : memref<!tpu.dma_semaphore, #tpu.memory_space<semaphore_mem>>)
        %dma_wait3A = arith.constant 0 : i32
        %dma_wait3A_23 = tpu.memref_slice %arg7[%mul3A_19, %dma_wait3A] : memref<10240x128xf32, #tpu.memory_space<hbm>> -> memref<640x128xf32, #tpu.memory_space<hbm>>
        %dma_wait3A_24 = arith.constant 0 : i32
        %dma_wait3A_25 = tpu.memref_slice %arg12[%mul3A_17, %dma_wait3A_24] : memref<10240x128xf32, #tpu.memory_space<vmem_shared>> -> memref<640x128xf32, #tpu.memory_space<vmem_shared>>
        tpu.wait_dma2 semaphore(%run_scoped3A : memref<!tpu.dma_semaphore, #tpu.memory_space<semaphore_mem>>) src(%dma_wait3A_25 : memref<640x128xf32, #tpu.memory_space<vmem_shared>>) dst(%dma_wait3A_23 : memref<640x128xf32, #tpu.memory_space<hbm>>)
        tpu.yield
      }) : () -> ()
    } else {
    }
    return
  }
}

module attributes {stable_mosaic.version = 14 : i64} {
  func.func @_prep_body(%arg0: i32, %arg1: memref<1024x1xf32, #tpu.memory_space<vmem>>, %arg2: memref<1024x8xf32, #tpu.memory_space<vmem>>, %arg3: memref<1024x128xf32, #tpu.memory_space<vmem>>, %arg4: memref<128x128xf32, #tpu.memory_space<vmem>>, %arg5: memref<1x128xf32, #tpu.memory_space<vmem>>, %arg6: memref<8x128xf32, #tpu.memory_space<vmem>>, %arg7: memref<1x128xf32, #tpu.memory_space<vmem>>, %arg8: memref<128x128xf32, #tpu.memory_space<vmem>>, %arg9: memref<128x128xf32, #tpu.memory_space<vmem>>, %arg10: memref<1024x128xf32, #tpu.memory_space<vmem>>, %arg11: memref<1024x128xf32, #tpu.memory_space<vmem>>, %arg12: memref<1024x8xf32, #tpu.memory_space<vmem>>) attributes {dimension_semantics = [#tpu.dimension_semantics<arbitrary>], iteration_bounds = array<i64: 10>, scalar_prefetch = 0 : i64, scratch_operands = 0 : i64, tpu.core_type = #tpu.core_type<tc>, window_params = [{transform_indices = @transform_0, window_bounds = array<i64: 1024, 1>}, {transform_indices = @transform_1, window_bounds = array<i64: 1024, 8>}, {transform_indices = @transform_2, window_bounds = array<i64: 1024, 128>}, {pipeline_mode = #tpu.pipeline_mode<synchronous>, transform_indices = @transform_3, window_bounds = array<i64: 128, 128>}, {pipeline_mode = #tpu.pipeline_mode<synchronous>, transform_indices = @transform_4, window_bounds = array<i64: 1, 128>}, {pipeline_mode = #tpu.pipeline_mode<synchronous>, transform_indices = @transform_5, window_bounds = array<i64: 8, 128>}, {pipeline_mode = #tpu.pipeline_mode<synchronous>, transform_indices = @transform_6, window_bounds = array<i64: 1, 128>}, {pipeline_mode = #tpu.pipeline_mode<synchronous>, transform_indices = @transform_7, window_bounds = array<i64: 128, 128>}, {pipeline_mode = #tpu.pipeline_mode<synchronous>, transform_indices = @transform_8, window_bounds = array<i64: 128, 128>}, {transform_indices = @transform_9, window_bounds = array<i64: 1024, 128>}, {transform_indices = @transform_10, window_bounds = array<i64: 1024, 128>}, {transform_indices = @transform_11, window_bounds = array<i64: 1024, 8>}]} {
    %get3A = arith.constant 0 : index
    %get3A_0 = arith.constant 0 : index
    %get3A_1 = vector.load %arg1[%get3A, %get3A_0] : memref<1024x1xf32, #tpu.memory_space<vmem>>, vector<1024x1xf32>
    %iota3A = tpu.iota {dimensions = array<i32: 1>} : vector<1024x128xi32>
    %convert_element_type3A = arith.sitofp %iota3A : vector<1024x128xi32> to vector<1024x128xf32>
    %eq3A = vector.broadcast %get3A_1 : vector<1024x1xf32> to vector<1024x128xf32>
    %eq3A_2 = arith.cmpf oeq, %convert_element_type3A, %eq3A : vector<1024x128xf32>
    %convert_element_type3A_3 = arith.extui %eq3A_2 : vector<1024x128xi1> to vector<1024x128xi32>
    %convert_element_type3A_4 = arith.sitofp %convert_element_type3A_3 : vector<1024x128xi32> to vector<1024x128xf32>
    %get3A_5 = arith.constant 0 : index
    %get3A_6 = arith.constant 0 : index
    %get3A_7 = vector.load %arg4[%get3A_5, %get3A_6] : memref<128x128xf32, #tpu.memory_space<vmem>>, vector<128x128xf32>
    %dot_general3A = arith.constant dense<0.000000e+00> : vector<1024x128xf32>
    %dot_general3A_8 = tpu.matmul %convert_element_type3A_4, %get3A_7, %dot_general3A {dimension_numbers = #tpu.dot_dimension_numbers<[1], [0], [0], [1], [0, 0, 1, 1], [], []>, transpose_lhs_hint = false} : vector<1024x128xf32>, vector<128x128xf32>, vector<1024x128xf32> -> vector<1024x128xf32>
    %get3A_9 = arith.constant 0 : index
    %get3A_10 = arith.constant 0 : index
    %get3A_11 = vector.load %arg5[%get3A_9, %get3A_10] : memref<1x128xf32, #tpu.memory_space<vmem>>, vector<1x128xf32>
    %add3A = vector.broadcast %get3A_11 : vector<1x128xf32> to vector<1024x128xf32>
    %add3A_12 = arith.addf %dot_general3A_8, %add3A : vector<1024x128xf32>
    %get3A_13 = arith.constant 0 : index
    %get3A_14 = arith.constant 0 : index
    %get3A_15 = vector.load %arg2[%get3A_13, %get3A_14] : memref<1024x8xf32, #tpu.memory_space<vmem>>, vector<1024x8xf32>
    %get3A_16 = arith.constant 0 : index
    %get3A_17 = arith.constant 0 : index
    %get3A_18 = vector.load %arg6[%get3A_16, %get3A_17] : memref<8x128xf32, #tpu.memory_space<vmem>>, vector<8x128xf32>
    %dot_general3A_19 = arith.constant dense<0.000000e+00> : vector<1024x128xf32>
    %dot_general3A_20 = tpu.matmul %get3A_15, %get3A_18, %dot_general3A_19 {dimension_numbers = #tpu.dot_dimension_numbers<[1], [0], [0], [1], [0, 0, 1, 1], [], []>, transpose_lhs_hint = false} : vector<1024x8xf32>, vector<8x128xf32>, vector<1024x128xf32> -> vector<1024x128xf32>
    %get3A_21 = arith.constant 0 : index
    %get3A_22 = arith.constant 0 : index
    %get3A_23 = vector.load %arg7[%get3A_21, %get3A_22] : memref<1x128xf32, #tpu.memory_space<vmem>>, vector<1x128xf32>
    %add3A_24 = vector.broadcast %get3A_23 : vector<1x128xf32> to vector<1024x128xf32>
    %add3A_25 = arith.addf %dot_general3A_20, %add3A_24 : vector<1024x128xf32>
    %get3A_26 = arith.constant 0 : index
    %get3A_27 = arith.constant 0 : index
    %get3A_28 = vector.load %arg3[%get3A_26, %get3A_27] : memref<1024x128xf32, #tpu.memory_space<vmem>>, vector<1024x128xf32>
    %slice3A = vector.extract_strided_slice %get3A_28 {offsets = [0, 0], sizes = [1024, 1], strides = [1, 1]} : vector<1024x128xf32> to vector<1024x1xf32>
    %rsqrt3A = math.rsqrt %slice3A : vector<1024x1xf32>
    %broadcast_in_dim3A = vector.shape_cast %rsqrt3A : vector<1024x1xf32> to vector<1024x1xf32>
    %broadcast_in_dim3A_29 = vector.broadcast %broadcast_in_dim3A : vector<1024x1xf32> to vector<1024x8xf32>
    %swap3A = arith.constant 0 : index
    %swap3A_30 = arith.constant 0 : index
    %swap3A_31 = vector.load %arg12[%swap3A, %swap3A_30] : memref<1024x8xf32, #tpu.memory_space<vmem>>, vector<1024x8xf32>
    tpu.vector_store %arg12[%swap3A, %swap3A_30], %broadcast_in_dim3A_29 {strides = array<i32>} : memref<1024x8xf32, #tpu.memory_space<vmem>>, vector<1024x8xf32>,
    %get3A_32 = arith.constant 0 : index
    %get3A_33 = arith.constant 0 : index
    %get3A_34 = vector.load %arg8[%get3A_32, %get3A_33] : memref<128x128xf32, #tpu.memory_space<vmem>>, vector<128x128xf32>
    %dot_general3A_35 = arith.constant dense<0.000000e+00> : vector<1024x128xf32>
    %dot_general3A_36 = tpu.matmul %add3A_12, %get3A_34, %dot_general3A_35 {dimension_numbers = #tpu.dot_dimension_numbers<[1], [0], [0], [1], [0, 0, 1, 1], [], []>, transpose_lhs_hint = false} : vector<1024x128xf32>, vector<128x128xf32>, vector<1024x128xf32> -> vector<1024x128xf32>
    %mul3A = vector.broadcast %rsqrt3A : vector<1024x1xf32> to vector<1024x128xf32>
    %mul3A_37 = arith.mulf %dot_general3A_36, %mul3A : vector<1024x128xf32>
    %swap3A_38 = arith.constant 0 : index
    %swap3A_39 = arith.constant 0 : index
    %swap3A_40 = vector.load %arg10[%swap3A_38, %swap3A_39] : memref<1024x128xf32, #tpu.memory_space<vmem>>, vector<1024x128xf32>
    tpu.vector_store %arg10[%swap3A_38, %swap3A_39], %mul3A_37 {strides = array<i32>} : memref<1024x128xf32, #tpu.memory_space<vmem>>, vector<1024x128xf32>,
    %get3A_41 = arith.constant 0 : index
    %get3A_42 = arith.constant 0 : index
    %get3A_43 = vector.load %arg9[%get3A_41, %get3A_42] : memref<128x128xf32, #tpu.memory_space<vmem>>, vector<128x128xf32>
    %dot_general3A_44 = arith.constant dense<0.000000e+00> : vector<1024x128xf32>
    %dot_general3A_45 = tpu.matmul %add3A_25, %get3A_43, %dot_general3A_44 {dimension_numbers = #tpu.dot_dimension_numbers<[1], [0], [0], [1], [0, 0, 1, 1], [], []>, transpose_lhs_hint = false} : vector<1024x128xf32>, vector<128x128xf32>, vector<1024x128xf32> -> vector<1024x128xf32>
    %mul3A_46 = vector.broadcast %rsqrt3A : vector<1024x1xf32> to vector<1024x128xf32>
    %mul3A_47 = arith.mulf %dot_general3A_45, %mul3A_46 : vector<1024x128xf32>
    %swap3A_48 = arith.constant 0 : index
    %swap3A_49 = arith.constant 0 : index
    %swap3A_50 = vector.load %arg11[%swap3A_48, %swap3A_49] : memref<1024x128xf32, #tpu.memory_space<vmem>>, vector<1024x128xf32>
    tpu.vector_store %arg11[%swap3A_48, %swap3A_49], %mul3A_47 {strides = array<i32>} : memref<1024x128xf32, #tpu.memory_space<vmem>>, vector<1024x128xf32>,
    return
  }
  func.func @transform_0(%arg0: i32) -> (i32, i32) {
    %c0_i32 = arith.constant 0 : i32
    %c0_i32_0 = arith.constant 0 : i32
    return %arg0, %c0_i32 : i32, i32
  }
  func.func @transform_1(%arg0: i32) -> (i32, i32) {
    %c0_i32 = arith.constant 0 : i32
    %c0_i32_0 = arith.constant 0 : i32
    return %arg0, %c0_i32 : i32, i32
  }
  func.func @transform_2(%arg0: i32) -> (i32, i32) {
    %c0_i32 = arith.constant 0 : i32
    %c0_i32_0 = arith.constant 0 : i32
    return %arg0, %c0_i32 : i32, i32
  }
  func.func @transform_3(%arg0: i32) -> (i32, i32) {
    %c0_i32 = arith.constant 0 : i32
    %c0_i32_0 = arith.constant 0 : i32
    %c0_i32_1 = arith.constant 0 : i32
    return %c0_i32, %c0_i32_0 : i32, i32
  }
  func.func @transform_4(%arg0: i32) -> (i32, i32) {
    %c0_i32 = arith.constant 0 : i32
    %c0_i32_0 = arith.constant 0 : i32
    %c0_i32_1 = arith.constant 0 : i32
    return %c0_i32, %c0_i32_0 : i32, i32
  }
  func.func @transform_5(%arg0: i32) -> (i32, i32) {
    %c0_i32 = arith.constant 0 : i32
    %c0_i32_0 = arith.constant 0 : i32
    %c0_i32_1 = arith.constant 0 : i32
    return %c0_i32, %c0_i32_0 : i32, i32
  }
  func.func @transform_6(%arg0: i32) -> (i32, i32) {
    %c0_i32 = arith.constant 0 : i32
    %c0_i32_0 = arith.constant 0 : i32
    %c0_i32_1 = arith.constant 0 : i32
    return %c0_i32, %c0_i32_0 : i32, i32
  }
  func.func @transform_7(%arg0: i32) -> (i32, i32) {
    %c0_i32 = arith.constant 0 : i32
    %c0_i32_0 = arith.constant 0 : i32
    %c0_i32_1 = arith.constant 0 : i32
    return %c0_i32, %c0_i32_0 : i32, i32
  }
  func.func @transform_8(%arg0: i32) -> (i32, i32) {
    %c0_i32 = arith.constant 0 : i32
    %c0_i32_0 = arith.constant 0 : i32
    %c0_i32_1 = arith.constant 0 : i32
    return %c0_i32, %c0_i32_0 : i32, i32
  }
  func.func @transform_9(%arg0: i32) -> (i32, i32) {
    %c0_i32 = arith.constant 0 : i32
    %c0_i32_0 = arith.constant 0 : i32
    return %arg0, %c0_i32 : i32, i32
  }
  func.func @transform_10(%arg0: i32) -> (i32, i32) {
    %c0_i32 = arith.constant 0 : i32
    %c0_i32_0 = arith.constant 0 : i32
    return %arg0, %c0_i32 : i32, i32
  }
  func.func @transform_11(%arg0: i32) -> (i32, i32) {
    %c0_i32 = arith.constant 0 : i32
    %c0_i32_0 = arith.constant 0 : i32
    return %arg0, %c0_i32 : i32, i32
  }
}

module attributes {stable_mosaic.version = 14 : i64} {
  func.func @_mid_body(%arg0: i32, %arg1: memref<1024x128xf32, #tpu.memory_space<vmem>>, %arg2: memref<1024x128xf32, #tpu.memory_space<vmem>>, %arg3: memref<1024x8xf32, #tpu.memory_space<vmem>>, %arg4: memref<1x128xf32, #tpu.memory_space<vmem>>, %arg5: memref<1x128xf32, #tpu.memory_space<vmem>>, %arg6: memref<1x128xf32, #tpu.memory_space<vmem>>, %arg7: memref<1x128xf32, #tpu.memory_space<vmem>>, %arg8: memref<1x128xf32, #tpu.memory_space<vmem>>, %arg9: memref<1x128xf32, #tpu.memory_space<vmem>>, %arg10: memref<128x128xf32, #tpu.memory_space<vmem>>, %arg11: memref<128x128xf32, #tpu.memory_space<vmem>>, %arg12: memref<1024x128xf32, #tpu.memory_space<vmem>>, %arg13: memref<1024x128xf32, #tpu.memory_space<vmem>>) attributes {dimension_semantics = [#tpu.dimension_semantics<arbitrary>], iteration_bounds = array<i64: 10>, scalar_prefetch = 0 : i64, scratch_operands = 0 : i64, tpu.core_type = #tpu.core_type<tc>, window_params = [{transform_indices = @transform_0, window_bounds = array<i64: 1024, 128>}, {transform_indices = @transform_1, window_bounds = array<i64: 1024, 128>}, {transform_indices = @transform_2, window_bounds = array<i64: 1024, 8>}, {pipeline_mode = #tpu.pipeline_mode<synchronous>, transform_indices = @transform_3, window_bounds = array<i64: 1, 128>}, {pipeline_mode = #tpu.pipeline_mode<synchronous>, transform_indices = @transform_4, window_bounds = array<i64: 1, 128>}, {pipeline_mode = #tpu.pipeline_mode<synchronous>, transform_indices = @transform_5, window_bounds = array<i64: 1, 128>}, {pipeline_mode = #tpu.pipeline_mode<synchronous>, transform_indices = @transform_6, window_bounds = array<i64: 1, 128>}, {pipeline_mode = #tpu.pipeline_mode<synchronous>, transform_indices = @transform_7, window_bounds = array<i64: 1, 128>}, {pipeline_mode = #tpu.pipeline_mode<synchronous>, transform_indices = @transform_8, window_bounds = array<i64: 1, 128>}, {pipeline_mode = #tpu.pipeline_mode<synchronous>, transform_indices = @transform_9, window_bounds = array<i64: 128, 128>}, {pipeline_mode = #tpu.pipeline_mode<synchronous>, transform_indices = @transform_10, window_bounds = array<i64: 128, 128>}, {transform_indices = @transform_11, window_bounds = array<i64: 1024, 128>}, {transform_indices = @transform_12, window_bounds = array<i64: 1024, 128>}]} {
    %get3A = arith.constant 0 : index
    %get3A_0 = arith.constant 0 : index
    %get3A_1 = vector.load %arg3[%get3A, %get3A_0] : memref<1024x8xf32, #tpu.memory_space<vmem>>, vector<1024x8xf32>
    %slice3A = vector.extract_strided_slice %get3A_1 {offsets = [0, 0], sizes = [1024, 1], strides = [1, 1]} : vector<1024x8xf32> to vector<1024x1xf32>
    %get3A_2 = arith.constant 0 : index
    %get3A_3 = arith.constant 0 : index
    %get3A_4 = vector.load %arg1[%get3A_2, %get3A_3] : memref<1024x128xf32, #tpu.memory_space<vmem>>, vector<1024x128xf32>
    %get3A_5 = arith.constant 0 : index
    %get3A_6 = arith.constant 0 : index
    %get3A_7 = vector.load %arg4[%get3A_5, %get3A_6] : memref<1x128xf32, #tpu.memory_space<vmem>>, vector<1x128xf32>
    %get3A_8 = arith.constant 0 : index
    %get3A_9 = arith.constant 0 : index
    %get3A_10 = vector.load %arg5[%get3A_8, %get3A_9] : memref<1x128xf32, #tpu.memory_space<vmem>>, vector<1x128xf32>
    %get3A_11 = arith.constant 0 : index
    %get3A_12 = arith.constant 0 : index
    %get3A_13 = vector.load %arg6[%get3A_11, %get3A_12] : memref<1x128xf32, #tpu.memory_space<vmem>>, vector<1x128xf32>
    %get3A_14 = arith.constant 0 : index
    %get3A_15 = arith.constant 0 : index
    %get3A_16 = vector.load %arg10[%get3A_14, %get3A_15] : memref<128x128xf32, #tpu.memory_space<vmem>>, vector<128x128xf32>
    %mul3A = vector.broadcast %slice3A : vector<1024x1xf32> to vector<1024x128xf32>
    %mul3A_17 = arith.mulf %mul3A, %get3A_4 : vector<1024x128xf32>
    %add3A = vector.broadcast %get3A_7 : vector<1x128xf32> to vector<1024x128xf32>
    %add3A_18 = arith.addf %mul3A_17, %add3A : vector<1024x128xf32>
    %reduce_sum3A = arith.constant dense<0.000000e+00> : vector<1024xf32>
    %reduce_sum3A_19 = vector.multi_reduction <add>, %add3A_18, %reduce_sum3A [1] : vector<1024x128xf32> to vector<1024xf32>
    %broadcast_in_dim3A = vector.shape_cast %reduce_sum3A_19 : vector<1024xf32> to vector<1024x1xf32>
    %div3A = arith.constant 1.280000e+02 : f32
    %div3A_20 = vector.broadcast %div3A : f32 to vector<1024x1xf32>
    %div3A_21 = arith.divf %broadcast_in_dim3A, %div3A_20 : vector<1024x1xf32>
    %sub3A = vector.broadcast %div3A_21 : vector<1024x1xf32> to vector<1024x128xf32>
    %sub3A_22 = arith.subf %add3A_18, %sub3A : vector<1024x128xf32>
    %integer_pow3A = arith.mulf %sub3A_22, %sub3A_22 : vector<1024x128xf32>
    %reduce_sum3A_23 = arith.constant dense<0.000000e+00> : vector<1024xf32>
    %reduce_sum3A_24 = vector.multi_reduction <add>, %integer_pow3A, %reduce_sum3A_23 [1] : vector<1024x128xf32> to vector<1024xf32>
    %broadcast_in_dim3A_25 = vector.shape_cast %reduce_sum3A_24 : vector<1024xf32> to vector<1024x1xf32>
    %div3A_26 = arith.constant 1.280000e+02 : f32
    %div3A_27 = vector.broadcast %div3A_26 : f32 to vector<1024x1xf32>
    %div3A_28 = arith.divf %broadcast_in_dim3A_25, %div3A_27 : vector<1024x1xf32>
    %sub3A_29 = vector.broadcast %div3A_21 : vector<1024x1xf32> to vector<1024x128xf32>
    %sub3A_30 = arith.subf %add3A_18, %sub3A_29 : vector<1024x128xf32>
    %add3A_31 = arith.constant 9.99999974E-6 : f32
    %add3A_32 = vector.broadcast %add3A_31 : f32 to vector<1024x1xf32>
    %add3A_33 = arith.addf %div3A_28, %add3A_32 : vector<1024x1xf32>
    %rsqrt3A = math.rsqrt %add3A_33 : vector<1024x1xf32>
    %mul3A_34 = vector.broadcast %rsqrt3A : vector<1024x1xf32> to vector<1024x128xf32>
    %mul3A_35 = arith.mulf %sub3A_30, %mul3A_34 : vector<1024x128xf32>
    %mul3A_36 = vector.broadcast %get3A_10 : vector<1x128xf32> to vector<1024x128xf32>
    %mul3A_37 = arith.mulf %mul3A_35, %mul3A_36 : vector<1024x128xf32>
    %add3A_38 = vector.broadcast %get3A_13 : vector<1x128xf32> to vector<1024x128xf32>
    %add3A_39 = arith.addf %mul3A_37, %add3A_38 : vector<1024x128xf32>
    %gt3A = arith.constant 0.000000e+00 : f32
    %gt3A_40 = vector.broadcast %gt3A : f32 to vector<1024x128xf32>
    %gt3A_41 = arith.cmpf ogt, %add3A_39, %gt3A_40 : vector<1024x128xf32>
    %min3A = arith.constant 0.000000e+00 : f32
    %min3A_42 = vector.broadcast %min3A : f32 to vector<1024x128xf32>
    %min3A_43 = arith.minimumf %add3A_39, %min3A_42 : vector<1024x128xf32>
    %exp3A = math.exp %min3A_43 : vector<1024x128xf32>
    %sub3A_44 = arith.constant 1.000000e+00 : f32
    %sub3A_45 = vector.broadcast %sub3A_44 : f32 to vector<1024x128xf32>
    %sub3A_46 = arith.subf %exp3A, %sub3A_45 : vector<1024x128xf32>
    %select_n3A = arith.select %gt3A_41, %add3A_39, %sub3A_46 : vector<1024x128xi1>, vector<1024x128xf32>
    %dot_general3A = arith.constant dense<0.000000e+00> : vector<1024x128xf32>
    %dot_general3A_47 = tpu.matmul %select_n3A, %get3A_16, %dot_general3A {dimension_numbers = #tpu.dot_dimension_numbers<[1], [0], [0], [1], [0, 0, 1, 1], [], []>, transpose_lhs_hint = false} : vector<1024x128xf32>, vector<128x128xf32>, vector<1024x128xf32> -> vector<1024x128xf32>
    %mul3A_48 = vector.broadcast %slice3A : vector<1024x1xf32> to vector<1024x128xf32>
    %mul3A_49 = arith.mulf %dot_general3A_47, %mul3A_48 : vector<1024x128xf32>
    %swap3A = arith.constant 0 : index
    %swap3A_50 = arith.constant 0 : index
    %swap3A_51 = vector.load %arg12[%swap3A, %swap3A_50] : memref<1024x128xf32, #tpu.memory_space<vmem>>, vector<1024x128xf32>
    tpu.vector_store %arg12[%swap3A, %swap3A_50], %mul3A_49 {strides = array<i32>} : memref<1024x128xf32, #tpu.memory_space<vmem>>, vector<1024x128xf32>,
    %get3A_52 = arith.constant 0 : index
    %get3A_53 = arith.constant 0 : index
    %get3A_54 = vector.load %arg2[%get3A_52, %get3A_53] : memref<1024x128xf32, #tpu.memory_space<vmem>>, vector<1024x128xf32>
    %get3A_55 = arith.constant 0 : index
    %get3A_56 = arith.constant 0 : index
    %get3A_57 = vector.load %arg7[%get3A_55, %get3A_56] : memref<1x128xf32, #tpu.memory_space<vmem>>, vector<1x128xf32>
    %get3A_58 = arith.constant 0 : index
    %get3A_59 = arith.constant 0 : index
    %get3A_60 = vector.load %arg8[%get3A_58, %get3A_59] : memref<1x128xf32, #tpu.memory_space<vmem>>, vector<1x128xf32>
    %get3A_61 = arith.constant 0 : index
    %get3A_62 = arith.constant 0 : index
    %get3A_63 = vector.load %arg9[%get3A_61, %get3A_62] : memref<1x128xf32, #tpu.memory_space<vmem>>, vector<1x128xf32>
    %get3A_64 = arith.constant 0 : index
    %get3A_65 = arith.constant 0 : index
    %get3A_66 = vector.load %arg11[%get3A_64, %get3A_65] : memref<128x128xf32, #tpu.memory_space<vmem>>, vector<128x128xf32>
    %mul3A_67 = vector.broadcast %slice3A : vector<1024x1xf32> to vector<1024x128xf32>
    %mul3A_68 = arith.mulf %mul3A_67, %get3A_54 : vector<1024x128xf32>
    %add3A_69 = vector.broadcast %get3A_57 : vector<1x128xf32> to vector<1024x128xf32>
    %add3A_70 = arith.addf %mul3A_68, %add3A_69 : vector<1024x128xf32>
    %reduce_sum3A_71 = arith.constant dense<0.000000e+00> : vector<1024xf32>
    %reduce_sum3A_72 = vector.multi_reduction <add>, %add3A_70, %reduce_sum3A_71 [1] : vector<1024x128xf32> to vector<1024xf32>
    %broadcast_in_dim3A_73 = vector.shape_cast %reduce_sum3A_72 : vector<1024xf32> to vector<1024x1xf32>
    %div3A_74 = arith.constant 1.280000e+02 : f32
    %div3A_75 = vector.broadcast %div3A_74 : f32 to vector<1024x1xf32>
    %div3A_76 = arith.divf %broadcast_in_dim3A_73, %div3A_75 : vector<1024x1xf32>
    %sub3A_77 = vector.broadcast %div3A_76 : vector<1024x1xf32> to vector<1024x128xf32>
    %sub3A_78 = arith.subf %add3A_70, %sub3A_77 : vector<1024x128xf32>
    %integer_pow3A_79 = arith.mulf %sub3A_78, %sub3A_78 : vector<1024x128xf32>
    %reduce_sum3A_80 = arith.constant dense<0.000000e+00> : vector<1024xf32>
    %reduce_sum3A_81 = vector.multi_reduction <add>, %integer_pow3A_79, %reduce_sum3A_80 [1] : vector<1024x128xf32> to vector<1024xf32>
    %broadcast_in_dim3A_82 = vector.shape_cast %reduce_sum3A_81 : vector<1024xf32> to vector<1024x1xf32>
    %div3A_83 = arith.constant 1.280000e+02 : f32
    %div3A_84 = vector.broadcast %div3A_83 : f32 to vector<1024x1xf32>
    %div3A_85 = arith.divf %broadcast_in_dim3A_82, %div3A_84 : vector<1024x1xf32>
    %sub3A_86 = vector.broadcast %div3A_76 : vector<1024x1xf32> to vector<1024x128xf32>
    %sub3A_87 = arith.subf %add3A_70, %sub3A_86 : vector<1024x128xf32>
    %add3A_88 = arith.constant 9.99999974E-6 : f32
    %add3A_89 = vector.broadcast %add3A_88 : f32 to vector<1024x1xf32>
    %add3A_90 = arith.addf %div3A_85, %add3A_89 : vector<1024x1xf32>
    %rsqrt3A_91 = math.rsqrt %add3A_90 : vector<1024x1xf32>
    %mul3A_92 = vector.broadcast %rsqrt3A_91 : vector<1024x1xf32> to vector<1024x128xf32>
    %mul3A_93 = arith.mulf %sub3A_87, %mul3A_92 : vector<1024x128xf32>
    %mul3A_94 = vector.broadcast %get3A_60 : vector<1x128xf32> to vector<1024x128xf32>
    %mul3A_95 = arith.mulf %mul3A_93, %mul3A_94 : vector<1024x128xf32>
    %add3A_96 = vector.broadcast %get3A_63 : vector<1x128xf32> to vector<1024x128xf32>
    %add3A_97 = arith.addf %mul3A_95, %add3A_96 : vector<1024x128xf32>
    %gt3A_98 = arith.constant 0.000000e+00 : f32
    %gt3A_99 = vector.broadcast %gt3A_98 : f32 to vector<1024x128xf32>
    %gt3A_100 = arith.cmpf ogt, %add3A_97, %gt3A_99 : vector<1024x128xf32>
    %min3A_101 = arith.constant 0.000000e+00 : f32
    %min3A_102 = vector.broadcast %min3A_101 : f32 to vector<1024x128xf32>
    %min3A_103 = arith.minimumf %add3A_97, %min3A_102 : vector<1024x128xf32>
    %exp3A_104 = math.exp %min3A_103 : vector<1024x128xf32>
    %sub3A_105 = arith.constant 1.000000e+00 : f32
    %sub3A_106 = vector.broadcast %sub3A_105 : f32 to vector<1024x128xf32>
    %sub3A_107 = arith.subf %exp3A_104, %sub3A_106 : vector<1024x128xf32>
    %select_n3A_108 = arith.select %gt3A_100, %add3A_97, %sub3A_107 : vector<1024x128xi1>, vector<1024x128xf32>
    %dot_general3A_109 = arith.constant dense<0.000000e+00> : vector<1024x128xf32>
    %dot_general3A_110 = tpu.matmul %select_n3A_108, %get3A_66, %dot_general3A_109 {dimension_numbers = #tpu.dot_dimension_numbers<[1], [0], [0], [1], [0, 0, 1, 1], [], []>, transpose_lhs_hint = false} : vector<1024x128xf32>, vector<128x128xf32>, vector<1024x128xf32> -> vector<1024x128xf32>
    %mul3A_111 = vector.broadcast %slice3A : vector<1024x1xf32> to vector<1024x128xf32>
    %mul3A_112 = arith.mulf %dot_general3A_110, %mul3A_111 : vector<1024x128xf32>
    %swap3A_113 = arith.constant 0 : index
    %swap3A_114 = arith.constant 0 : index
    %swap3A_115 = vector.load %arg13[%swap3A_113, %swap3A_114] : memref<1024x128xf32, #tpu.memory_space<vmem>>, vector<1024x128xf32>
    tpu.vector_store %arg13[%swap3A_113, %swap3A_114], %mul3A_112 {strides = array<i32>} : memref<1024x128xf32, #tpu.memory_space<vmem>>, vector<1024x128xf32>,
    return
  }
  func.func @transform_0(%arg0: i32) -> (i32, i32) {
    %c0_i32 = arith.constant 0 : i32
    %c0_i32_0 = arith.constant 0 : i32
    return %arg0, %c0_i32 : i32, i32
  }
  func.func @transform_1(%arg0: i32) -> (i32, i32) {
    %c0_i32 = arith.constant 0 : i32
    %c0_i32_0 = arith.constant 0 : i32
    return %arg0, %c0_i32 : i32, i32
  }
  func.func @transform_2(%arg0: i32) -> (i32, i32) {
    %c0_i32 = arith.constant 0 : i32
    %c0_i32_0 = arith.constant 0 : i32
    return %arg0, %c0_i32 : i32, i32
  }
  func.func @transform_3(%arg0: i32) -> (i32, i32) {
    %c0_i32 = arith.constant 0 : i32
    %c0_i32_0 = arith.constant 0 : i32
    %c0_i32_1 = arith.constant 0 : i32
    return %c0_i32, %c0_i32_0 : i32, i32
  }
  func.func @transform_4(%arg0: i32) -> (i32, i32) {
    %c0_i32 = arith.constant 0 : i32
    %c0_i32_0 = arith.constant 0 : i32
    %c0_i32_1 = arith.constant 0 : i32
    return %c0_i32, %c0_i32_0 : i32, i32
  }
  func.func @transform_5(%arg0: i32) -> (i32, i32) {
    %c0_i32 = arith.constant 0 : i32
    %c0_i32_0 = arith.constant 0 : i32
    %c0_i32_1 = arith.constant 0 : i32
    return %c0_i32, %c0_i32_0 : i32, i32
  }
  func.func @transform_6(%arg0: i32) -> (i32, i32) {
    %c0_i32 = arith.constant 0 : i32
    %c0_i32_0 = arith.constant 0 : i32
    %c0_i32_1 = arith.constant 0 : i32
    return %c0_i32, %c0_i32_0 : i32, i32
  }
  func.func @transform_7(%arg0: i32) -> (i32, i32) {
    %c0_i32 = arith.constant 0 : i32
    %c0_i32_0 = arith.constant 0 : i32
    %c0_i32_1 = arith.constant 0 : i32
    return %c0_i32, %c0_i32_0 : i32, i32
  }
  func.func @transform_8(%arg0: i32) -> (i32, i32) {
    %c0_i32 = arith.constant 0 : i32
    %c0_i32_0 = arith.constant 0 : i32
    %c0_i32_1 = arith.constant 0 : i32
    return %c0_i32, %c0_i32_0 : i32, i32
  }
  func.func @transform_9(%arg0: i32) -> (i32, i32) {
    %c0_i32 = arith.constant 0 : i32
    %c0_i32_0 = arith.constant 0 : i32
    %c0_i32_1 = arith.constant 0 : i32
    return %c0_i32, %c0_i32_0 : i32, i32
  }
  func.func @transform_10(%arg0: i32) -> (i32, i32) {
    %c0_i32 = arith.constant 0 : i32
    %c0_i32_0 = arith.constant 0 : i32
    %c0_i32_1 = arith.constant 0 : i32
    return %c0_i32, %c0_i32_0 : i32, i32
  }
  func.func @transform_11(%arg0: i32) -> (i32, i32) {
    %c0_i32 = arith.constant 0 : i32
    %c0_i32_0 = arith.constant 0 : i32
    return %arg0, %c0_i32 : i32, i32
  }
  func.func @transform_12(%arg0: i32) -> (i32, i32) {
    %c0_i32 = arith.constant 0 : i32
    %c0_i32_0 = arith.constant 0 : i32
    return %arg0, %c0_i32 : i32, i32
  }
}

module attributes {stable_mosaic.version = 14 : i64} {
  func.func @_final_body(%arg0: i32, %arg1: memref<1024x128xf32, #tpu.memory_space<vmem>>, %arg2: memref<1024x128xf32, #tpu.memory_space<vmem>>, %arg3: memref<1024x8xf32, #tpu.memory_space<vmem>>, %arg4: memref<1x128xf32, #tpu.memory_space<vmem>>, %arg5: memref<1x128xf32, #tpu.memory_space<vmem>>, %arg6: memref<1024x1xf32, #tpu.memory_space<vmem>>, %arg7: memref<128x128xf32, #tpu.memory_space<vmem>>, %arg8: memref<128x128xf32, #tpu.memory_space<vmem>>, %arg9: memref<1x128xf32, #tpu.memory_space<vmem>>, %arg10: memref<128x128xf32, #tpu.memory_space<vmem>>, %arg11: memref<1x128xf32, #tpu.memory_space<vmem>>, %arg12: memref<64x128xf32, #tpu.memory_space<vmem>>, %arg13: memref<64x128xf32, #tpu.memory_space<vmem>>, %arg14: memref<64x8xf32, #tpu.memory_space<vmem>>) attributes {dimension_semantics = [#tpu.dimension_semantics<arbitrary>], iteration_bounds = array<i64: 10>, scalar_prefetch = 0 : i64, scratch_operands = 0 : i64, tpu.core_type = #tpu.core_type<tc>, window_params = [{transform_indices = @transform_0, window_bounds = array<i64: 1024, 128>}, {transform_indices = @transform_1, window_bounds = array<i64: 1024, 128>}, {transform_indices = @transform_2, window_bounds = array<i64: 1024, 8>}, {pipeline_mode = #tpu.pipeline_mode<synchronous>, transform_indices = @transform_3, window_bounds = array<i64: 1, 128>}, {pipeline_mode = #tpu.pipeline_mode<synchronous>, transform_indices = @transform_4, window_bounds = array<i64: 1, 128>}, {transform_indices = @transform_5, window_bounds = array<i64: 1024, 1>}, {pipeline_mode = #tpu.pipeline_mode<synchronous>, transform_indices = @transform_6, window_bounds = array<i64: 128, 128>}, {pipeline_mode = #tpu.pipeline_mode<synchronous>, transform_indices = @transform_7, window_bounds = array<i64: 128, 128>}, {pipeline_mode = #tpu.pipeline_mode<synchronous>, transform_indices = @transform_8, window_bounds = array<i64: 1, 128>}, {pipeline_mode = #tpu.pipeline_mode<synchronous>, transform_indices = @transform_9, window_bounds = array<i64: 128, 128>}, {pipeline_mode = #tpu.pipeline_mode<synchronous>, transform_indices = @transform_10, window_bounds = array<i64: 1, 128>}, {pipeline_mode = #tpu.pipeline_mode<synchronous>, transform_indices = @transform_11, window_bounds = array<i64: 64, 128>}, {pipeline_mode = #tpu.pipeline_mode<synchronous>, transform_indices = @transform_12, window_bounds = array<i64: 64, 128>}, {pipeline_mode = #tpu.pipeline_mode<synchronous>, transform_indices = @transform_13, window_bounds = array<i64: 64, 8>}]} {
    %get3A = arith.constant 0 : index
    %get3A_0 = arith.constant 0 : index
    %get3A_1 = vector.load %arg3[%get3A, %get3A_0] : memref<1024x8xf32, #tpu.memory_space<vmem>>, vector<1024x8xf32>
    %slice3A = vector.extract_strided_slice %get3A_1 {offsets = [0, 0], sizes = [1024, 1], strides = [1, 1]} : vector<1024x8xf32> to vector<1024x1xf32>
    %get3A_2 = arith.constant 0 : index
    %get3A_3 = arith.constant 0 : index
    %get3A_4 = vector.load %arg1[%get3A_2, %get3A_3] : memref<1024x128xf32, #tpu.memory_space<vmem>>, vector<1024x128xf32>
    %mul3A = vector.broadcast %slice3A : vector<1024x1xf32> to vector<1024x128xf32>
    %mul3A_5 = arith.mulf %mul3A, %get3A_4 : vector<1024x128xf32>
    %get3A_6 = arith.constant 0 : index
    %get3A_7 = arith.constant 0 : index
    %get3A_8 = vector.load %arg4[%get3A_6, %get3A_7] : memref<1x128xf32, #tpu.memory_space<vmem>>, vector<1x128xf32>
    %add3A = vector.broadcast %get3A_8 : vector<1x128xf32> to vector<1024x128xf32>
    %add3A_9 = arith.addf %mul3A_5, %add3A : vector<1024x128xf32>
    %gt3A = arith.constant 0.000000e+00 : f32
    %gt3A_10 = vector.broadcast %gt3A : f32 to vector<1024x128xf32>
    %gt3A_11 = arith.cmpf ogt, %add3A_9, %gt3A_10 : vector<1024x128xf32>
    %min3A = arith.constant 0.000000e+00 : f32
    %min3A_12 = vector.broadcast %min3A : f32 to vector<1024x128xf32>
    %min3A_13 = arith.minimumf %add3A_9, %min3A_12 : vector<1024x128xf32>
    %exp3A = math.exp %min3A_13 : vector<1024x128xf32>
    %sub3A = arith.constant 1.000000e+00 : f32
    %sub3A_14 = vector.broadcast %sub3A : f32 to vector<1024x128xf32>
    %sub3A_15 = arith.subf %exp3A, %sub3A_14 : vector<1024x128xf32>
    %select_n3A = arith.select %gt3A_11, %add3A_9, %sub3A_15 : vector<1024x128xi1>, vector<1024x128xf32>
    %get3A_16 = arith.constant 0 : index
    %get3A_17 = arith.constant 0 : index
    %get3A_18 = vector.load %arg2[%get3A_16, %get3A_17] : memref<1024x128xf32, #tpu.memory_space<vmem>>, vector<1024x128xf32>
    %mul3A_19 = vector.broadcast %slice3A : vector<1024x1xf32> to vector<1024x128xf32>
    %mul3A_20 = arith.mulf %mul3A_19, %get3A_18 : vector<1024x128xf32>
    %get3A_21 = arith.constant 0 : index
    %get3A_22 = arith.constant 0 : index
    %get3A_23 = vector.load %arg5[%get3A_21, %get3A_22] : memref<1x128xf32, #tpu.memory_space<vmem>>, vector<1x128xf32>
    %add3A_24 = vector.broadcast %get3A_23 : vector<1x128xf32> to vector<1024x128xf32>
    %add3A_25 = arith.addf %mul3A_20, %add3A_24 : vector<1024x128xf32>
    %gt3A_26 = arith.constant 0.000000e+00 : f32
    %gt3A_27 = vector.broadcast %gt3A_26 : f32 to vector<1024x128xf32>
    %gt3A_28 = arith.cmpf ogt, %add3A_25, %gt3A_27 : vector<1024x128xf32>
    %min3A_29 = arith.constant 0.000000e+00 : f32
    %min3A_30 = vector.broadcast %min3A_29 : f32 to vector<1024x128xf32>
    %min3A_31 = arith.minimumf %add3A_25, %min3A_30 : vector<1024x128xf32>
    %exp3A_32 = math.exp %min3A_31 : vector<1024x128xf32>
    %sub3A_33 = arith.constant 1.000000e+00 : f32
    %sub3A_34 = vector.broadcast %sub3A_33 : f32 to vector<1024x128xf32>
    %sub3A_35 = arith.subf %exp3A_32, %sub3A_34 : vector<1024x128xf32>
    %select_n3A_36 = arith.select %gt3A_28, %add3A_25, %sub3A_35 : vector<1024x128xi1>, vector<1024x128xf32>
    %get3A_37 = arith.constant 0 : index
    %get3A_38 = arith.constant 0 : index
    %get3A_39 = vector.load %arg7[%get3A_37, %get3A_38] : memref<128x128xf32, #tpu.memory_space<vmem>>, vector<128x128xf32>
    %dot_general3A = arith.constant dense<0.000000e+00> : vector<1024x128xf32>
    %dot_general3A_40 = tpu.matmul %select_n3A, %get3A_39, %dot_general3A {dimension_numbers = #tpu.dot_dimension_numbers<[1], [0], [0], [1], [0, 0, 1, 1], [], []>, transpose_lhs_hint = false} : vector<1024x128xf32>, vector<128x128xf32>, vector<1024x128xf32> -> vector<1024x128xf32>
    %get3A_41 = arith.constant 0 : index
    %get3A_42 = arith.constant 0 : index
    %get3A_43 = vector.load %arg8[%get3A_41, %get3A_42] : memref<128x128xf32, #tpu.memory_space<vmem>>, vector<128x128xf32>
    %dot_general3A_44 = arith.constant dense<0.000000e+00> : vector<1024x128xf32>
    %dot_general3A_45 = tpu.matmul %select_n3A_36, %get3A_43, %dot_general3A_44 {dimension_numbers = #tpu.dot_dimension_numbers<[1], [0], [0], [1], [0, 0, 1, 1], [], []>, transpose_lhs_hint = false} : vector<1024x128xf32>, vector<128x128xf32>, vector<1024x128xf32> -> vector<1024x128xf32>
    %add3A_46 = arith.addf %dot_general3A_40, %dot_general3A_45 : vector<1024x128xf32>
    %get3A_47 = arith.constant 0 : index
    %get3A_48 = arith.constant 0 : index
    %get3A_49 = vector.load %arg9[%get3A_47, %get3A_48] : memref<1x128xf32, #tpu.memory_space<vmem>>, vector<1x128xf32>
    %add3A_50 = vector.broadcast %get3A_49 : vector<1x128xf32> to vector<1024x128xf32>
    %add3A_51 = arith.addf %add3A_46, %add3A_50 : vector<1024x128xf32>
    %gt3A_52 = arith.constant 0.000000e+00 : f32
    %gt3A_53 = vector.broadcast %gt3A_52 : f32 to vector<1024x128xf32>
    %gt3A_54 = arith.cmpf ogt, %add3A_51, %gt3A_53 : vector<1024x128xf32>
    %min3A_55 = arith.constant 0.000000e+00 : f32
    %min3A_56 = vector.broadcast %min3A_55 : f32 to vector<1024x128xf32>
    %min3A_57 = arith.minimumf %add3A_51, %min3A_56 : vector<1024x128xf32>
    %exp3A_58 = math.exp %min3A_57 : vector<1024x128xf32>
    %sub3A_59 = arith.constant 1.000000e+00 : f32
    %sub3A_60 = vector.broadcast %sub3A_59 : f32 to vector<1024x128xf32>
    %sub3A_61 = arith.subf %exp3A_58, %sub3A_60 : vector<1024x128xf32>
    %select_n3A_62 = arith.select %gt3A_54, %add3A_51, %sub3A_61 : vector<1024x128xi1>, vector<1024x128xf32>
    %get3A_63 = arith.constant 0 : index
    %get3A_64 = arith.constant 0 : index
    %get3A_65 = vector.load %arg6[%get3A_63, %get3A_64] : memref<1024x1xf32, #tpu.memory_space<vmem>>, vector<1024x1xf32>
    %iota3A = tpu.iota {dimensions = array<i32: 1>} : vector<1024x64xi32>
    %convert_element_type3A = arith.sitofp %iota3A : vector<1024x64xi32> to vector<1024x64xf32>
    %eq3A = vector.broadcast %get3A_65 : vector<1024x1xf32> to vector<1024x64xf32>
    %eq3A_66 = arith.cmpf oeq, %convert_element_type3A, %eq3A : vector<1024x64xf32>
    %convert_element_type3A_67 = arith.extui %eq3A_66 : vector<1024x64xi1> to vector<1024x64xi32>
    %convert_element_type3A_68 = arith.sitofp %convert_element_type3A_67 : vector<1024x64xi32> to vector<1024x64xf32>
    %dot_general3A_69 = arith.constant dense<0.000000e+00> : vector<64x128xf32>
    %dot_general3A_70 = tpu.matmul %convert_element_type3A_68, %select_n3A_62, %dot_general3A_69 {dimension_numbers = #tpu.dot_dimension_numbers<[0], [0], [1], [1], [0, 1, 1, 1], [], []>, transpose_lhs_hint = false} : vector<1024x64xf32>, vector<1024x128xf32>, vector<64x128xf32> -> vector<64x128xf32>
    %broadcast_in_dim3A = arith.constant 1.000000e+00 : f32
    %broadcast_in_dim3A_71 = vector.broadcast %broadcast_in_dim3A : f32 to vector<1024x8xf32>
    %dot_general3A_72 = arith.constant dense<0.000000e+00> : vector<64x8xf32>
    %dot_general3A_73 = tpu.matmul %convert_element_type3A_68, %broadcast_in_dim3A_71, %dot_general3A_72 {dimension_numbers = #tpu.dot_dimension_numbers<[0], [0], [1], [1], [0, 1, 1, 1], [], []>, transpose_lhs_hint = false} : vector<1024x64xf32>, vector<1024x8xf32>, vector<64x8xf32> -> vector<64x8xf32>
    %eq3A_74 = arith.constant 0 : i32
    %eq3A_75 = arith.cmpi eq, %arg0, %eq3A_74 : i32
    %convert_element_type3A_76 = arith.extui %eq3A_75 : i1 to i32
    %cond3A = arith.constant 0 : i32
    %cond3A_77 = arith.cmpi ne, %convert_element_type3A_76, %cond3A : i32
    scf.if %cond3A_77 {
      %swap3A_105 = arith.constant 0 : index
      %swap3A_106 = arith.constant 0 : index
      %swap3A_107 = vector.load %arg13[%swap3A_105, %swap3A_106] : memref<64x128xf32, #tpu.memory_space<vmem>>, vector<64x128xf32>
      tpu.vector_store %arg13[%swap3A_105, %swap3A_106], %dot_general3A_70 {strides = array<i32>} : memref<64x128xf32, #tpu.memory_space<vmem>>, vector<64x128xf32>,
      %swap3A_108 = arith.constant 0 : index
      %swap3A_109 = arith.constant 0 : index
      %swap3A_110 = vector.load %arg14[%swap3A_108, %swap3A_109] : memref<64x8xf32, #tpu.memory_space<vmem>>, vector<64x8xf32>
      tpu.vector_store %arg14[%swap3A_108, %swap3A_109], %dot_general3A_73 {strides = array<i32>} : memref<64x8xf32, #tpu.memory_space<vmem>>, vector<64x8xf32>,
    } else {
    }
    %gt3A_78 = arith.constant 0 : i32
    %gt3A_79 = arith.cmpi sgt, %arg0, %gt3A_78 : i32
    %convert_element_type3A_80 = arith.extui %gt3A_79 : i1 to i32
    %cond3A_81 = arith.constant 0 : i32
    %cond3A_82 = arith.cmpi ne, %convert_element_type3A_80, %cond3A_81 : i32
    scf.if %cond3A_82 {
      %get3A_105 = arith.constant 0 : index
      %get3A_106 = arith.constant 0 : index
      %get3A_107 = vector.load %arg13[%get3A_105, %get3A_106] : memref<64x128xf32, #tpu.memory_space<vmem>>, vector<64x128xf32>
      %add3A_108 = arith.addf %get3A_107, %dot_general3A_70 : vector<64x128xf32>
      %swap3A_109 = arith.constant 0 : index
      %swap3A_110 = arith.constant 0 : index
      %swap3A_111 = vector.load %arg13[%swap3A_109, %swap3A_110] : memref<64x128xf32, #tpu.memory_space<vmem>>, vector<64x128xf32>
      tpu.vector_store %arg13[%swap3A_109, %swap3A_110], %add3A_108 {strides = array<i32>} : memref<64x128xf32, #tpu.memory_space<vmem>>, vector<64x128xf32>,
      %get3A_112 = arith.constant 0 : index
      %get3A_113 = arith.constant 0 : index
      %get3A_114 = vector.load %arg14[%get3A_112, %get3A_113] : memref<64x8xf32, #tpu.memory_space<vmem>>, vector<64x8xf32>
      %add3A_115 = arith.addf %get3A_114, %dot_general3A_73 : vector<64x8xf32>
      %swap3A_116 = arith.constant 0 : index
      %swap3A_117 = arith.constant 0 : index
      %swap3A_118 = vector.load %arg14[%swap3A_116, %swap3A_117] : memref<64x8xf32, #tpu.memory_space<vmem>>, vector<64x8xf32>
      tpu.vector_store %arg14[%swap3A_116, %swap3A_117], %add3A_115 {strides = array<i32>} : memref<64x8xf32, #tpu.memory_space<vmem>>, vector<64x8xf32>,
    } else {
    }
    %get3A_83 = arith.constant 0 : index
    %get3A_84 = arith.constant 0 : index
    %get3A_85 = vector.load %arg13[%get3A_83, %get3A_84] : memref<64x128xf32, #tpu.memory_space<vmem>>, vector<64x128xf32>
    %get3A_86 = arith.constant 0 : index
    %get3A_87 = arith.constant 0 : index
    %get3A_88 = vector.load %arg14[%get3A_86, %get3A_87] : memref<64x8xf32, #tpu.memory_space<vmem>>, vector<64x8xf32>
    %slice3A_89 = vector.extract_strided_slice %get3A_88 {offsets = [0, 0], sizes = [64, 1], strides = [1, 1]} : vector<64x8xf32> to vector<64x1xf32>
    %max3A = arith.constant 1.000000e+00 : f32
    %max3A_90 = vector.broadcast %max3A : f32 to vector<64x1xf32>
    %max3A_91 = arith.maximumf %slice3A_89, %max3A_90 : vector<64x1xf32>
    %div3A = vector.broadcast %max3A_91 : vector<64x1xf32> to vector<64x128xf32>
    %div3A_92 = arith.divf %get3A_85, %div3A : vector<64x128xf32>
    %get3A_93 = arith.constant 0 : index
    %get3A_94 = arith.constant 0 : index
    %get3A_95 = vector.load %arg10[%get3A_93, %get3A_94] : memref<128x128xf32, #tpu.memory_space<vmem>>, vector<128x128xf32>
    %dot_general3A_96 = arith.constant dense<0.000000e+00> : vector<64x128xf32>
    %dot_general3A_97 = tpu.matmul %div3A_92, %get3A_95, %dot_general3A_96 {dimension_numbers = #tpu.dot_dimension_numbers<[1], [0], [0], [1], [0, 0, 1, 1], [], []>, transpose_lhs_hint = false} : vector<64x128xf32>, vector<128x128xf32>, vector<64x128xf32> -> vector<64x128xf32>
    %get3A_98 = arith.constant 0 : index
    %get3A_99 = arith.constant 0 : index
    %get3A_100 = vector.load %arg11[%get3A_98, %get3A_99] : memref<1x128xf32, #tpu.memory_space<vmem>>, vector<1x128xf32>
    %add3A_101 = vector.broadcast %get3A_100 : vector<1x128xf32> to vector<64x128xf32>
    %add3A_102 = arith.addf %dot_general3A_97, %add3A_101 : vector<64x128xf32>
    %swap3A = arith.constant 0 : index
    %swap3A_103 = arith.constant 0 : index
    %swap3A_104 = vector.load %arg12[%swap3A, %swap3A_103] : memref<64x128xf32, #tpu.memory_space<vmem>>, vector<64x128xf32>
    tpu.vector_store %arg12[%swap3A, %swap3A_103], %add3A_102 {strides = array<i32>} : memref<64x128xf32, #tpu.memory_space<vmem>>, vector<64x128xf32>,
    return
  }
  func.func @transform_0(%arg0: i32) -> (i32, i32) {
    %c0_i32 = arith.constant 0 : i32
    %c0_i32_0 = arith.constant 0 : i32
    return %arg0, %c0_i32 : i32, i32
  }
  func.func @transform_1(%arg0: i32) -> (i32, i32) {
    %c0_i32 = arith.constant 0 : i32
    %c0_i32_0 = arith.constant 0 : i32
    return %arg0, %c0_i32 : i32, i32
  }
  func.func @transform_2(%arg0: i32) -> (i32, i32) {
    %c0_i32 = arith.constant 0 : i32
    %c0_i32_0 = arith.constant 0 : i32
    return %arg0, %c0_i32 : i32, i32
  }
  func.func @transform_3(%arg0: i32) -> (i32, i32) {
    %c0_i32 = arith.constant 0 : i32
    %c0_i32_0 = arith.constant 0 : i32
    %c0_i32_1 = arith.constant 0 : i32
    return %c0_i32, %c0_i32_0 : i32, i32
  }
  func.func @transform_4(%arg0: i32) -> (i32, i32) {
    %c0_i32 = arith.constant 0 : i32
    %c0_i32_0 = arith.constant 0 : i32
    %c0_i32_1 = arith.constant 0 : i32
    return %c0_i32, %c0_i32_0 : i32, i32
  }
  func.func @transform_5(%arg0: i32) -> (i32, i32) {
    %c0_i32 = arith.constant 0 : i32
    %c0_i32_0 = arith.constant 0 : i32
    return %arg0, %c0_i32 : i32, i32
  }
  func.func @transform_6(%arg0: i32) -> (i32, i32) {
    %c0_i32 = arith.constant 0 : i32
    %c0_i32_0 = arith.constant 0 : i32
    %c0_i32_1 = arith.constant 0 : i32
    return %c0_i32, %c0_i32_0 : i32, i32
  }
  func.func @transform_7(%arg0: i32) -> (i32, i32) {
    %c0_i32 = arith.constant 0 : i32
    %c0_i32_0 = arith.constant 0 : i32
    %c0_i32_1 = arith.constant 0 : i32
    return %c0_i32, %c0_i32_0 : i32, i32
  }
  func.func @transform_8(%arg0: i32) -> (i32, i32) {
    %c0_i32 = arith.constant 0 : i32
    %c0_i32_0 = arith.constant 0 : i32
    %c0_i32_1 = arith.constant 0 : i32
    return %c0_i32, %c0_i32_0 : i32, i32
  }
  func.func @transform_9(%arg0: i32) -> (i32, i32) {
    %c0_i32 = arith.constant 0 : i32
    %c0_i32_0 = arith.constant 0 : i32
    %c0_i32_1 = arith.constant 0 : i32
    return %c0_i32, %c0_i32_0 : i32, i32
  }
  func.func @transform_10(%arg0: i32) -> (i32, i32) {
    %c0_i32 = arith.constant 0 : i32
    %c0_i32_0 = arith.constant 0 : i32
    %c0_i32_1 = arith.constant 0 : i32
    return %c0_i32, %c0_i32_0 : i32, i32
  }
  func.func @transform_11(%arg0: i32) -> (i32, i32) {
    %c0_i32 = arith.constant 0 : i32
    %c0_i32_0 = arith.constant 0 : i32
    %c0_i32_1 = arith.constant 0 : i32
    return %c0_i32, %c0_i32_0 : i32, i32
  }
  func.func @transform_12(%arg0: i32) -> (i32, i32) {
    %c0_i32 = arith.constant 0 : i32
    %c0_i32_0 = arith.constant 0 : i32
    %c0_i32_1 = arith.constant 0 : i32
    return %c0_i32, %c0_i32_0 : i32, i32
  }
  func.func @transform_13(%arg0: i32) -> (i32, i32) {
    %c0_i32 = arith.constant 0 : i32
    %c0_i32_0 = arith.constant 0 : i32
    %c0_i32_1 = arith.constant 0 : i32
    return %c0_i32, %c0_i32_0 : i32, i32
  }
}

</mosaic_0001>

<sc_bundles>
// kernel: kernel.10.cloned.1.call-start
scs
__scs_entry_jumppad:
0x0: {  	(pc) =	sbr.rel $0x88, $3  }
0x1: {  	(tag) =	ssettag $0x0;
	lr =	simm.s32 $0x1  }
0x2: {  	[smem:$0x3F8D] =	sst lr;
	_ =	strace $0xD0000000  }
0x3: {  	_ = 	snop  }
0x4: {  	_ = 	snop  }
0x5: {  	_ = 	snop  }
0x6: {  	_ = 	snop  }
0x7: {  	_ = 	snop  }
__scs_overlays_trampoline_lowered:
0x8: {  	[smem:$0x3F9C] =	sst s0  }
0x9: {  	[smem:$0x3F9D] =	sst s1  }
0xa: {  	[smem:$0x3F9E] =	sst s2  }
0xb: {  	[smem:$0x3F9F] =	sst s3  }
0xc: {  	[smem:$0x3FA0] =	sst s4  }
0xd: {  	[smem:$0x3FA1] =	sst s5  }
0xe: {  	[smem:$0x3FA2] =	sst s6  }
0xf: {  	[smem:$0x3FA3] =	sst s7  }
0x10: {  	[smem:$0x3FA4] =	sst s8  }
0x11: {  	[smem:$0x3FA5] =	sst s9;
	s0 =	simm.s32 @!p0 $0x0  }
0x12: {  	s1 =	sld [smem:$0x3F8B];
	s0 =	simm.s32 @p0 $0x1  }
0x13: {  	[smem:$0x3FA6] =	sst s0;
	s0 =	simm.s32 @!p1 $0x0  }
0x14: {  	s2 =	sld [smem:$0x3F8A];
	s0 =	simm.s32 @p1 $0x1  }
0x15: {  	[smem:$0x3FA7] =	sst s0;
	s0 =	simm.s32 @!p2 $0x0  }
0x16: {  	s3 =	sld [smem:$0x3FDB];
	s0 =	simm.s32 @p2 $0x1  }
0x17: {  	s4 =	simm.s32 $0x1BF5;
	[smem:$0x3FA9] =	sst s0  }
0x18: {  	s0 =	sld [smem:$0x3F8C];
	_ =	swait.ge [sflag:s4], $0x0  }
0x19: {  	s7 =	sld [smem:$0x3F8D]  }
0x1a: {  	s8 =	sadd.s32 $0xFFFFE003, lr  }
0x1b: {  	s9 =	sadd.s32 $0xFFFFFEF7, lr;
	s5 =	simm.s32 $0xFFFFFFFF;
	p2 =	slt.u32 s8, $0xFFFFF086  }
0x1c: {  	p1 =	slt.u32 s9, $0xF7A;
	s5 =	simm.s32 @!p2 $0x0  }
0x1d: {  	s5 =	simm.s32 @p1 $0x1;
	p0 =	seq.s32 s7, s2  }
0x1e: {  	s7 =	smul.u32 @!p0 $0xF7A, s2;
	p2 =	seq.s32 @!p0 s5, $0x0  }
0x1f: {  	s9 =	smul.u32 $0xF7A, s1;
	s8 =	simm.s32 @!p0 $0x1BF5;
	p2 =	por !p2, p0  }
0x20: {  	[sflag:s8] =	ssyncset.s32 @!p0 $0xFFFFF086;
	s6 =	sadd.s32 @!p0 s3, s7;
	s7 =	simm.s32 @!p0 $0x108  }
0x21: {  	s3 =	sadd.s32 s3, s9;
	s6 =	sadd.s32 @!p0 $0x88, s6;
	s7 =	simm.s32 @p2 $0x1082  }
0x22: {  	[simem:s7], [sflag:s8] =	dma.local @!p0 [hbm:s6], $0xF7A  }
0x23: {  	s9 =	sor.u32 $0xD0000000, s2;
	s6 =	simm.s32 $0x108;
	_ =	swait.ge @!p0 [sflag:s8], $0x0  }
0x24: {  	s3 =	sadd.s32 $0x88, s3;
	s6 =	simm.s32 @!p1 $0x1082;
	[sflag:s4] =	ssyncset.s32 $0xFFFFF086  }
0x25: {  	[simem:s6], [sflag:s4] =	dma.local [hbm:s3], $0xF7A  }
0x26: {  	[smem:$0x3F8D] =	sst s1;
	(tag) =	ssettag s2;
	_ =	strace s9  }
0x27: {  	s1 =	sld [smem:$0x3F9D]  }
0x28: {  	s2 =	sld [smem:$0x3F9E]  }
0x29: {  	s4 =	sld [smem:$0x3FA0]  }
0x2a: {  	p0 =	seq.s32 s5, $0x0;
	s5 =	sld [smem:$0x3FA1]  }
0x2b: {  	s6 =	sld [smem:$0x3FA2]  }
0x2c: {  	s7 =	sld [smem:$0x3FA3]  }
0x2d: {  	s3 =	simm.s32 $0x108;
	s8 =	sld [smem:$0x3FA4]  }
0x2e: {  	s3 =	simm.s32 @!p0 $0x1082;
	s9 =	sld [smem:$0x3FA5]  }
0x2f: {  	lr =	sadd.s32 s0, s3;
	s0 =	sld [smem:$0x3F9C]  }
0x30: {  	s3 =	sld [smem:$0x3F9F]  }
0x31: {  	[smem:$0x3FA8] =	sst s10  }
0x32: {  	s10 =	sld [smem:$0x3FA6];
	_ =	sdelay $0x3  }
0x33: {  	p0 =	seq.s32 s10, $0x1;
	s10 =	sld [smem:$0x3FA8];
	_ =	sdelay $0x3  }
0x34: {  	[smem:$0x3FA8] =	sst s10  }
0x35: {  	s10 =	sld [smem:$0x3FA7];
	_ =	sdelay $0x3  }
0x36: {  	p1 =	seq.s32 s10, $0x1;
	s10 =	sld [smem:$0x3FA8];
	_ =	sdelay $0x3  }
0x37: {  	[smem:$0x3FA8] =	sst s10  }
0x38: {  	s10 =	sld [smem:$0x3FA9]  }
0x39: {  	_ = 	snop;
	(pc) =	sbr.ind lr, $3  }
0x3a: {  	_ = 	snop  }
0x3b: {  	_ = 	snop  }
0x3c: {  	p2 =	seq.s32 s10, $0x1;
	s10 =	sld [smem:$0x3FA8]  }
0x3d: {  	_ =	shalt  }
0x3e: {  	_ =	shalt  }
0x3f: {  	_ =	shalt  }
0x40: {  	_ =	shalt  }
0x41: {  	_ =	shalt  }
0x42: {  	_ =	shalt  }
0x43: {  	_ =	shalt  }
0x44: {  	_ =	shalt  }
0x45: {  	_ =	shalt  }
0x46: {  	_ =	shalt  }
0x47: {  	_ =	shalt  }
0x48: {  	_ =	shalt  }
0x49: {  	_ =	shalt  }
0x4a: {  	_ =	shalt  }
0x4b: {  	_ =	shalt  }
0x4c: {  	_ =	shalt  }
0x4d: {  	_ =	shalt  }
0x4e: {  	_ =	shalt  }
0x4f: {  	_ =	shalt  }
0x50: {  	_ =	shalt  }
0x51: {  	_ =	shalt  }
0x52: {  	_ =	shalt  }
0x53: {  	_ =	shalt  }
0x54: {  	_ =	shalt  }
0x55: {  	_ =	shalt  }
0x56: {  	_ =	shalt  }
0x57: {  	_ =	shalt  }
0x58: {  	_ =	shalt  }
0x59: {  	_ =	shalt  }
0x5a: {  	_ =	shalt  }
0x5b: {  	_ =	shalt  }
0x5c: {  	_ =	shalt  }
0x5d: {  	_ =	shalt  }
0x5e: {  	_ =	shalt  }
0x5f: {  	_ =	shalt  }
0x60: {  	_ =	shalt  }
0x61: {  	_ =	shalt  }
0x62: {  	_ =	shalt  }
0x63: {  	_ =	shalt  }
0x64: {  	_ =	shalt  }
0x65: {  	_ =	shalt  }
0x66: {  	_ =	shalt  }
0x67: {  	_ =	shalt  }
0x68: {  	_ =	shalt  }
0x69: {  	_ =	shalt  }
0x6a: {  	_ =	shalt  }
0x6b: {  	_ =	shalt  }
0x6c: {  	_ =	shalt  }
0x6d: {  	_ =	shalt  }
0x6e: {  	_ =	shalt  }
0x6f: {  	_ =	shalt  }
0x70: {  	_ =	shalt  }
0x71: {  	_ =	shalt  }
0x72: {  	_ =	shalt  }
0x73: {  	_ =	shalt  }
0x74: {  	_ =	shalt  }
0x75: {  	_ =	shalt  }
0x76: {  	_ =	shalt  }
0x77: {  	_ =	shalt  }
0x78: {  	_ =	shalt  }
0x79: {  	_ =	shalt  }
0x7a: {  	_ =	shalt  }
0x7b: {  	_ =	shalt  }
0x7c: {  	_ =	shalt  }
0x7d: {  	_ =	shalt  }
0x7e: {  	_ =	shalt  }
0x7f: {  	_ =	shalt  }
0x80: {  	_ =	shalt  }
0x81: {  	_ =	shalt  }
0x82: {  	_ =	shalt  }
0x83: {  	_ =	shalt  }
0x84: {  	_ =	shalt  }
0x85: {  	_ =	shalt  }
0x86: {  	_ =	shalt  }
0x87: {  	_ =	shalt  }
.Lfunc_end0:
.L_simem_size_0:
called_computation_lowered:
.L_overlay_start_0:
0x88: {  	s2 =	sld [smem:$0x3FD9]  }
0x89: {  	s3 =	sld [smem:$0x3FFE];
	_ =	sdelay $0x1  }
0x8a: {  	s1 =	srdreg.scid  }
0x8b: {  	s0 =	sand.u32 $0x1, s1  }
0x8c: {  	s16 =	sshll.u32 s0, $0xA;
	s2 =	sadd.s32 s3, s2  }
0x8d: {  	s2 =	sadd.s32 s2, s16  }
0x8e: {  	[smem:$0x3FB4] =	sst s2  }
0x8f: {  	_ = 	snop  }
0x90: {  	(tm) =	ssettm $0x1  }
0x91: {  	s17 =	sld [smem:$0x3FFB];
	_ =	sdelay $0x3  }
0x92: {  	_ =	strace s17  }
0x93: {  	s2 =	sld [smem:$0x3FFC];
	_ =	sdelay $0x3  }
0x94: {  	_ =	strace s2  }
0x95: {  	s2 =	sld [smem:$0x3FFD];
	_ =	sdelay $0x3  }
0x96: {  	_ =	strace s2  }
0x97: {  	_ =	strace $0x8FFFFFFF  }
0x98: {  	s18 =	sld [smem:$0x3FDB];
	_ =	sdelay $0x1  }
0x99: {  	s19 =	simm.s32 $_scs_section_size  }
0x9a: {  	s4 =	simm.s32 $_size__tile_overlayer_lowered;
	s5 =	simm.s32 $_tile_overlayer_lowered  }
0x9b: {  	s22 =	simm.s32 $0x1BFF;
	s21 =	sshll.u32 s5, $0x1;
	s2 =	sadd.s32 s19, s18  }
0x9c: {  	s6 =	simm.s32 $0x0;
	s20 =	sshll.u32 s4, $0x1;
	s4 =	sadd.s32 s21, s2  }
0x9d: {  	[timem:s6], [sflag:s22] =	dma.local [hbm:s4], s20  }
0x9e: {  	_ =	swait.ge [sflag:s22], s20  }
0x9f: {  	s3 =	ssub.s32 $0x0, s20;
	[sflag:s22] =	ssyncset.done $0x0  }
0xa0: {  	[sflag:s22] =	ssyncadd.s32 s3;
	_ =	sdelay $0x1  }
0xa1: {  	s23 =	simm.s32 $0x1B8B  }
0xa2: {  	_ =	swait.ge [sflag:s23], $0x1  }
0xa3: {  	[sflag:s23] =	ssyncset.done $0x0  }
0xa4: {  	s25 =	simm.s32 $0x1B8E;
	s24 =	sld [smem:$0x3FFE];
	[sflag:s23] =	ssyncadd.s32 $0xFFFFFFFF  }
0xa5: {  	s26 =	simm.s32 $execute0_lowered;
	[smem:$0x3FD2] =	sst s25  }
0xa6: {  	s4 =	sshll.u32 s26, $0x1;
	_ =	strace $0x80000046;
	[dreg:$0x1] =	wrdreg $0xFFFFFFFF  }
0xa7: {  	s28 =	simm.s32 $_size_execute0_lowered;
	s2 =	sadd.s32 s2, s4;
	[dreg:$0x0] =	wrdreg $0x0  }
0xa8: {  	s4 =	sshll.u32 s28, $0x1;
	[dreg:$0x2] =	wrdreg s2  }
0xa9: {  	[dreg:$0x3] =	wrdreg s4  }
0xaa: {  	[dreg:$0x4] =	wrdreg $0xC0  }
0xab: {  	_ =	task [dreg:s6], $0x5FFFF  }
0xac: {  	[dreg:$0x1] =	wrdreg $0xFFFFFFFF  }
0xad: {  	[dreg:$0x0] =	wrdreg $0x60  }
0xae: {  	[dreg:$0x2] =	wrdreg s24  }
0xaf: {  	[dreg:$0x3] =	wrdreg $0x41000  }
0xb0: {  	[dreg:$0x4] =	wrdreg $0x9  }
0xb1: {  	_ =	task.clear_ibuf [dreg:s6], $0x5FFFF;
	_ =	strace $0x90000046  }
0xb2: {  	s29 =	simm.s32 $0x9;
	_ =	strace $0x80000048  }
0xb3: {  	_ =	swait.ge [sflag:s29], $0x1  }
0xb4: {  	[sflag:s29] =	ssyncadd.s32 $0xFFFFFFFF  }
0xb5: {  	_ =	strace $0x90000048  }
0xb6: {  	_ =	sfence  }
0xb7: {  	s30 =	sld [smem:$0x0];
	_ =	sdelay $0x2  }
0xb8: {  	s31 =	sshll.u32 s1, $0xD;
	s1 =	sshrl.u32 s1, $0x2  }
0xb9: {  	s3 =	sand.u32 $0x4000, s31;
	s1 =	sadd.s32 s1, s30  }
0xba: {  	s0 =	sor.u32 s3, s0;
	s1 =	sshll.u32 s1, $0x11  }
0xbb: {  	s0 =	sor.u32 s1, s0  }
0xbc: {  	s0 =	sadd.s32 $0x8F2B, s0  }
0xbd: {  	[sflag:s0] =	ssyncadd.remote.s32 $0x1  }
0xbe: {  	_ =	sfence.sel $0xFFFF  }
0xbf: {  	[dreg:$0x0] =	wrdreg $0xFFFFFFFF;
	(pc) =	sbr.abs _section_cstart, $3  }
0xc0: {  	[dreg:$0x1] =	wrdreg $0xFFFFFFFF  }
0xc1: {  	_ =	task.clear_ibuf [dreg:s6], $0x2FFFF;
	_ =	strace $0x9FFFFFFF  }
0xc2: {  	(tm) =	ssettm $0x7FFFFFFF  }
0xc3: {  	_ =	shalt  }
tec
execute0_lowered:
.L_overlay_start_1:
0x0: {  	(tag) =	ssettag $0x1  }
0x1: {  	s6 =	rddreg [dreg:$0x0]  }
0x2: {  	s2 =	rddreg [dreg:$0x1]  }
0x3: {  	s0 =	rddreg [dreg:$0x2];
	s3 =	simm.s32 $0x0;
	s1 =	stileid.u32  }
0x4: {  	s7 =	srdreg.scid;
	s14 =	simm.s32 $0x2;
	s15 =	simm.s32 $0x80  }
0x5: {  	s16 =	simm.s32 $0x100;
	s17 =	simm.s32 $0x1;
	s5 =	smul.u32 $0x1400, s1  }
0x6: {  	s18 =	simm.s32 $0x0;
	[smem:$0x7FF] =	sst s3;
	s30 =	smul.u32 $0x50000, s1  }
0x7: {  	s4 =	sadd.s32 $0x2FC00, s6;
	s8 =	sand.u32 $0x1, s7;
	s7 =	smul.u32 $0x2800, s1  }
0x8: {  	s31 =	sshll.u32 s1, $0x6;
	_ =	strace $0x80000047;
	s9 =	ssub.s32 $0x2, s8  }
.Ltmp0:
0x9: {  	p0 =	seq.s32 s8, $0x1;
	s12 =	sadd.s32 s5, s6;
	(pc) =	sbr.rel .LBB2_1-.Ltmp0, $4  }
0xa: {  	s5 =	sadd.s32 $0x7FC00, s6;
	s6 =	sadd.s32 $0x57C00, s6;
	s10 =	sshrl.u32 s9, $0x1  }
0xb: {  	s11 =	sshrl.u32 s30, $0x2;
	s8 =	sadd.s32 s4, s7;
	s9 =	ssub.s32 s9, s10  }
0xc: {  	s13 =	sadd.s32 s11, s2;
	s10 =	sor.u32 $0x1C02, s31;
	s11 =	sadd.s32 $0x1BC00, s12  }
0xd: {  	s12 =	sadd.s32 $0x7C00, s12;
	s9 =	smax.u32 s9, $0x1;
	s13 =	sshrl.u32 s13, $0x3  }
.LBB2_7:
0xe: {  	s20 =	sadd.s32 s19, s12;
	[sflag:s14] =	ssyncadd.s32 $0xFFFFC000  }
0xf: {  	[tilespmem:s3], [sflag:$0x2] =	stream.linear.gather [hbm4b:s20+s3], $0x80, $0x38;
	[tilespmem:$0x18100] =	vst v63  }
0x10: {  	_ =	swait.ge [sflag:s14], $0x80  }
0x11: {  	[sflag:s14] =	ssyncset.done $0x0  }
0x12: {  	s31 =	sadd.s32 s19, s11;
	[sflag:s14] =	ssyncadd.s32 $0xFFFFFF80  }
0x13: {  	[tilespmem:s15], [sflag:$0x2] =	stream.linear.gather [hbm4b:s31+s3], $0x80, $0x38;
	[tilespmem:$0x18100] =	vst v63  }
0x14: {  	_ =	swait.ge [sflag:s14], $0x80  }
0x15: {  	[sflag:s14] =	ssyncset.done $0x0  }
0x16: {  	[sflag:s14] =	ssyncadd.s32 $0xFFFFFF80  }
0x17: {  	[tilespmem:s16], [sflag:$0x1] =	stream.indirect.gather [hbm4b:s4+s15], $0x80, s3, s15, $0xb8;
	[tilespmem:$0x18100] =	vst v63  }
0x18: {  	_ =	swait.ge [sflag:s17], $0x4000  }
0x19: {  	[sflag:s17] =	ssyncset.done $0x0  }
0x1a: {  	[sflag:s17] =	ssyncadd.s32 $0xFFFFC000  }
0x1b: {  	[spmem:s2] =	stream.indirect.scatter.add.f32 [tilespmem:s16], [sflag:$0x2], $0x80, s15, s15, $0xb8;
	[tilespmem:$0x18100] =	vst v63  }
0x1c: {  	_ =	swait.ge [sflag:s14], $0x4000  }
0x1d: {  	[sflag:s14] =	ssyncset.done $0x0  }
0x1e: {  	s19 =	smov.u32 s6;
	[sflag:s14] =	ssyncadd.s32 $0xFFFFC000  }
.LBB2_8:
0x1f: {  	s18 =	sadd.s32 $0x1, s18  }
0x20: {  	p1 =	sne.s32 s18, s9  }
.Ltmp1:
0x21: {  	s19 =	sadd.s32 s19, s7;
	[bflag:$0x0] =	sbarrier.arrive $0xFFFF;
	(pc) =	sbr.rel @!p1 .LBB2_9-.Ltmp1, $4  }
0x22: {  	[hbm:s19], [sflag:s10] =	dma.local [spmem:s13], $0x2800  }
0x23: {  	_ =	swait.ge [sflag:s14], $0x2800  }
0x24: {  	[sflag:s14] =	ssyncset.done $0x0  }
0x25: {  	[sflag:s14] =	ssyncadd.s32 $0xFFFFD800  }
.LBB2_1:
0x26: {  	[spmem:s13], [sflag:s10] =	dma.local [hbm:s8], $0x2800  }
.Ltmp2:
0x27: {  	_ =	swait.ge [sflag:s14], $0x2800;
	(pc) =	sbr.rel @!p0 .LBB2_2-.Ltmp2, $4  }
0x28: {  	[sflag:s14] =	ssyncset.done $0x0  }
0x29: {  	[sflag:s14] =	ssyncadd.s32 $0xFFFFD800  }
0x2a: {  	[bflag:$0x0] =	sbarrier.arrive $0xFFFF  }
0x2b: {  	s19 =	sadd.s32 $0x0, s12  }
0x2c: {  	[tilespmem:s3], [sflag:$0x2] =	stream.linear.gather [hbm4b:s19+s3], $0x80, $0x38;
	[tilespmem:$0x18100] =	vst v63  }
0x2d: {  	_ =	swait.ge [sflag:s14], $0x80  }
0x2e: {  	[sflag:s14] =	ssyncset.done $0x0  }
0x2f: {  	s31 =	sadd.s32 $0x0, s11;
	[sflag:s14] =	ssyncadd.s32 $0xFFFFFF80  }
0x30: {  	[tilespmem:s15], [sflag:$0x2] =	stream.linear.gather [hbm4b:s31+s3], $0x80, $0x38;
	[tilespmem:$0x18100] =	vst v63  }
0x31: {  	_ =	swait.ge [sflag:s14], $0x80  }
0x32: {  	[sflag:s14] =	ssyncset.done $0x0  }
0x33: {  	[sflag:s14] =	ssyncadd.s32 $0xFFFFFF80  }
0x34: {  	[tilespmem:s16], [sflag:$0x1] =	stream.indirect.gather [hbm4b:s4+s15], $0x80, s3, s15, $0xb8;
	[tilespmem:$0x18100] =	vst v63  }
0x35: {  	_ =	swait.ge [sflag:s17], $0x4000  }
0x36: {  	[sflag:s17] =	ssyncset.done $0x0  }
0x37: {  	[sflag:s17] =	ssyncadd.s32 $0xFFFFC000  }
0x38: {  	[spmem:s2] =	stream.indirect.scatter.add.f32 [tilespmem:s16], [sflag:$0x2], $0x80, s15, s15, $0xb8;
	[tilespmem:$0x18100] =	vst v63  }
0x39: {  	_ =	swait.ge [sflag:s14], $0x4000  }
0x3a: {  	s19 =	simm.s32 $0x10;
	s20 =	simm.s32 $0x20;
	[sflag:s14] =	ssyncset.done $0x0  }
.LBB2_6:
0x3b: {  	s21 =	sadd.s32 s19, s12  }
0x3c: {  	[sflag:s14] =	ssyncadd.s32 $0xFFFFC000;
	s22 =	smov.u32 s20;
	s23 =	sadd.s32 $0x10, s20  }
0x3d: {  	[tilespmem:s3], [sflag:$0x2] =	stream.linear.gather [hbm4b:s21+s3], $0x80, $0x38;
	[tilespmem:$0x18100] =	vst v63  }
0x3e: {  	p1 =	sne.s32 s20, $0x13F0;
	_ =	swait.ge [sflag:s14], $0x80  }
0x3f: {  	[sflag:s14] =	ssyncset.done $0x0  }
0x40: {  	s20 =	sadd.s32 s19, s11;
	s19 =	smov.u32 s22;
	[sflag:s14] =	ssyncadd.s32 $0xFFFFFF80  }
0x41: {  	[tilespmem:s15], [sflag:$0x2] =	stream.linear.gather [hbm4b:s20+s3], $0x80, $0x38;
	[tilespmem:$0x18100] =	vst v63  }
0x42: {  	_ =	swait.ge [sflag:s14], $0x80  }
0x43: {  	[sflag:s14] =	ssyncset.done $0x0  }
0x44: {  	[sflag:s14] =	ssyncadd.s32 $0xFFFFFF80  }
0x45: {  	[tilespmem:s16], [sflag:$0x1] =	stream.indirect.gather [hbm4b:s4+s15], $0x80, s3, s15, $0xb8;
	[tilespmem:$0x18100] =	vst v63  }
0x46: {  	_ =	swait.ge [sflag:s17], $0x4000  }
.Ltmp3:
0x47: {  	[sflag:s17] =	ssyncset.done $0x0;
	(pc) =	sbr.rel @p1 .LBB2_6-.Ltmp3, $4  }
0x48: {  	[sflag:s17] =	ssyncadd.s32 $0xFFFFC000  }
0x49: {  	[spmem:s2] =	stream.indirect.scatter.add.f32 [tilespmem:s16], [sflag:$0x2], $0x80, s15, s15, $0xb8;
	[tilespmem:$0x18100] =	vst v63  }
0x4a: {  	_ =	swait.ge [sflag:s14], $0x4000  }
0x4b: {  	s20 =	smov.u32 s23;
	[sflag:s14] =	ssyncset.done $0x0  }
.Ltmp4:
0x4c: {  	_ = 	snop;
	(pc) =	sbr.rel .LBB2_7-.Ltmp4, $1  }
0x4d: {  	_ =	sdelay $0x3  }
.LBB2_2:
0x4e: {  	[tilespmem:s3], [sflag:$0x2] =	stream.linear.gather [hbm4b:s19+s3], $0x80, $0x38;
	[tilespmem:$0x18100] =	vst v63  }
0x4f: {  	_ =	swait.ge [sflag:s14], $0x80  }
0x50: {  	[sflag:s14] =	ssyncset.done $0x0  }
0x51: {  	s31 =	sadd.s32 $0x0, s11;
	[sflag:s14] =	ssyncadd.s32 $0xFFFFFF80  }
0x52: {  	[tilespmem:s15], [sflag:$0x2] =	stream.linear.gather [hbm4b:s31+s3], $0x80, $0x38;
	[tilespmem:$0x18100] =	vst v63  }
0x53: {  	_ =	swait.ge [sflag:s14], $0x80  }
0x54: {  	[sflag:s14] =	ssyncset.done $0x0  }
0x55: {  	[sflag:s14] =	ssyncadd.s32 $0xFFFFFF80  }
0x56: {  	[tilespmem:s16], [sflag:$0x1] =	stream.indirect.gather [hbm4b:s4+s15], $0x80, s3, s15, $0xb8;
	[tilespmem:$0x18100] =	vst v63  }
0x57: {  	_ =	swait.ge [sflag:s17], $0x4000  }
0x58: {  	[sflag:s17] =	ssyncset.done $0x0  }
0x59: {  	[sflag:s17] =	ssyncadd.s32 $0xFFFFC000  }
0x5a: {  	[spmem:s2] =	stream.indirect.scatter.add.f32 [tilespmem:s16], [sflag:$0x2], $0x80, s15, s15, $0xb8;
	[tilespmem:$0x18100] =	vst v63  }
0x5b: {  	_ =	swait.ge [sflag:s14], $0x4000  }
0x5c: {  	s19 =	simm.s32 $0x10;
	s20 =	simm.s32 $0x20;
	[sflag:s14] =	ssyncset.done $0x0  }
.LBB2_3:
0x5d: {  	s21 =	sadd.s32 s19, s12  }
0x5e: {  	[sflag:s14] =	ssyncadd.s32 $0xFFFFC000;
	s22 =	smov.u32 s20;
	s23 =	sadd.s32 $0x10, s20  }
0x5f: {  	[tilespmem:s3], [sflag:$0x2] =	stream.linear.gather [hbm4b:s21+s3], $0x80, $0x38;
	[tilespmem:$0x18100] =	vst v63  }
0x60: {  	p1 =	seq.s32 s20, $0x13F0;
	_ =	swait.ge [sflag:s14], $0x80  }
0x61: {  	[sflag:s14] =	ssyncset.done $0x0  }
0x62: {  	s20 =	sadd.s32 s19, s11;
	s19 =	smov.u32 s22;
	[sflag:s14] =	ssyncadd.s32 $0xFFFFFF80  }
0x63: {  	[tilespmem:s15], [sflag:$0x2] =	stream.linear.gather [hbm4b:s20+s3], $0x80, $0x38;
	[tilespmem:$0x18100] =	vst v63  }
0x64: {  	_ =	swait.ge [sflag:s14], $0x80  }
0x65: {  	[sflag:s14] =	ssyncset.done $0x0  }
0x66: {  	[sflag:s14] =	ssyncadd.s32 $0xFFFFFF80  }
0x67: {  	[tilespmem:s16], [sflag:$0x1] =	stream.indirect.gather [hbm4b:s4+s15], $0x80, s3, s15, $0xb8;
	[tilespmem:$0x18100] =	vst v63  }
0x68: {  	_ =	swait.ge [sflag:s17], $0x4000  }
.Ltmp5:
0x69: {  	[sflag:s17] =	ssyncset.done $0x0;
	(pc) =	sbr.rel @!p1 .LBB2_3-.Ltmp5, $4  }
0x6a: {  	[sflag:s17] =	ssyncadd.s32 $0xFFFFC000  }
0x6b: {  	[spmem:s2] =	stream.indirect.scatter.add.f32 [tilespmem:s16], [sflag:$0x2], $0x80, s15, s15, $0xb8;
	[tilespmem:$0x18100] =	vst v63  }
0x6c: {  	_ =	swait.ge [sflag:s14], $0x4000  }
0x6d: {  	s20 =	smov.u32 s23;
	[sflag:s14] =	ssyncset.done $0x0  }
0x6e: {  	s20 =	sadd.s32 s19, s12;
	[sflag:s14] =	ssyncadd.s32 $0xFFFFC000  }
0x6f: {  	[tilespmem:s3], [sflag:$0x2] =	stream.linear.gather [hbm4b:s20+s3], $0x80, $0x38;
	[tilespmem:$0x18100] =	vst v63  }
0x70: {  	_ =	swait.ge [sflag:s14], $0x80  }
0x71: {  	[sflag:s14] =	ssyncset.done $0x0  }
0x72: {  	s31 =	sadd.s32 s19, s11;
	[sflag:s14] =	ssyncadd.s32 $0xFFFFFF80  }
0x73: {  	[tilespmem:s15], [sflag:$0x2] =	stream.linear.gather [hbm4b:s31+s3], $0x80, $0x38;
	[tilespmem:$0x18100] =	vst v63  }
0x74: {  	_ =	swait.ge [sflag:s14], $0x80  }
0x75: {  	[sflag:s14] =	ssyncset.done $0x0  }
0x76: {  	[sflag:s14] =	ssyncadd.s32 $0xFFFFFF80  }
0x77: {  	[tilespmem:s16], [sflag:$0x1] =	stream.indirect.gather [hbm4b:s4+s15], $0x80, s3, s15, $0xb8;
	[tilespmem:$0x18100] =	vst v63  }
0x78: {  	_ =	swait.ge [sflag:s17], $0x4000  }
0x79: {  	[sflag:s17] =	ssyncset.done $0x0  }
.Ltmp6:
0x7a: {  	[sflag:s17] =	ssyncadd.s32 $0xFFFFC000;
	(pc) =	sbr.rel .LBB2_8-.Ltmp6, $4  }
0x7b: {  	[spmem:s2] =	stream.indirect.scatter.add.f32 [tilespmem:s16], [sflag:$0x2], $0x80, s15, s15, $0xb8;
	[tilespmem:$0x18100] =	vst v63  }
0x7c: {  	_ =	swait.ge [sflag:s14], $0x4000  }
0x7d: {  	[sflag:s14] =	ssyncset.done $0x0  }
0x7e: {  	s19 =	smov.u32 s5;
	[sflag:s14] =	ssyncadd.s32 $0xFFFFC000  }
.LBB2_9:
0x7f: {  	_ =	sfence.sel $0x180000  }
0x80: {  	[bflag:$0x0] =	sbarrier.arrive $0xFFFF  }
0x81: {  	p0 =	sne.s32 s1, $0x0;
	_ =	strace $0x90000047  }
0x82: {  	s0 =	sadd.s32 @!p0 $0x100000, s0;
	[bflag:$0x2] =	sbarrier.arrive $0xFFFF  }
0x83: {  	[sflag:s0] =	ssyncadd.tile.s32 @!p0 $0x1;
	_ =	shalt  }
.Lfunc_end2:
_tile_overlayer_lowered:
.L_overlay_start_2:
0x84: {  	(tag) =	ssettag $0x2  }
0x85: {  	s0 =	rddreg [dreg:$0x0];
	s2 =	stileid.u32  }
0x86: {  	s1 =	rddreg [dreg:$0x1];
	p0 =	sne.s32 s2, $0x0  }
0x87: {  	s3 =	rddreg [dreg:$0x2];
	[bflag:$0x3] =	sbarrier.arrive $0xFFFF;
	s2 =	simm.s32 @!p0 $0x1C02  }
0x88: {  	[timem:s3], [sflag:s2] =	dma.local @!p0 [hbm:s0], s1  }
0x89: {  	s0 =	simm.s32 @!p0 $0x2  }
0x8a: {  	_ =	swait.ge @!p0 [sflag:s0], s1  }
0x8b: {  	s1 =	ssub.s32 @!p0 $0x0, s1;
	[sflag:s0] =	ssyncset.done @!p0 $0x0  }
0x8c: {  	[sflag:s0] =	ssyncadd.s32 @!p0 s1  }
0x8d: {  	[bflag:$0x3] =	sbarrier.arrive $0xFFFF  }
0x8e: {  	_ =	shalt  }

// kernel: kernel.13.cloned.1.call-start
scs
__scs_entry_jumppad:
0x0: {  	(pc) =	sbr.rel $0x88, $3  }
0x1: {  	(tag) =	ssettag $0x0;
	lr =	simm.s32 $0x1  }
0x2: {  	[smem:$0x3F8D] =	sst lr;
	_ =	strace $0xD0000000  }
0x3: {  	_ = 	snop  }
0x4: {  	_ = 	snop  }
0x5: {  	_ = 	snop  }
0x6: {  	_ = 	snop  }
0x7: {  	_ = 	snop  }
__scs_overlays_trampoline_lowered:
0x8: {  	[smem:$0x3F9C] =	sst s0  }
0x9: {  	[smem:$0x3F9D] =	sst s1  }
0xa: {  	[smem:$0x3F9E] =	sst s2  }
0xb: {  	[smem:$0x3F9F] =	sst s3  }
0xc: {  	[smem:$0x3FA0] =	sst s4  }
0xd: {  	[smem:$0x3FA1] =	sst s5  }
0xe: {  	[smem:$0x3FA2] =	sst s6  }
0xf: {  	[smem:$0x3FA3] =	sst s7  }
0x10: {  	[smem:$0x3FA4] =	sst s8  }
0x11: {  	[smem:$0x3FA5] =	sst s9;
	s0 =	simm.s32 @!p0 $0x0  }
0x12: {  	s1 =	sld [smem:$0x3F8B];
	s0 =	simm.s32 @p0 $0x1  }
0x13: {  	[smem:$0x3FA6] =	sst s0;
	s0 =	simm.s32 @!p1 $0x0  }
0x14: {  	s2 =	sld [smem:$0x3F8A];
	s0 =	simm.s32 @p1 $0x1  }
0x15: {  	[smem:$0x3FA7] =	sst s0;
	s0 =	simm.s32 @!p2 $0x0  }
0x16: {  	s3 =	sld [smem:$0x3FDB];
	s0 =	simm.s32 @p2 $0x1  }
0x17: {  	s4 =	simm.s32 $0x1BF5;
	[smem:$0x3FA9] =	sst s0  }
0x18: {  	s0 =	sld [smem:$0x3F8C];
	_ =	swait.ge [sflag:s4], $0x0  }
0x19: {  	s7 =	sld [smem:$0x3F8D]  }
0x1a: {  	s8 =	sadd.s32 $0xFFFFE003, lr  }
0x1b: {  	s9 =	sadd.s32 $0xFFFFFEF7, lr;
	s5 =	simm.s32 $0xFFFFFFFF;
	p2 =	slt.u32 s8, $0xFFFFF086  }
0x1c: {  	p1 =	slt.u32 s9, $0xF7A;
	s5 =	simm.s32 @!p2 $0x0  }
0x1d: {  	s5 =	simm.s32 @p1 $0x1;
	p0 =	seq.s32 s7, s2  }
0x1e: {  	s7 =	smul.u32 @!p0 $0xF7A, s2;
	p2 =	seq.s32 @!p0 s5, $0x0  }
0x1f: {  	s9 =	smul.u32 $0xF7A, s1;
	s8 =	simm.s32 @!p0 $0x1BF5;
	p2 =	por !p2, p0  }
0x20: {  	[sflag:s8] =	ssyncset.s32 @!p0 $0xFFFFF086;
	s6 =	sadd.s32 @!p0 s3, s7;
	s7 =	simm.s32 @!p0 $0x108  }
0x21: {  	s3 =	sadd.s32 s3, s9;
	s6 =	sadd.s32 @!p0 $0x88, s6;
	s7 =	simm.s32 @p2 $0x1082  }
0x22: {  	[simem:s7], [sflag:s8] =	dma.local @!p0 [hbm:s6], $0xF7A  }
0x23: {  	s9 =	sor.u32 $0xD0000000, s2;
	s6 =	simm.s32 $0x108;
	_ =	swait.ge @!p0 [sflag:s8], $0x0  }
0x24: {  	s3 =	sadd.s32 $0x88, s3;
	s6 =	simm.s32 @!p1 $0x1082;
	[sflag:s4] =	ssyncset.s32 $0xFFFFF086  }
0x25: {  	[simem:s6], [sflag:s4] =	dma.local [hbm:s3], $0xF7A  }
0x26: {  	[smem:$0x3F8D] =	sst s1;
	(tag) =	ssettag s2;
	_ =	strace s9  }
0x27: {  	s1 =	sld [smem:$0x3F9D]  }
0x28: {  	s2 =	sld [smem:$0x3F9E]  }
0x29: {  	s4 =	sld [smem:$0x3FA0]  }
0x2a: {  	p0 =	seq.s32 s5, $0x0;
	s5 =	sld [smem:$0x3FA1]  }
0x2b: {  	s6 =	sld [smem:$0x3FA2]  }
0x2c: {  	s7 =	sld [smem:$0x3FA3]  }
0x2d: {  	s3 =	simm.s32 $0x108;
	s8 =	sld [smem:$0x3FA4]  }
0x2e: {  	s3 =	simm.s32 @!p0 $0x1082;
	s9 =	sld [smem:$0x3FA5]  }
0x2f: {  	lr =	sadd.s32 s0, s3;
	s0 =	sld [smem:$0x3F9C]  }
0x30: {  	s3 =	sld [smem:$0x3F9F]  }
0x31: {  	[smem:$0x3FA8] =	sst s10  }
0x32: {  	s10 =	sld [smem:$0x3FA6];
	_ =	sdelay $0x3  }
0x33: {  	p0 =	seq.s32 s10, $0x1;
	s10 =	sld [smem:$0x3FA8];
	_ =	sdelay $0x3  }
0x34: {  	[smem:$0x3FA8] =	sst s10  }
0x35: {  	s10 =	sld [smem:$0x3FA7];
	_ =	sdelay $0x3  }
0x36: {  	p1 =	seq.s32 s10, $0x1;
	s10 =	sld [smem:$0x3FA8];
	_ =	sdelay $0x3  }
0x37: {  	[smem:$0x3FA8] =	sst s10  }
0x38: {  	s10 =	sld [smem:$0x3FA9]  }
0x39: {  	_ = 	snop;
	(pc) =	sbr.ind lr, $3  }
0x3a: {  	_ = 	snop  }
0x3b: {  	_ = 	snop  }
0x3c: {  	p2 =	seq.s32 s10, $0x1;
	s10 =	sld [smem:$0x3FA8]  }
0x3d: {  	_ =	shalt  }
0x3e: {  	_ =	shalt  }
0x3f: {  	_ =	shalt  }
0x40: {  	_ =	shalt  }
0x41: {  	_ =	shalt  }
0x42: {  	_ =	shalt  }
0x43: {  	_ =	shalt  }
0x44: {  	_ =	shalt  }
0x45: {  	_ =	shalt  }
0x46: {  	_ =	shalt  }
0x47: {  	_ =	shalt  }
0x48: {  	_ =	shalt  }
0x49: {  	_ =	shalt  }
0x4a: {  	_ =	shalt  }
0x4b: {  	_ =	shalt  }
0x4c: {  	_ =	shalt  }
0x4d: {  	_ =	shalt  }
0x4e: {  	_ =	shalt  }
0x4f: {  	_ =	shalt  }
0x50: {  	_ =	shalt  }
0x51: {  	_ =	shalt  }
0x52: {  	_ =	shalt  }
0x53: {  	_ =	shalt  }
0x54: {  	_ =	shalt  }
0x55: {  	_ =	shalt  }
0x56: {  	_ =	shalt  }
0x57: {  	_ =	shalt  }
0x58: {  	_ =	shalt  }
0x59: {  	_ =	shalt  }
0x5a: {  	_ =	shalt  }
0x5b: {  	_ =	shalt  }
0x5c: {  	_ =	shalt  }
0x5d: {  	_ =	shalt  }
0x5e: {  	_ =	shalt  }
0x5f: {  	_ =	shalt  }
0x60: {  	_ =	shalt  }
0x61: {  	_ =	shalt  }
0x62: {  	_ =	shalt  }
0x63: {  	_ =	shalt  }
0x64: {  	_ =	shalt  }
0x65: {  	_ =	shalt  }
0x66: {  	_ =	shalt  }
0x67: {  	_ =	shalt  }
0x68: {  	_ =	shalt  }
0x69: {  	_ =	shalt  }
0x6a: {  	_ =	shalt  }
0x6b: {  	_ =	shalt  }
0x6c: {  	_ =	shalt  }
0x6d: {  	_ =	shalt  }
0x6e: {  	_ =	shalt  }
0x6f: {  	_ =	shalt  }
0x70: {  	_ =	shalt  }
0x71: {  	_ =	shalt  }
0x72: {  	_ =	shalt  }
0x73: {  	_ =	shalt  }
0x74: {  	_ =	shalt  }
0x75: {  	_ =	shalt  }
0x76: {  	_ =	shalt  }
0x77: {  	_ =	shalt  }
0x78: {  	_ =	shalt  }
0x79: {  	_ =	shalt  }
0x7a: {  	_ =	shalt  }
0x7b: {  	_ =	shalt  }
0x7c: {  	_ =	shalt  }
0x7d: {  	_ =	shalt  }
0x7e: {  	_ =	shalt  }
0x7f: {  	_ =	shalt  }
0x80: {  	_ =	shalt  }
0x81: {  	_ =	shalt  }
0x82: {  	_ =	shalt  }
0x83: {  	_ =	shalt  }
0x84: {  	_ =	shalt  }
0x85: {  	_ =	shalt  }
0x86: {  	_ =	shalt  }
0x87: {  	_ =	shalt  }
.Lfunc_end0:
.L_simem_size_0:
called_computation.1_lowered:
.L_overlay_start_0:
0x88: {  	s2 =	sld [smem:$0x3FD9]  }
0x89: {  	s3 =	sld [smem:$0x3FFE];
	_ =	sdelay $0x1  }
0x8a: {  	s1 =	srdreg.scid  }
0x8b: {  	s0 =	sand.u32 $0x1, s1  }
0x8c: {  	s16 =	sshll.u32 s0, $0xA;
	s2 =	sadd.s32 s3, s2  }
0x8d: {  	s2 =	sadd.s32 s2, s16  }
0x8e: {  	[smem:$0x3FB4] =	sst s2  }
0x8f: {  	_ = 	snop  }
0x90: {  	(tm) =	ssettm $0x1  }
0x91: {  	s17 =	sld [smem:$0x3FFB];
	_ =	sdelay $0x3  }
0x92: {  	_ =	strace s17  }
0x93: {  	s2 =	sld [smem:$0x3FFC];
	_ =	sdelay $0x3  }
0x94: {  	_ =	strace s2  }
0x95: {  	s2 =	sld [smem:$0x3FFD];
	_ =	sdelay $0x3  }
0x96: {  	_ =	strace s2  }
0x97: {  	_ =	strace $0x8FFFFFFF  }
0x98: {  	s18 =	sld [smem:$0x3FDB];
	_ =	sdelay $0x1  }
0x99: {  	s19 =	simm.s32 $_scs_section_size  }
0x9a: {  	s4 =	simm.s32 $_size__tile_overlayer_lowered;
	s5 =	simm.s32 $_tile_overlayer_lowered  }
0x9b: {  	s22 =	simm.s32 $0x1BFF;
	s21 =	sshll.u32 s5, $0x1;
	s2 =	sadd.s32 s19, s18  }
0x9c: {  	s6 =	simm.s32 $0x0;
	s20 =	sshll.u32 s4, $0x1;
	s4 =	sadd.s32 s21, s2  }
0x9d: {  	[timem:s6], [sflag:s22] =	dma.local [hbm:s4], s20  }
0x9e: {  	_ =	swait.ge [sflag:s22], s20  }
0x9f: {  	s3 =	ssub.s32 $0x0, s20;
	[sflag:s22] =	ssyncset.done $0x0  }
0xa0: {  	[sflag:s22] =	ssyncadd.s32 s3;
	_ =	sdelay $0x1  }
0xa1: {  	s23 =	simm.s32 $0x1B8B  }
0xa2: {  	_ =	swait.ge [sflag:s23], $0x1  }
0xa3: {  	[sflag:s23] =	ssyncset.done $0x0  }
0xa4: {  	s25 =	simm.s32 $0x1B8E;
	s24 =	sld [smem:$0x3FFE];
	[sflag:s23] =	ssyncadd.s32 $0xFFFFFFFF  }
0xa5: {  	s26 =	simm.s32 $execute0_lowered;
	[smem:$0x3FD2] =	sst s25  }
0xa6: {  	s4 =	sshll.u32 s26, $0x1;
	_ =	strace $0x80000049;
	[dreg:$0x1] =	wrdreg $0xFFFFFFFF  }
0xa7: {  	s28 =	simm.s32 $_size_execute0_lowered;
	s2 =	sadd.s32 s2, s4;
	[dreg:$0x0] =	wrdreg $0x0  }
0xa8: {  	s4 =	sshll.u32 s28, $0x1;
	[dreg:$0x2] =	wrdreg s2  }
0xa9: {  	[dreg:$0x3] =	wrdreg s4  }
0xaa: {  	[dreg:$0x4] =	wrdreg $0xC0  }
0xab: {  	_ =	task [dreg:s6], $0x5FFFF  }
0xac: {  	[dreg:$0x1] =	wrdreg $0xFFFFFFFF  }
0xad: {  	[dreg:$0x0] =	wrdreg $0x60  }
0xae: {  	[dreg:$0x2] =	wrdreg s24  }
0xaf: {  	[dreg:$0x3] =	wrdreg $0x41000  }
0xb0: {  	[dreg:$0x4] =	wrdreg $0x9  }
0xb1: {  	_ =	task.clear_ibuf [dreg:s6], $0x5FFFF;
	_ =	strace $0x90000049  }
0xb2: {  	s29 =	simm.s32 $0x9;
	_ =	strace $0x8000004B  }
0xb3: {  	_ =	swait.ge [sflag:s29], $0x1  }
0xb4: {  	[sflag:s29] =	ssyncadd.s32 $0xFFFFFFFF  }
0xb5: {  	_ =	strace $0x9000004B  }
0xb6: {  	_ =	sfence  }
0xb7: {  	s30 =	sld [smem:$0x0];
	_ =	sdelay $0x2  }
0xb8: {  	s31 =	sshll.u32 s1, $0xD;
	s1 =	sshrl.u32 s1, $0x2  }
0xb9: {  	s3 =	sand.u32 $0x4000, s31;
	s1 =	sadd.s32 s1, s30  }
0xba: {  	s0 =	sor.u32 s3, s0;
	s1 =	sshll.u32 s1, $0x11  }
0xbb: {  	s0 =	sor.u32 s1, s0  }
0xbc: {  	s0 =	sadd.s32 $0x8F2B, s0  }
0xbd: {  	[sflag:s0] =	ssyncadd.remote.s32 $0x1  }
0xbe: {  	_ =	sfence.sel $0xFFFF  }
0xbf: {  	[dreg:$0x0] =	wrdreg $0xFFFFFFFF;
	(pc) =	sbr.abs _section_cstart, $3  }
0xc0: {  	[dreg:$0x1] =	wrdreg $0xFFFFFFFF  }
0xc1: {  	_ =	task.clear_ibuf [dreg:s6], $0x2FFFF;
	_ =	strace $0x9FFFFFFF  }
0xc2: {  	(tm) =	ssettm $0x7FFFFFFF  }
0xc3: {  	_ =	shalt  }
tec
execute0_lowered:
.L_overlay_start_1:
0x0: {  	(tag) =	ssettag $0x1  }
0x1: {  	s8 =	rddreg [dreg:$0x0]  }
0x2: {  	s2 =	rddreg [dreg:$0x1]  }
0x3: {  	s0 =	rddreg [dreg:$0x2];
	s3 =	simm.s32 $0x0  }
0x4: {  	s1 =	stileid.u32;
	s7 =	srdreg.scid;
	s16 =	simm.s32 $0x2  }
0x5: {  	s17 =	simm.s32 $0x80;
	s18 =	simm.s32 $0x100;
	s19 =	simm.s32 $0x1  }
0x6: {  	s20 =	simm.s32 $0x0;
	[smem:$0x7FF] =	sst s3;
	s6 =	smul.u32 $0x1400, s1  }
0x7: {  	s4 =	sadd.s32 $0x2FC00, s8;
	s5 =	sadd.s32 $0x57C00, s8;
	s11 =	smul.u32 $0x50000, s1  }
0x8: {  	s9 =	sand.u32 $0x1, s7;
	s7 =	smul.u32 $0x2800, s1;
	s14 =	sshll.u32 s1, $0x6  }
0x9: {  	_ =	strace $0x8000004A;
	s10 =	ssub.s32 $0x2, s9;
	p0 =	seq.s32 s9, $0x1  }
.Ltmp0:
0xa: {  	s14 =	sor.u32 $0x1C02, s14;
	s13 =	sadd.s32 s6, s8;
	(pc) =	sbr.rel .LBB2_1-.Ltmp0, $4  }
0xb: {  	s6 =	sadd.s32 $0xA7C00, s8;
	s12 =	sshrl.u32 s10, $0x1;
	s8 =	sadd.s32 $0xCFC00, s8  }
0xc: {  	s31 =	sshrl.u32 s11, $0x2;
	s9 =	sadd.s32 s4, s7;
	s12 =	ssub.s32 s10, s12  }
0xd: {  	s15 =	sadd.s32 s31, s2;
	s10 =	sadd.s32 s5, s7;
	s11 =	smax.u32 s12, $0x1  }
0xe: {  	s12 =	sadd.s32 $0x1BC00, s13;
	s13 =	sadd.s32 $0x7C00, s13;
	s15 =	sshrl.u32 s15, $0x3  }
.LBB2_7:
0xf: {  	s22 =	sadd.s32 s21, s13;
	[sflag:s16] =	ssyncadd.s32 $0xFFFFC000  }
0x10: {  	[tilespmem:s3], [sflag:$0x2] =	stream.linear.gather [hbm4b:s22+s3], $0x80, $0x38;
	[tilespmem:$0x18100] =	vst v63  }
0x11: {  	_ =	swait.ge [sflag:s16], $0x80  }
0x12: {  	[sflag:s16] =	ssyncset.done $0x0  }
0x13: {  	s31 =	sadd.s32 s21, s12;
	[sflag:s16] =	ssyncadd.s32 $0xFFFFFF80  }
0x14: {  	[tilespmem:s17], [sflag:$0x2] =	stream.linear.gather [hbm4b:s31+s3], $0x80, $0x38;
	[tilespmem:$0x18100] =	vst v63  }
0x15: {  	_ =	swait.ge [sflag:s16], $0x80  }
0x16: {  	[sflag:s16] =	ssyncset.done $0x0  }
0x17: {  	[sflag:s16] =	ssyncadd.s32 $0xFFFFFF80  }
0x18: {  	[tilespmem:s18], [sflag:$0x1] =	stream.indirect.gather [hbm4b:s5+s17], $0x80, s3, s17, $0xb8;
	[tilespmem:$0x18100] =	vst v63  }
0x19: {  	_ =	swait.ge [sflag:s19], $0x4000  }
0x1a: {  	[sflag:s19] =	ssyncset.done $0x0  }
0x1b: {  	[sflag:s19] =	ssyncadd.s32 $0xFFFFC000  }
0x1c: {  	[spmem:s2] =	stream.indirect.scatter.add.f32 [tilespmem:s18], [sflag:$0x2], $0x80, s17, s17, $0xb8;
	[tilespmem:$0x18100] =	vst v63  }
0x1d: {  	_ =	swait.ge [sflag:s16], $0x4000  }
0x1e: {  	[sflag:s16] =	ssyncset.done $0x0  }
0x1f: {  	s21 =	smov.u32 s8;
	[sflag:s16] =	ssyncadd.s32 $0xFFFFC000  }
.LBB2_8:
0x20: {  	s20 =	sadd.s32 $0x1, s20  }
0x21: {  	p1 =	sne.s32 s20, s11  }
.Ltmp1:
0x22: {  	s21 =	sadd.s32 s21, s7;
	[bflag:$0x0] =	sbarrier.arrive $0xFFFF;
	(pc) =	sbr.rel @!p1 .LBB2_9-.Ltmp1, $4  }
0x23: {  	[hbm:s21], [sflag:s14] =	dma.local [spmem:s15], $0x2800  }
0x24: {  	_ =	swait.ge [sflag:s16], $0x2800  }
0x25: {  	[sflag:s16] =	ssyncset.done $0x0  }
0x26: {  	[sflag:s16] =	ssyncadd.s32 $0xFFFFD800  }
.LBB2_1:
.Ltmp2:
0x27: {  	(pc) =	sbr.rel @!p0 .LBB2_2-.Ltmp2, $1  }
0x28: {  	_ =	sdelay $0x3  }
0x29: {  	[spmem:s15], [sflag:s14] =	dma.local [hbm:s10], $0x2800  }
0x2a: {  	_ =	swait.ge [sflag:s16], $0x2800  }
0x2b: {  	[sflag:s16] =	ssyncset.done $0x0  }
0x2c: {  	[sflag:s16] =	ssyncadd.s32 $0xFFFFD800  }
0x2d: {  	s21 =	sadd.s32 $0x0, s13;
	[bflag:$0x0] =	sbarrier.arrive $0xFFFF  }
0x2e: {  	[tilespmem:s3], [sflag:$0x2] =	stream.linear.gather [hbm4b:s21+s3], $0x80, $0x38;
	[tilespmem:$0x18100] =	vst v63  }
0x2f: {  	_ =	swait.ge [sflag:s16], $0x80  }
0x30: {  	[sflag:s16] =	ssyncset.done $0x0  }
0x31: {  	s31 =	sadd.s32 $0x0, s12;
	[sflag:s16] =	ssyncadd.s32 $0xFFFFFF80  }
0x32: {  	[tilespmem:s17], [sflag:$0x2] =	stream.linear.gather [hbm4b:s31+s3], $0x80, $0x38;
	[tilespmem:$0x18100] =	vst v63  }
0x33: {  	_ =	swait.ge [sflag:s16], $0x80  }
0x34: {  	[sflag:s16] =	ssyncset.done $0x0  }
0x35: {  	[sflag:s16] =	ssyncadd.s32 $0xFFFFFF80  }
0x36: {  	[tilespmem:s18], [sflag:$0x1] =	stream.indirect.gather [hbm4b:s5+s17], $0x80, s3, s17, $0xb8;
	[tilespmem:$0x18100] =	vst v63  }
0x37: {  	_ =	swait.ge [sflag:s19], $0x4000  }
0x38: {  	[sflag:s19] =	ssyncset.done $0x0  }
0x39: {  	[sflag:s19] =	ssyncadd.s32 $0xFFFFC000  }
0x3a: {  	[spmem:s2] =	stream.indirect.scatter.add.f32 [tilespmem:s18], [sflag:$0x2], $0x80, s17, s17, $0xb8;
	[tilespmem:$0x18100] =	vst v63  }
0x3b: {  	_ =	swait.ge [sflag:s16], $0x4000  }
0x3c: {  	s22 =	simm.s32 $0x20;
	s21 =	simm.s32 $0x10;
	[sflag:s16] =	ssyncset.done $0x0  }
.LBB2_6:
0x3d: {  	s23 =	sadd.s32 s21, s13  }
0x3e: {  	[sflag:s16] =	ssyncadd.s32 $0xFFFFC000;
	s24 =	smov.u32 s22;
	s25 =	sadd.s32 $0x10, s22  }
0x3f: {  	[tilespmem:s3], [sflag:$0x2] =	stream.linear.gather [hbm4b:s23+s3], $0x80, $0x38;
	[tilespmem:$0x18100] =	vst v63  }
0x40: {  	p1 =	sne.s32 s22, $0x13F0;
	_ =	swait.ge [sflag:s16], $0x80  }
0x41: {  	[sflag:s16] =	ssyncset.done $0x0  }
0x42: {  	s22 =	sadd.s32 s21, s12;
	s21 =	smov.u32 s24;
	[sflag:s16] =	ssyncadd.s32 $0xFFFFFF80  }
0x43: {  	[tilespmem:s17], [sflag:$0x2] =	stream.linear.gather [hbm4b:s22+s3], $0x80, $0x38;
	[tilespmem:$0x18100] =	vst v63  }
0x44: {  	_ =	swait.ge [sflag:s16], $0x80  }
0x45: {  	[sflag:s16] =	ssyncset.done $0x0  }
0x46: {  	[sflag:s16] =	ssyncadd.s32 $0xFFFFFF80  }
0x47: {  	[tilespmem:s18], [sflag:$0x1] =	stream.indirect.gather [hbm4b:s5+s17], $0x80, s3, s17, $0xb8;
	[tilespmem:$0x18100] =	vst v63  }
0x48: {  	_ =	swait.ge [sflag:s19], $0x4000  }
.Ltmp3:
0x49: {  	[sflag:s19] =	ssyncset.done $0x0;
	(pc) =	sbr.rel @p1 .LBB2_6-.Ltmp3, $4  }
0x4a: {  	[sflag:s19] =	ssyncadd.s32 $0xFFFFC000  }
0x4b: {  	[spmem:s2] =	stream.indirect.scatter.add.f32 [tilespmem:s18], [sflag:$0x2], $0x80, s17, s17, $0xb8;
	[tilespmem:$0x18100] =	vst v63  }
0x4c: {  	_ =	swait.ge [sflag:s16], $0x4000  }
0x4d: {  	s22 =	smov.u32 s25;
	[sflag:s16] =	ssyncset.done $0x0  }
.Ltmp4:
0x4e: {  	_ = 	snop;
	(pc) =	sbr.rel .LBB2_7-.Ltmp4, $1  }
0x4f: {  	_ =	sdelay $0x3  }
.LBB2_2:
0x50: {  	[spmem:s15], [sflag:s14] =	dma.local [hbm:s9], $0x2800  }
0x51: {  	_ =	swait.ge [sflag:s16], $0x2800  }
0x52: {  	[sflag:s16] =	ssyncset.done $0x0  }
0x53: {  	[sflag:s16] =	ssyncadd.s32 $0xFFFFD800  }
0x54: {  	s21 =	sadd.s32 $0x0, s13;
	[bflag:$0x0] =	sbarrier.arrive $0xFFFF  }
0x55: {  	[tilespmem:s3], [sflag:$0x2] =	stream.linear.gather [hbm4b:s21+s3], $0x80, $0x38;
	[tilespmem:$0x18100] =	vst v63  }
0x56: {  	_ =	swait.ge [sflag:s16], $0x80  }
0x57: {  	[sflag:s16] =	ssyncset.done $0x0  }
0x58: {  	s31 =	sadd.s32 $0x0, s12;
	[sflag:s16] =	ssyncadd.s32 $0xFFFFFF80  }
0x59: {  	[tilespmem:s17], [sflag:$0x2] =	stream.linear.gather [hbm4b:s31+s3], $0x80, $0x38;
	[tilespmem:$0x18100] =	vst v63  }
0x5a: {  	_ =	swait.ge [sflag:s16], $0x80  }
0x5b: {  	[sflag:s16] =	ssyncset.done $0x0  }
0x5c: {  	[sflag:s16] =	ssyncadd.s32 $0xFFFFFF80  }
0x5d: {  	[tilespmem:s18], [sflag:$0x1] =	stream.indirect.gather [hbm4b:s4+s17], $0x80, s3, s17, $0xb8;
	[tilespmem:$0x18100] =	vst v63  }
0x5e: {  	_ =	swait.ge [sflag:s19], $0x4000  }
0x5f: {  	[sflag:s19] =	ssyncset.done $0x0  }
0x60: {  	[sflag:s19] =	ssyncadd.s32 $0xFFFFC000  }
0x61: {  	[spmem:s2] =	stream.indirect.scatter.add.f32 [tilespmem:s18], [sflag:$0x2], $0x80, s17, s17, $0xb8;
	[tilespmem:$0x18100] =	vst v63  }
0x62: {  	_ =	swait.ge [sflag:s16], $0x4000  }
0x63: {  	s22 =	simm.s32 $0x20;
	s21 =	simm.s32 $0x10;
	[sflag:s16] =	ssyncset.done $0x0  }
.LBB2_3:
0x64: {  	s23 =	sadd.s32 s21, s13  }
0x65: {  	[sflag:s16] =	ssyncadd.s32 $0xFFFFC000;
	s24 =	smov.u32 s22;
	s25 =	sadd.s32 $0x10, s22  }
0x66: {  	[tilespmem:s3], [sflag:$0x2] =	stream.linear.gather [hbm4b:s23+s3], $0x80, $0x38;
	[tilespmem:$0x18100] =	vst v63  }
0x67: {  	p1 =	seq.s32 s22, $0x13F0;
	_ =	swait.ge [sflag:s16], $0x80  }
0x68: {  	[sflag:s16] =	ssyncset.done $0x0  }
0x69: {  	s22 =	sadd.s32 s21, s12;
	s21 =	smov.u32 s24;
	[sflag:s16] =	ssyncadd.s32 $0xFFFFFF80  }
0x6a: {  	[tilespmem:s17], [sflag:$0x2] =	stream.linear.gather [hbm4b:s22+s3], $0x80, $0x38;
	[tilespmem:$0x18100] =	vst v63  }
0x6b: {  	_ =	swait.ge [sflag:s16], $0x80  }
0x6c: {  	[sflag:s16] =	ssyncset.done $0x0  }
0x6d: {  	[sflag:s16] =	ssyncadd.s32 $0xFFFFFF80  }
0x6e: {  	[tilespmem:s18], [sflag:$0x1] =	stream.indirect.gather [hbm4b:s4+s17], $0x80, s3, s17, $0xb8;
	[tilespmem:$0x18100] =	vst v63  }
0x6f: {  	_ =	swait.ge [sflag:s19], $0x4000  }
.Ltmp5:
0x70: {  	[sflag:s19] =	ssyncset.done $0x0;
	(pc) =	sbr.rel @!p1 .LBB2_3-.Ltmp5, $4  }
0x71: {  	[sflag:s19] =	ssyncadd.s32 $0xFFFFC000  }
0x72: {  	[spmem:s2] =	stream.indirect.scatter.add.f32 [tilespmem:s18], [sflag:$0x2], $0x80, s17, s17, $0xb8;
	[tilespmem:$0x18100] =	vst v63  }
0x73: {  	_ =	swait.ge [sflag:s16], $0x4000  }
0x74: {  	s22 =	smov.u32 s25;
	[sflag:s16] =	ssyncset.done $0x0  }
0x75: {  	s22 =	sadd.s32 s21, s13;
	[sflag:s16] =	ssyncadd.s32 $0xFFFFC000  }
0x76: {  	[tilespmem:s3], [sflag:$0x2] =	stream.linear.gather [hbm4b:s22+s3], $0x80, $0x38;
	[tilespmem:$0x18100] =	vst v63  }
0x77: {  	_ =	swait.ge [sflag:s16], $0x80  }
0x78: {  	[sflag:s16] =	ssyncset.done $0x0  }
0x79: {  	s31 =	sadd.s32 s21, s12;
	[sflag:s16] =	ssyncadd.s32 $0xFFFFFF80  }
0x7a: {  	[tilespmem:s17], [sflag:$0x2] =	stream.linear.gather [hbm4b:s31+s3], $0x80, $0x38;
	[tilespmem:$0x18100] =	vst v63  }
0x7b: {  	_ =	swait.ge [sflag:s16], $0x80  }
0x7c: {  	[sflag:s16] =	ssyncset.done $0x0  }
0x7d: {  	[sflag:s16] =	ssyncadd.s32 $0xFFFFFF80  }
0x7e: {  	[tilespmem:s18], [sflag:$0x1] =	stream.indirect.gather [hbm4b:s4+s17], $0x80, s3, s17, $0xb8;
	[tilespmem:$0x18100] =	vst v63  }
0x7f: {  	_ =	swait.ge [sflag:s19], $0x4000  }
0x80: {  	[sflag:s19] =	ssyncset.done $0x0  }
.Ltmp6:
0x81: {  	[sflag:s19] =	ssyncadd.s32 $0xFFFFC000;
	(pc) =	sbr.rel .LBB2_8-.Ltmp6, $4  }
0x82: {  	[spmem:s2] =	stream.indirect.scatter.add.f32 [tilespmem:s18], [sflag:$0x2], $0x80, s17, s17, $0xb8;
	[tilespmem:$0x18100] =	vst v63  }
0x83: {  	_ =	swait.ge [sflag:s16], $0x4000  }
0x84: {  	[sflag:s16] =	ssyncset.done $0x0  }
0x85: {  	s21 =	smov.u32 s6;
	[sflag:s16] =	ssyncadd.s32 $0xFFFFC000  }
.LBB2_9:
0x86: {  	_ =	sfence.sel $0x180000  }
0x87: {  	[bflag:$0x0] =	sbarrier.arrive $0xFFFF  }
0x88: {  	p0 =	sne.s32 s1, $0x0;
	_ =	strace $0x9000004A  }
0x89: {  	s0 =	sadd.s32 @!p0 $0x100000, s0;
	[bflag:$0x2] =	sbarrier.arrive $0xFFFF  }
0x8a: {  	[sflag:s0] =	ssyncadd.tile.s32 @!p0 $0x1;
	_ =	shalt  }
.Lfunc_end2:
_tile_overlayer_lowered:
.L_overlay_start_2:
0x8b: {  	(tag) =	ssettag $0x2  }
0x8c: {  	s0 =	rddreg [dreg:$0x0];
	s2 =	stileid.u32  }
0x8d: {  	s1 =	rddreg [dreg:$0x1];
	p0 =	sne.s32 s2, $0x0  }
0x8e: {  	s3 =	rddreg [dreg:$0x2];
	[bflag:$0x3] =	sbarrier.arrive $0xFFFF;
	s2 =	simm.s32 @!p0 $0x1C02  }
0x8f: {  	[timem:s3], [sflag:s2] =	dma.local @!p0 [hbm:s0], s1  }
0x90: {  	s0 =	simm.s32 @!p0 $0x2  }
0x91: {  	_ =	swait.ge @!p0 [sflag:s0], s1  }
0x92: {  	s1 =	ssub.s32 @!p0 $0x0, s1;
	[sflag:s0] =	ssyncset.done @!p0 $0x0  }
0x93: {  	[sflag:s0] =	ssyncadd.s32 @!p0 s1  }
0x94: {  	[bflag:$0x3] =	sbarrier.arrive $0xFFFF  }
0x95: {  	_ =	shalt  }

// kernel: kernel.16.cloned.1.call-start
scs
__scs_entry_jumppad:
0x0: {  	(pc) =	sbr.rel $0x88, $3  }
0x1: {  	(tag) =	ssettag $0x0;
	lr =	simm.s32 $0x1  }
0x2: {  	[smem:$0x3F8D] =	sst lr;
	_ =	strace $0xD0000000  }
0x3: {  	_ = 	snop  }
0x4: {  	_ = 	snop  }
0x5: {  	_ = 	snop  }
0x6: {  	_ = 	snop  }
0x7: {  	_ = 	snop  }
__scs_overlays_trampoline_lowered:
0x8: {  	[smem:$0x3F9C] =	sst s0  }
0x9: {  	[smem:$0x3F9D] =	sst s1  }
0xa: {  	[smem:$0x3F9E] =	sst s2  }
0xb: {  	[smem:$0x3F9F] =	sst s3  }
0xc: {  	[smem:$0x3FA0] =	sst s4  }
0xd: {  	[smem:$0x3FA1] =	sst s5  }
0xe: {  	[smem:$0x3FA2] =	sst s6  }
0xf: {  	[smem:$0x3FA3] =	sst s7  }
0x10: {  	[smem:$0x3FA4] =	sst s8  }
0x11: {  	[smem:$0x3FA5] =	sst s9;
	s0 =	simm.s32 @!p0 $0x0  }
0x12: {  	s1 =	sld [smem:$0x3F8B];
	s0 =	simm.s32 @p0 $0x1  }
0x13: {  	[smem:$0x3FA6] =	sst s0;
	s0 =	simm.s32 @!p1 $0x0  }
0x14: {  	s2 =	sld [smem:$0x3F8A];
	s0 =	simm.s32 @p1 $0x1  }
0x15: {  	[smem:$0x3FA7] =	sst s0;
	s0 =	simm.s32 @!p2 $0x0  }
0x16: {  	s3 =	sld [smem:$0x3FDB];
	s0 =	simm.s32 @p2 $0x1  }
0x17: {  	s4 =	simm.s32 $0x1BF5;
	[smem:$0x3FA9] =	sst s0  }
0x18: {  	s0 =	sld [smem:$0x3F8C];
	_ =	swait.ge [sflag:s4], $0x0  }
0x19: {  	s7 =	sld [smem:$0x3F8D]  }
0x1a: {  	s8 =	sadd.s32 $0xFFFFE003, lr  }
0x1b: {  	s9 =	sadd.s32 $0xFFFFFEF7, lr;
	s5 =	simm.s32 $0xFFFFFFFF;
	p2 =	slt.u32 s8, $0xFFFFF086  }
0x1c: {  	p1 =	slt.u32 s9, $0xF7A;
	s5 =	simm.s32 @!p2 $0x0  }
0x1d: {  	s5 =	simm.s32 @p1 $0x1;
	p0 =	seq.s32 s7, s2  }
0x1e: {  	s7 =	smul.u32 @!p0 $0xF7A, s2;
	p2 =	seq.s32 @!p0 s5, $0x0  }
0x1f: {  	s9 =	smul.u32 $0xF7A, s1;
	s8 =	simm.s32 @!p0 $0x1BF5;
	p2 =	por !p2, p0  }
0x20: {  	[sflag:s8] =	ssyncset.s32 @!p0 $0xFFFFF086;
	s6 =	sadd.s32 @!p0 s3, s7;
	s7 =	simm.s32 @!p0 $0x108  }
0x21: {  	s3 =	sadd.s32 s3, s9;
	s6 =	sadd.s32 @!p0 $0x88, s6;
	s7 =	simm.s32 @p2 $0x1082  }
0x22: {  	[simem:s7], [sflag:s8] =	dma.local @!p0 [hbm:s6], $0xF7A  }
0x23: {  	s9 =	sor.u32 $0xD0000000, s2;
	s6 =	simm.s32 $0x108;
	_ =	swait.ge @!p0 [sflag:s8], $0x0  }
0x24: {  	s3 =	sadd.s32 $0x88, s3;
	s6 =	simm.s32 @!p1 $0x1082;
	[sflag:s4] =	ssyncset.s32 $0xFFFFF086  }
0x25: {  	[simem:s6], [sflag:s4] =	dma.local [hbm:s3], $0xF7A  }
0x26: {  	[smem:$0x3F8D] =	sst s1;
	(tag) =	ssettag s2;
	_ =	strace s9  }
0x27: {  	s1 =	sld [smem:$0x3F9D]  }
0x28: {  	s2 =	sld [smem:$0x3F9E]  }
0x29: {  	s4 =	sld [smem:$0x3FA0]  }
0x2a: {  	p0 =	seq.s32 s5, $0x0;
	s5 =	sld [smem:$0x3FA1]  }
0x2b: {  	s6 =	sld [smem:$0x3FA2]  }
0x2c: {  	s7 =	sld [smem:$0x3FA3]  }
0x2d: {  	s3 =	simm.s32 $0x108;
	s8 =	sld [smem:$0x3FA4]  }
0x2e: {  	s3 =	simm.s32 @!p0 $0x1082;
	s9 =	sld [smem:$0x3FA5]  }
0x2f: {  	lr =	sadd.s32 s0, s3;
	s0 =	sld [smem:$0x3F9C]  }
0x30: {  	s3 =	sld [smem:$0x3F9F]  }
0x31: {  	[smem:$0x3FA8] =	sst s10  }
0x32: {  	s10 =	sld [smem:$0x3FA6];
	_ =	sdelay $0x3  }
0x33: {  	p0 =	seq.s32 s10, $0x1;
	s10 =	sld [smem:$0x3FA8];
	_ =	sdelay $0x3  }
0x34: {  	[smem:$0x3FA8] =	sst s10  }
0x35: {  	s10 =	sld [smem:$0x3FA7];
	_ =	sdelay $0x3  }
0x36: {  	p1 =	seq.s32 s10, $0x1;
	s10 =	sld [smem:$0x3FA8];
	_ =	sdelay $0x3  }
0x37: {  	[smem:$0x3FA8] =	sst s10  }
0x38: {  	s10 =	sld [smem:$0x3FA9]  }
0x39: {  	_ = 	snop;
	(pc) =	sbr.ind lr, $3  }
0x3a: {  	_ = 	snop  }
0x3b: {  	_ = 	snop  }
0x3c: {  	p2 =	seq.s32 s10, $0x1;
	s10 =	sld [smem:$0x3FA8]  }
0x3d: {  	_ =	shalt  }
0x3e: {  	_ =	shalt  }
0x3f: {  	_ =	shalt  }
0x40: {  	_ =	shalt  }
0x41: {  	_ =	shalt  }
0x42: {  	_ =	shalt  }
0x43: {  	_ =	shalt  }
0x44: {  	_ =	shalt  }
0x45: {  	_ =	shalt  }
0x46: {  	_ =	shalt  }
0x47: {  	_ =	shalt  }
0x48: {  	_ =	shalt  }
0x49: {  	_ =	shalt  }
0x4a: {  	_ =	shalt  }
0x4b: {  	_ =	shalt  }
0x4c: {  	_ =	shalt  }
0x4d: {  	_ =	shalt  }
0x4e: {  	_ =	shalt  }
0x4f: {  	_ =	shalt  }
0x50: {  	_ =	shalt  }
0x51: {  	_ =	shalt  }
0x52: {  	_ =	shalt  }
0x53: {  	_ =	shalt  }
0x54: {  	_ =	shalt  }
0x55: {  	_ =	shalt  }
0x56: {  	_ =	shalt  }
0x57: {  	_ =	shalt  }
0x58: {  	_ =	shalt  }
0x59: {  	_ =	shalt  }
0x5a: {  	_ =	shalt  }
0x5b: {  	_ =	shalt  }
0x5c: {  	_ =	shalt  }
0x5d: {  	_ =	shalt  }
0x5e: {  	_ =	shalt  }
0x5f: {  	_ =	shalt  }
0x60: {  	_ =	shalt  }
0x61: {  	_ =	shalt  }
0x62: {  	_ =	shalt  }
0x63: {  	_ =	shalt  }
0x64: {  	_ =	shalt  }
0x65: {  	_ =	shalt  }
0x66: {  	_ =	shalt  }
0x67: {  	_ =	shalt  }
0x68: {  	_ =	shalt  }
0x69: {  	_ =	shalt  }
0x6a: {  	_ =	shalt  }
0x6b: {  	_ =	shalt  }
0x6c: {  	_ =	shalt  }
0x6d: {  	_ =	shalt  }
0x6e: {  	_ =	shalt  }
0x6f: {  	_ =	shalt  }
0x70: {  	_ =	shalt  }
0x71: {  	_ =	shalt  }
0x72: {  	_ =	shalt  }
0x73: {  	_ =	shalt  }
0x74: {  	_ =	shalt  }
0x75: {  	_ =	shalt  }
0x76: {  	_ =	shalt  }
0x77: {  	_ =	shalt  }
0x78: {  	_ =	shalt  }
0x79: {  	_ =	shalt  }
0x7a: {  	_ =	shalt  }
0x7b: {  	_ =	shalt  }
0x7c: {  	_ =	shalt  }
0x7d: {  	_ =	shalt  }
0x7e: {  	_ =	shalt  }
0x7f: {  	_ =	shalt  }
0x80: {  	_ =	shalt  }
0x81: {  	_ =	shalt  }
0x82: {  	_ =	shalt  }
0x83: {  	_ =	shalt  }
0x84: {  	_ =	shalt  }
0x85: {  	_ =	shalt  }
0x86: {  	_ =	shalt  }
0x87: {  	_ =	shalt  }
.Lfunc_end0:
.L_simem_size_0:
called_computation.2_lowered:
.L_overlay_start_0:
0x88: {  	s2 =	sld [smem:$0x3FD9]  }
0x89: {  	s3 =	sld [smem:$0x3FFE];
	_ =	sdelay $0x1  }
0x8a: {  	s1 =	srdreg.scid  }
0x8b: {  	s0 =	sand.u32 $0x1, s1  }
0x8c: {  	s16 =	sshll.u32 s0, $0xA;
	s2 =	sadd.s32 s3, s2  }
0x8d: {  	s2 =	sadd.s32 s2, s16  }
0x8e: {  	[smem:$0x3FB4] =	sst s2  }
0x8f: {  	_ = 	snop  }
0x90: {  	(tm) =	ssettm $0x1  }
0x91: {  	s17 =	sld [smem:$0x3FFB];
	_ =	sdelay $0x3  }
0x92: {  	_ =	strace s17  }
0x93: {  	s2 =	sld [smem:$0x3FFC];
	_ =	sdelay $0x3  }
0x94: {  	_ =	strace s2  }
0x95: {  	s2 =	sld [smem:$0x3FFD];
	_ =	sdelay $0x3  }
0x96: {  	_ =	strace s2  }
0x97: {  	_ =	strace $0x8FFFFFFF  }
0x98: {  	s18 =	sld [smem:$0x3FDB];
	_ =	sdelay $0x1  }
0x99: {  	s19 =	simm.s32 $_scs_section_size  }
0x9a: {  	s4 =	simm.s32 $_size__tile_overlayer_lowered;
	s5 =	simm.s32 $_tile_overlayer_lowered  }
0x9b: {  	s22 =	simm.s32 $0x1BFF;
	s21 =	sshll.u32 s5, $0x1;
	s2 =	sadd.s32 s19, s18  }
0x9c: {  	s6 =	simm.s32 $0x0;
	s20 =	sshll.u32 s4, $0x1;
	s4 =	sadd.s32 s21, s2  }
0x9d: {  	[timem:s6], [sflag:s22] =	dma.local [hbm:s4], s20  }
0x9e: {  	_ =	swait.ge [sflag:s22], s20  }
0x9f: {  	s3 =	ssub.s32 $0x0, s20;
	[sflag:s22] =	ssyncset.done $0x0  }
0xa0: {  	[sflag:s22] =	ssyncadd.s32 s3;
	_ =	sdelay $0x1  }
0xa1: {  	s23 =	simm.s32 $0x1B8B  }
0xa2: {  	_ =	swait.ge [sflag:s23], $0x1  }
0xa3: {  	[sflag:s23] =	ssyncset.done $0x0  }
0xa4: {  	s25 =	simm.s32 $0x1B8E;
	s24 =	sld [smem:$0x3FFE];
	[sflag:s23] =	ssyncadd.s32 $0xFFFFFFFF  }
0xa5: {  	s26 =	simm.s32 $execute0_lowered;
	[smem:$0x3FD2] =	sst s25  }
0xa6: {  	s4 =	sshll.u32 s26, $0x1;
	_ =	strace $0x8000004C;
	[dreg:$0x1] =	wrdreg $0xFFFFFFFF  }
0xa7: {  	s28 =	simm.s32 $_size_execute0_lowered;
	s2 =	sadd.s32 s2, s4;
	[dreg:$0x0] =	wrdreg $0x0  }
0xa8: {  	s4 =	sshll.u32 s28, $0x1;
	[dreg:$0x2] =	wrdreg s2  }
0xa9: {  	[dreg:$0x3] =	wrdreg s4  }
0xaa: {  	[dreg:$0x4] =	wrdreg $0xC0  }
0xab: {  	_ =	task [dreg:s6], $0x5FFFF  }
0xac: {  	[dreg:$0x1] =	wrdreg $0xFFFFFFFF  }
0xad: {  	[dreg:$0x0] =	wrdreg $0x60  }
0xae: {  	[dreg:$0x2] =	wrdreg s24  }
0xaf: {  	[dreg:$0x3] =	wrdreg $0x41000  }
0xb0: {  	[dreg:$0x4] =	wrdreg $0x9  }
0xb1: {  	_ =	task.clear_ibuf [dreg:s6], $0x5FFFF;
	_ =	strace $0x9000004C  }
0xb2: {  	s29 =	simm.s32 $0x9;
	_ =	strace $0x8000004E  }
0xb3: {  	_ =	swait.ge [sflag:s29], $0x1  }
0xb4: {  	[sflag:s29] =	ssyncadd.s32 $0xFFFFFFFF  }
0xb5: {  	_ =	strace $0x9000004E  }
0xb6: {  	_ =	sfence  }
0xb7: {  	s30 =	sld [smem:$0x0];
	_ =	sdelay $0x2  }
0xb8: {  	s31 =	sshll.u32 s1, $0xD;
	s1 =	sshrl.u32 s1, $0x2  }
0xb9: {  	s3 =	sand.u32 $0x4000, s31;
	s1 =	sadd.s32 s1, s30  }
0xba: {  	s0 =	sor.u32 s3, s0;
	s1 =	sshll.u32 s1, $0x11  }
0xbb: {  	s0 =	sor.u32 s1, s0  }
0xbc: {  	s0 =	sadd.s32 $0x8F2B, s0  }
0xbd: {  	[sflag:s0] =	ssyncadd.remote.s32 $0x1  }
0xbe: {  	_ =	sfence.sel $0xFFFF  }
0xbf: {  	[dreg:$0x0] =	wrdreg $0xFFFFFFFF;
	(pc) =	sbr.abs _section_cstart, $3  }
0xc0: {  	[dreg:$0x1] =	wrdreg $0xFFFFFFFF  }
0xc1: {  	_ =	task.clear_ibuf [dreg:s6], $0x2FFFF;
	_ =	strace $0x9FFFFFFF  }
0xc2: {  	(tm) =	ssettm $0x7FFFFFFF  }
0xc3: {  	_ =	shalt  }
tec
execute0_lowered:
.L_overlay_start_1:
0x0: {  	(tag) =	ssettag $0x1  }
0x1: {  	s8 =	rddreg [dreg:$0x0]  }
0x2: {  	s2 =	rddreg [dreg:$0x1]  }
0x3: {  	s0 =	rddreg [dreg:$0x2];
	s3 =	simm.s32 $0x0  }
0x4: {  	s1 =	stileid.u32;
	s7 =	srdreg.scid;
	s16 =	simm.s32 $0x2  }
0x5: {  	s17 =	simm.s32 $0x80;
	s18 =	simm.s32 $0x100;
	s19 =	simm.s32 $0x1  }
0x6: {  	s20 =	simm.s32 $0x0;
	[smem:$0x7FF] =	sst s3;
	s6 =	smul.u32 $0x1400, s1  }
0x7: {  	s4 =	sadd.s32 $0x2FC00, s8;
	s5 =	sadd.s32 $0x57C00, s8;
	s11 =	smul.u32 $0x50000, s1  }
0x8: {  	s9 =	sand.u32 $0x1, s7;
	s7 =	smul.u32 $0x2800, s1;
	s14 =	sshll.u32 s1, $0x6  }
0x9: {  	_ =	strace $0x8000004D;
	s10 =	ssub.s32 $0x2, s9;
	p0 =	seq.s32 s9, $0x1  }
.Ltmp0:
0xa: {  	s14 =	sor.u32 $0x1C02, s14;
	s13 =	sadd.s32 s6, s8;
	(pc) =	sbr.rel .LBB2_1-.Ltmp0, $4  }
0xb: {  	s6 =	sadd.s32 $0xA7C00, s8;
	s12 =	sshrl.u32 s10, $0x1;
	s8 =	sadd.s32 $0xCFC00, s8  }
0xc: {  	s31 =	sshrl.u32 s11, $0x2;
	s9 =	sadd.s32 s4, s7;
	s12 =	ssub.s32 s10, s12  }
0xd: {  	s15 =	sadd.s32 s31, s2;
	s10 =	sadd.s32 s5, s7;
	s11 =	smax.u32 s12, $0x1  }
0xe: {  	s12 =	sadd.s32 $0x1BC00, s13;
	s13 =	sadd.s32 $0x7C00, s13;
	s15 =	sshrl.u32 s15, $0x3  }
.LBB2_7:
0xf: {  	s22 =	sadd.s32 s21, s13;
	[sflag:s16] =	ssyncadd.s32 $0xFFFFC000  }
0x10: {  	[tilespmem:s3], [sflag:$0x2] =	stream.linear.gather [hbm4b:s22+s3], $0x80, $0x38;
	[tilespmem:$0x18100] =	vst v63  }
0x11: {  	_ =	swait.ge [sflag:s16], $0x80  }
0x12: {  	[sflag:s16] =	ssyncset.done $0x0  }
0x13: {  	s31 =	sadd.s32 s21, s12;
	[sflag:s16] =	ssyncadd.s32 $0xFFFFFF80  }
0x14: {  	[tilespmem:s17], [sflag:$0x2] =	stream.linear.gather [hbm4b:s31+s3], $0x80, $0x38;
	[tilespmem:$0x18100] =	vst v63  }
0x15: {  	_ =	swait.ge [sflag:s16], $0x80  }
0x16: {  	[sflag:s16] =	ssyncset.done $0x0  }
0x17: {  	[sflag:s16] =	ssyncadd.s32 $0xFFFFFF80  }
0x18: {  	[tilespmem:s18], [sflag:$0x1] =	stream.indirect.gather [hbm4b:s5+s17], $0x80, s3, s17, $0xb8;
	[tilespmem:$0x18100] =	vst v63  }
0x19: {  	_ =	swait.ge [sflag:s19], $0x4000  }
0x1a: {  	[sflag:s19] =	ssyncset.done $0x0  }
0x1b: {  	[sflag:s19] =	ssyncadd.s32 $0xFFFFC000  }
0x1c: {  	[spmem:s2] =	stream.indirect.scatter.add.f32 [tilespmem:s18], [sflag:$0x2], $0x80, s17, s17, $0xb8;
	[tilespmem:$0x18100] =	vst v63  }
0x1d: {  	_ =	swait.ge [sflag:s16], $0x4000  }
0x1e: {  	[sflag:s16] =	ssyncset.done $0x0  }
0x1f: {  	s21 =	smov.u32 s8;
	[sflag:s16] =	ssyncadd.s32 $0xFFFFC000  }
.LBB2_8:
0x20: {  	s20 =	sadd.s32 $0x1, s20  }
0x21: {  	p1 =	sne.s32 s20, s11  }
.Ltmp1:
0x22: {  	s21 =	sadd.s32 s21, s7;
	[bflag:$0x0] =	sbarrier.arrive $0xFFFF;
	(pc) =	sbr.rel @!p1 .LBB2_9-.Ltmp1, $4  }
0x23: {  	[hbm:s21], [sflag:s14] =	dma.local [spmem:s15], $0x2800  }
0x24: {  	_ =	swait.ge [sflag:s16], $0x2800  }
0x25: {  	[sflag:s16] =	ssyncset.done $0x0  }
0x26: {  	[sflag:s16] =	ssyncadd.s32 $0xFFFFD800  }
.LBB2_1:
.Ltmp2:
0x27: {  	(pc) =	sbr.rel @!p0 .LBB2_2-.Ltmp2, $1  }
0x28: {  	_ =	sdelay $0x3  }
0x29: {  	[spmem:s15], [sflag:s14] =	dma.local [hbm:s10], $0x2800  }
0x2a: {  	_ =	swait.ge [sflag:s16], $0x2800  }
0x2b: {  	[sflag:s16] =	ssyncset.done $0x0  }
0x2c: {  	[sflag:s16] =	ssyncadd.s32 $0xFFFFD800  }
0x2d: {  	s21 =	sadd.s32 $0x0, s13;
	[bflag:$0x0] =	sbarrier.arrive $0xFFFF  }
0x2e: {  	[tilespmem:s3], [sflag:$0x2] =	stream.linear.gather [hbm4b:s21+s3], $0x80, $0x38;
	[tilespmem:$0x18100] =	vst v63  }
0x2f: {  	_ =	swait.ge [sflag:s16], $0x80  }
0x30: {  	[sflag:s16] =	ssyncset.done $0x0  }
0x31: {  	s31 =	sadd.s32 $0x0, s12;
	[sflag:s16] =	ssyncadd.s32 $0xFFFFFF80  }
0x32: {  	[tilespmem:s17], [sflag:$0x2] =	stream.linear.gather [hbm4b:s31+s3], $0x80, $0x38;
	[tilespmem:$0x18100] =	vst v63  }
0x33: {  	_ =	swait.ge [sflag:s16], $0x80  }
0x34: {  	[sflag:s16] =	ssyncset.done $0x0  }
0x35: {  	[sflag:s16] =	ssyncadd.s32 $0xFFFFFF80  }
0x36: {  	[tilespmem:s18], [sflag:$0x1] =	stream.indirect.gather [hbm4b:s5+s17], $0x80, s3, s17, $0xb8;
	[tilespmem:$0x18100] =	vst v63  }
0x37: {  	_ =	swait.ge [sflag:s19], $0x4000  }
0x38: {  	[sflag:s19] =	ssyncset.done $0x0  }
0x39: {  	[sflag:s19] =	ssyncadd.s32 $0xFFFFC000  }
0x3a: {  	[spmem:s2] =	stream.indirect.scatter.add.f32 [tilespmem:s18], [sflag:$0x2], $0x80, s17, s17, $0xb8;
	[tilespmem:$0x18100] =	vst v63  }
0x3b: {  	_ =	swait.ge [sflag:s16], $0x4000  }
0x3c: {  	s22 =	simm.s32 $0x20;
	s21 =	simm.s32 $0x10;
	[sflag:s16] =	ssyncset.done $0x0  }
.LBB2_6:
0x3d: {  	s23 =	sadd.s32 s21, s13  }
0x3e: {  	[sflag:s16] =	ssyncadd.s32 $0xFFFFC000;
	s24 =	smov.u32 s22;
	s25 =	sadd.s32 $0x10, s22  }
0x3f: {  	[tilespmem:s3], [sflag:$0x2] =	stream.linear.gather [hbm4b:s23+s3], $0x80, $0x38;
	[tilespmem:$0x18100] =	vst v63  }
0x40: {  	p1 =	sne.s32 s22, $0x13F0;
	_ =	swait.ge [sflag:s16], $0x80  }
0x41: {  	[sflag:s16] =	ssyncset.done $0x0  }
0x42: {  	s22 =	sadd.s32 s21, s12;
	s21 =	smov.u32 s24;
	[sflag:s16] =	ssyncadd.s32 $0xFFFFFF80  }
0x43: {  	[tilespmem:s17], [sflag:$0x2] =	stream.linear.gather [hbm4b:s22+s3], $0x80, $0x38;
	[tilespmem:$0x18100] =	vst v63  }
0x44: {  	_ =	swait.ge [sflag:s16], $0x80  }
0x45: {  	[sflag:s16] =	ssyncset.done $0x0  }
0x46: {  	[sflag:s16] =	ssyncadd.s32 $0xFFFFFF80  }
0x47: {  	[tilespmem:s18], [sflag:$0x1] =	stream.indirect.gather [hbm4b:s5+s17], $0x80, s3, s17, $0xb8;
	[tilespmem:$0x18100] =	vst v63  }
0x48: {  	_ =	swait.ge [sflag:s19], $0x4000  }
.Ltmp3:
0x49: {  	[sflag:s19] =	ssyncset.done $0x0;
	(pc) =	sbr.rel @p1 .LBB2_6-.Ltmp3, $4  }
0x4a: {  	[sflag:s19] =	ssyncadd.s32 $0xFFFFC000  }
0x4b: {  	[spmem:s2] =	stream.indirect.scatter.add.f32 [tilespmem:s18], [sflag:$0x2], $0x80, s17, s17, $0xb8;
	[tilespmem:$0x18100] =	vst v63  }
0x4c: {  	_ =	swait.ge [sflag:s16], $0x4000  }
0x4d: {  	s22 =	smov.u32 s25;
	[sflag:s16] =	ssyncset.done $0x0  }
.Ltmp4:
0x4e: {  	_ = 	snop;
	(pc) =	sbr.rel .LBB2_7-.Ltmp4, $1  }
0x4f: {  	_ =	sdelay $0x3  }
.LBB2_2:
0x50: {  	[spmem:s15], [sflag:s14] =	dma.local [hbm:s9], $0x2800  }
0x51: {  	_ =	swait.ge [sflag:s16], $0x2800  }
0x52: {  	[sflag:s16] =	ssyncset.done $0x0  }
0x53: {  	[sflag:s16] =	ssyncadd.s32 $0xFFFFD800  }
0x54: {  	s21 =	sadd.s32 $0x0, s13;
	[bflag:$0x0] =	sbarrier.arrive $0xFFFF  }
0x55: {  	[tilespmem:s3], [sflag:$0x2] =	stream.linear.gather [hbm4b:s21+s3], $0x80, $0x38;
	[tilespmem:$0x18100] =	vst v63  }
0x56: {  	_ =	swait.ge [sflag:s16], $0x80  }
0x57: {  	[sflag:s16] =	ssyncset.done $0x0  }
0x58: {  	s31 =	sadd.s32 $0x0, s12;
	[sflag:s16] =	ssyncadd.s32 $0xFFFFFF80  }
0x59: {  	[tilespmem:s17], [sflag:$0x2] =	stream.linear.gather [hbm4b:s31+s3], $0x80, $0x38;
	[tilespmem:$0x18100] =	vst v63  }
0x5a: {  	_ =	swait.ge [sflag:s16], $0x80  }
0x5b: {  	[sflag:s16] =	ssyncset.done $0x0  }
0x5c: {  	[sflag:s16] =	ssyncadd.s32 $0xFFFFFF80  }
0x5d: {  	[tilespmem:s18], [sflag:$0x1] =	stream.indirect.gather [hbm4b:s4+s17], $0x80, s3, s17, $0xb8;
	[tilespmem:$0x18100] =	vst v63  }
0x5e: {  	_ =	swait.ge [sflag:s19], $0x4000  }
0x5f: {  	[sflag:s19] =	ssyncset.done $0x0  }
0x60: {  	[sflag:s19] =	ssyncadd.s32 $0xFFFFC000  }
0x61: {  	[spmem:s2] =	stream.indirect.scatter.add.f32 [tilespmem:s18], [sflag:$0x2], $0x80, s17, s17, $0xb8;
	[tilespmem:$0x18100] =	vst v63  }
0x62: {  	_ =	swait.ge [sflag:s16], $0x4000  }
0x63: {  	s22 =	simm.s32 $0x20;
	s21 =	simm.s32 $0x10;
	[sflag:s16] =	ssyncset.done $0x0  }
.LBB2_3:
0x64: {  	s23 =	sadd.s32 s21, s13  }
0x65: {  	[sflag:s16] =	ssyncadd.s32 $0xFFFFC000;
	s24 =	smov.u32 s22;
	s25 =	sadd.s32 $0x10, s22  }
0x66: {  	[tilespmem:s3], [sflag:$0x2] =	stream.linear.gather [hbm4b:s23+s3], $0x80, $0x38;
	[tilespmem:$0x18100] =	vst v63  }
0x67: {  	p1 =	seq.s32 s22, $0x13F0;
	_ =	swait.ge [sflag:s16], $0x80  }
0x68: {  	[sflag:s16] =	ssyncset.done $0x0  }
0x69: {  	s22 =	sadd.s32 s21, s12;
	s21 =	smov.u32 s24;
	[sflag:s16] =	ssyncadd.s32 $0xFFFFFF80  }
0x6a: {  	[tilespmem:s17], [sflag:$0x2] =	stream.linear.gather [hbm4b:s22+s3], $0x80, $0x38;
	[tilespmem:$0x18100] =	vst v63  }
0x6b: {  	_ =	swait.ge [sflag:s16], $0x80  }
0x6c: {  	[sflag:s16] =	ssyncset.done $0x0  }
0x6d: {  	[sflag:s16] =	ssyncadd.s32 $0xFFFFFF80  }
0x6e: {  	[tilespmem:s18], [sflag:$0x1] =	stream.indirect.gather [hbm4b:s4+s17], $0x80, s3, s17, $0xb8;
	[tilespmem:$0x18100] =	vst v63  }
0x6f: {  	_ =	swait.ge [sflag:s19], $0x4000  }
.Ltmp5:
0x70: {  	[sflag:s19] =	ssyncset.done $0x0;
	(pc) =	sbr.rel @!p1 .LBB2_3-.Ltmp5, $4  }
0x71: {  	[sflag:s19] =	ssyncadd.s32 $0xFFFFC000  }
0x72: {  	[spmem:s2] =	stream.indirect.scatter.add.f32 [tilespmem:s18], [sflag:$0x2], $0x80, s17, s17, $0xb8;
	[tilespmem:$0x18100] =	vst v63  }
0x73: {  	_ =	swait.ge [sflag:s16], $0x4000  }
0x74: {  	s22 =	smov.u32 s25;
	[sflag:s16] =	ssyncset.done $0x0  }
0x75: {  	s22 =	sadd.s32 s21, s13;
	[sflag:s16] =	ssyncadd.s32 $0xFFFFC000  }
0x76: {  	[tilespmem:s3], [sflag:$0x2] =	stream.linear.gather [hbm4b:s22+s3], $0x80, $0x38;
	[tilespmem:$0x18100] =	vst v63  }
0x77: {  	_ =	swait.ge [sflag:s16], $0x80  }
0x78: {  	[sflag:s16] =	ssyncset.done $0x0  }
0x79: {  	s31 =	sadd.s32 s21, s12;
	[sflag:s16] =	ssyncadd.s32 $0xFFFFFF80  }
0x7a: {  	[tilespmem:s17], [sflag:$0x2] =	stream.linear.gather [hbm4b:s31+s3], $0x80, $0x38;
	[tilespmem:$0x18100] =	vst v63  }
0x7b: {  	_ =	swait.ge [sflag:s16], $0x80  }
0x7c: {  	[sflag:s16] =	ssyncset.done $0x0  }
0x7d: {  	[sflag:s16] =	ssyncadd.s32 $0xFFFFFF80  }
0x7e: {  	[tilespmem:s18], [sflag:$0x1] =	stream.indirect.gather [hbm4b:s4+s17], $0x80, s3, s17, $0xb8;
	[tilespmem:$0x18100] =	vst v63  }
0x7f: {  	_ =	swait.ge [sflag:s19], $0x4000  }
0x80: {  	[sflag:s19] =	ssyncset.done $0x0  }
.Ltmp6:
0x81: {  	[sflag:s19] =	ssyncadd.s32 $0xFFFFC000;
	(pc) =	sbr.rel .LBB2_8-.Ltmp6, $4  }
0x82: {  	[spmem:s2] =	stream.indirect.scatter.add.f32 [tilespmem:s18], [sflag:$0x2], $0x80, s17, s17, $0xb8;
	[tilespmem:$0x18100] =	vst v63  }
0x83: {  	_ =	swait.ge [sflag:s16], $0x4000  }
0x84: {  	[sflag:s16] =	ssyncset.done $0x0  }
0x85: {  	s21 =	smov.u32 s6;
	[sflag:s16] =	ssyncadd.s32 $0xFFFFC000  }
.LBB2_9:
0x86: {  	_ =	sfence.sel $0x180000  }
0x87: {  	[bflag:$0x0] =	sbarrier.arrive $0xFFFF  }
0x88: {  	p0 =	sne.s32 s1, $0x0;
	_ =	strace $0x9000004D  }
0x89: {  	s0 =	sadd.s32 @!p0 $0x100000, s0;
	[bflag:$0x2] =	sbarrier.arrive $0xFFFF  }
0x8a: {  	[sflag:s0] =	ssyncadd.tile.s32 @!p0 $0x1;
	_ =	shalt  }
.Lfunc_end2:
_tile_overlayer_lowered:
.L_overlay_start_2:
0x8b: {  	(tag) =	ssettag $0x2  }
0x8c: {  	s0 =	rddreg [dreg:$0x0];
	s2 =	stileid.u32  }
0x8d: {  	s1 =	rddreg [dreg:$0x1];
	p0 =	sne.s32 s2, $0x0  }
0x8e: {  	s3 =	rddreg [dreg:$0x2];
	[bflag:$0x3] =	sbarrier.arrive $0xFFFF;
	s2 =	simm.s32 @!p0 $0x1C02  }
0x8f: {  	[timem:s3], [sflag:s2] =	dma.local @!p0 [hbm:s0], s1  }
0x90: {  	s0 =	simm.s32 @!p0 $0x2  }
0x91: {  	_ =	swait.ge @!p0 [sflag:s0], s1  }
0x92: {  	s1 =	ssub.s32 @!p0 $0x0, s1;
	[sflag:s0] =	ssyncset.done @!p0 $0x0  }
0x93: {  	[sflag:s0] =	ssyncadd.s32 @!p0 s1  }
0x94: {  	[bflag:$0x3] =	sbarrier.arrive $0xFFFF  }
0x95: {  	_ =	shalt  }

// kernel: kernel.19.cloned.1.call-start
scs
__scs_entry_jumppad:
0x0: {  	(pc) =	sbr.rel $0x88, $3  }
0x1: {  	(tag) =	ssettag $0x0;
	lr =	simm.s32 $0x1  }
0x2: {  	[smem:$0x3F8D] =	sst lr;
	_ =	strace $0xD0000000  }
0x3: {  	_ = 	snop  }
0x4: {  	_ = 	snop  }
0x5: {  	_ = 	snop  }
0x6: {  	_ = 	snop  }
0x7: {  	_ = 	snop  }
__scs_overlays_trampoline_lowered:
0x8: {  	[smem:$0x3F9C] =	sst s0  }
0x9: {  	[smem:$0x3F9D] =	sst s1  }
0xa: {  	[smem:$0x3F9E] =	sst s2  }
0xb: {  	[smem:$0x3F9F] =	sst s3  }
0xc: {  	[smem:$0x3FA0] =	sst s4  }
0xd: {  	[smem:$0x3FA1] =	sst s5  }
0xe: {  	[smem:$0x3FA2] =	sst s6  }
0xf: {  	[smem:$0x3FA3] =	sst s7  }
0x10: {  	[smem:$0x3FA4] =	sst s8  }
0x11: {  	[smem:$0x3FA5] =	sst s9;
	s0 =	simm.s32 @!p0 $0x0  }
0x12: {  	s1 =	sld [smem:$0x3F8B];
	s0 =	simm.s32 @p0 $0x1  }
0x13: {  	[smem:$0x3FA6] =	sst s0;
	s0 =	simm.s32 @!p1 $0x0  }
0x14: {  	s2 =	sld [smem:$0x3F8A];
	s0 =	simm.s32 @p1 $0x1  }
0x15: {  	[smem:$0x3FA7] =	sst s0;
	s0 =	simm.s32 @!p2 $0x0  }
0x16: {  	s3 =	sld [smem:$0x3FDB];
	s0 =	simm.s32 @p2 $0x1  }
0x17: {  	s4 =	simm.s32 $0x1BF5;
	[smem:$0x3FA9] =	sst s0  }
0x18: {  	s0 =	sld [smem:$0x3F8C];
	_ =	swait.ge [sflag:s4], $0x0  }
0x19: {  	s7 =	sld [smem:$0x3F8D]  }
0x1a: {  	s8 =	sadd.s32 $0xFFFFE003, lr  }
0x1b: {  	s9 =	sadd.s32 $0xFFFFFEF7, lr;
	s5 =	simm.s32 $0xFFFFFFFF;
	p2 =	slt.u32 s8, $0xFFFFF086  }
0x1c: {  	p1 =	slt.u32 s9, $0xF7A;
	s5 =	simm.s32 @!p2 $0x0  }
0x1d: {  	s5 =	simm.s32 @p1 $0x1;
	p0 =	seq.s32 s7, s2  }
0x1e: {  	s7 =	smul.u32 @!p0 $0xF7A, s2;
	p2 =	seq.s32 @!p0 s5, $0x0  }
0x1f: {  	s9 =	smul.u32 $0xF7A, s1;
	s8 =	simm.s32 @!p0 $0x1BF5;
	p2 =	por !p2, p0  }
0x20: {  	[sflag:s8] =	ssyncset.s32 @!p0 $0xFFFFF086;
	s6 =	sadd.s32 @!p0 s3, s7;
	s7 =	simm.s32 @!p0 $0x108  }
0x21: {  	s3 =	sadd.s32 s3, s9;
	s6 =	sadd.s32 @!p0 $0x88, s6;
	s7 =	simm.s32 @p2 $0x1082  }
0x22: {  	[simem:s7], [sflag:s8] =	dma.local @!p0 [hbm:s6], $0xF7A  }
0x23: {  	s9 =	sor.u32 $0xD0000000, s2;
	s6 =	simm.s32 $0x108;
	_ =	swait.ge @!p0 [sflag:s8], $0x0  }
0x24: {  	s3 =	sadd.s32 $0x88, s3;
	s6 =	simm.s32 @!p1 $0x1082;
	[sflag:s4] =	ssyncset.s32 $0xFFFFF086  }
0x25: {  	[simem:s6], [sflag:s4] =	dma.local [hbm:s3], $0xF7A  }
0x26: {  	[smem:$0x3F8D] =	sst s1;
	(tag) =	ssettag s2;
	_ =	strace s9  }
0x27: {  	s1 =	sld [smem:$0x3F9D]  }
0x28: {  	s2 =	sld [smem:$0x3F9E]  }
0x29: {  	s4 =	sld [smem:$0x3FA0]  }
0x2a: {  	p0 =	seq.s32 s5, $0x0;
	s5 =	sld [smem:$0x3FA1]  }
0x2b: {  	s6 =	sld [smem:$0x3FA2]  }
0x2c: {  	s7 =	sld [smem:$0x3FA3]  }
0x2d: {  	s3 =	simm.s32 $0x108;
	s8 =	sld [smem:$0x3FA4]  }
0x2e: {  	s3 =	simm.s32 @!p0 $0x1082;
	s9 =	sld [smem:$0x3FA5]  }
0x2f: {  	lr =	sadd.s32 s0, s3;
	s0 =	sld [smem:$0x3F9C]  }
0x30: {  	s3 =	sld [smem:$0x3F9F]  }
0x31: {  	[smem:$0x3FA8] =	sst s10  }
0x32: {  	s10 =	sld [smem:$0x3FA6];
	_ =	sdelay $0x3  }
0x33: {  	p0 =	seq.s32 s10, $0x1;
	s10 =	sld [smem:$0x3FA8];
	_ =	sdelay $0x3  }
0x34: {  	[smem:$0x3FA8] =	sst s10  }
0x35: {  	s10 =	sld [smem:$0x3FA7];
	_ =	sdelay $0x3  }
0x36: {  	p1 =	seq.s32 s10, $0x1;
	s10 =	sld [smem:$0x3FA8];
	_ =	sdelay $0x3  }
0x37: {  	[smem:$0x3FA8] =	sst s10  }
0x38: {  	s10 =	sld [smem:$0x3FA9]  }
0x39: {  	_ = 	snop;
	(pc) =	sbr.ind lr, $3  }
0x3a: {  	_ = 	snop  }
0x3b: {  	_ = 	snop  }
0x3c: {  	p2 =	seq.s32 s10, $0x1;
	s10 =	sld [smem:$0x3FA8]  }
0x3d: {  	_ =	shalt  }
0x3e: {  	_ =	shalt  }
0x3f: {  	_ =	shalt  }
0x40: {  	_ =	shalt  }
0x41: {  	_ =	shalt  }
0x42: {  	_ =	shalt  }
0x43: {  	_ =	shalt  }
0x44: {  	_ =	shalt  }
0x45: {  	_ =	shalt  }
0x46: {  	_ =	shalt  }
0x47: {  	_ =	shalt  }
0x48: {  	_ =	shalt  }
0x49: {  	_ =	shalt  }
0x4a: {  	_ =	shalt  }
0x4b: {  	_ =	shalt  }
0x4c: {  	_ =	shalt  }
0x4d: {  	_ =	shalt  }
0x4e: {  	_ =	shalt  }
0x4f: {  	_ =	shalt  }
0x50: {  	_ =	shalt  }
0x51: {  	_ =	shalt  }
0x52: {  	_ =	shalt  }
0x53: {  	_ =	shalt  }
0x54: {  	_ =	shalt  }
0x55: {  	_ =	shalt  }
0x56: {  	_ =	shalt  }
0x57: {  	_ =	shalt  }
0x58: {  	_ =	shalt  }
0x59: {  	_ =	shalt  }
0x5a: {  	_ =	shalt  }
0x5b: {  	_ =	shalt  }
0x5c: {  	_ =	shalt  }
0x5d: {  	_ =	shalt  }
0x5e: {  	_ =	shalt  }
0x5f: {  	_ =	shalt  }
0x60: {  	_ =	shalt  }
0x61: {  	_ =	shalt  }
0x62: {  	_ =	shalt  }
0x63: {  	_ =	shalt  }
0x64: {  	_ =	shalt  }
0x65: {  	_ =	shalt  }
0x66: {  	_ =	shalt  }
0x67: {  	_ =	shalt  }
0x68: {  	_ =	shalt  }
0x69: {  	_ =	shalt  }
0x6a: {  	_ =	shalt  }
0x6b: {  	_ =	shalt  }
0x6c: {  	_ =	shalt  }
0x6d: {  	_ =	shalt  }
0x6e: {  	_ =	shalt  }
0x6f: {  	_ =	shalt  }
0x70: {  	_ =	shalt  }
0x71: {  	_ =	shalt  }
0x72: {  	_ =	shalt  }
0x73: {  	_ =	shalt  }
0x74: {  	_ =	shalt  }
0x75: {  	_ =	shalt  }
0x76: {  	_ =	shalt  }
0x77: {  	_ =	shalt  }
0x78: {  	_ =	shalt  }
0x79: {  	_ =	shalt  }
0x7a: {  	_ =	shalt  }
0x7b: {  	_ =	shalt  }
0x7c: {  	_ =	shalt  }
0x7d: {  	_ =	shalt  }
0x7e: {  	_ =	shalt  }
0x7f: {  	_ =	shalt  }
0x80: {  	_ =	shalt  }
0x81: {  	_ =	shalt  }
0x82: {  	_ =	shalt  }
0x83: {  	_ =	shalt  }
0x84: {  	_ =	shalt  }
0x85: {  	_ =	shalt  }
0x86: {  	_ =	shalt  }
0x87: {  	_ =	shalt  }
.Lfunc_end0:
.L_simem_size_0:
called_computation.3_lowered:
.L_overlay_start_0:
0x88: {  	s2 =	sld [smem:$0x3FD9]  }
0x89: {  	s3 =	sld [smem:$0x3FFE];
	_ =	sdelay $0x1  }
0x8a: {  	s1 =	srdreg.scid  }
0x8b: {  	s0 =	sand.u32 $0x1, s1  }
0x8c: {  	s16 =	sshll.u32 s0, $0xA;
	s2 =	sadd.s32 s3, s2  }
0x8d: {  	s2 =	sadd.s32 s2, s16  }
0x8e: {  	[smem:$0x3FB4] =	sst s2  }
0x8f: {  	_ = 	snop  }
0x90: {  	(tm) =	ssettm $0x1  }
0x91: {  	s17 =	sld [smem:$0x3FFB];
	_ =	sdelay $0x3  }
0x92: {  	_ =	strace s17  }
0x93: {  	s2 =	sld [smem:$0x3FFC];
	_ =	sdelay $0x3  }
0x94: {  	_ =	strace s2  }
0x95: {  	s2 =	sld [smem:$0x3FFD];
	_ =	sdelay $0x3  }
0x96: {  	_ =	strace s2  }
0x97: {  	_ =	strace $0x8FFFFFFF  }
0x98: {  	s18 =	sld [smem:$0x3FDB];
	_ =	sdelay $0x1  }
0x99: {  	s19 =	simm.s32 $_scs_section_size  }
0x9a: {  	s4 =	simm.s32 $_size__tile_overlayer_lowered;
	s5 =	simm.s32 $_tile_overlayer_lowered  }
0x9b: {  	s22 =	simm.s32 $0x1BFF;
	s21 =	sshll.u32 s5, $0x1;
	s2 =	sadd.s32 s19, s18  }
0x9c: {  	s6 =	simm.s32 $0x0;
	s20 =	sshll.u32 s4, $0x1;
	s4 =	sadd.s32 s21, s2  }
0x9d: {  	[timem:s6], [sflag:s22] =	dma.local [hbm:s4], s20  }
0x9e: {  	_ =	swait.ge [sflag:s22], s20  }
0x9f: {  	s3 =	ssub.s32 $0x0, s20;
	[sflag:s22] =	ssyncset.done $0x0  }
0xa0: {  	[sflag:s22] =	ssyncadd.s32 s3;
	_ =	sdelay $0x1  }
0xa1: {  	s23 =	simm.s32 $0x1B8B  }
0xa2: {  	_ =	swait.ge [sflag:s23], $0x1  }
0xa3: {  	[sflag:s23] =	ssyncset.done $0x0  }
0xa4: {  	s25 =	simm.s32 $0x1B8E;
	s24 =	sld [smem:$0x3FFE];
	[sflag:s23] =	ssyncadd.s32 $0xFFFFFFFF  }
0xa5: {  	s26 =	simm.s32 $execute0_lowered;
	[smem:$0x3FD2] =	sst s25  }
0xa6: {  	s4 =	sshll.u32 s26, $0x1;
	_ =	strace $0x8000004F;
	[dreg:$0x1] =	wrdreg $0xFFFFFFFF  }
0xa7: {  	s28 =	simm.s32 $_size_execute0_lowered;
	s2 =	sadd.s32 s2, s4;
	[dreg:$0x0] =	wrdreg $0x0  }
0xa8: {  	s4 =	sshll.u32 s28, $0x1;
	[dreg:$0x2] =	wrdreg s2  }
0xa9: {  	[dreg:$0x3] =	wrdreg s4  }
0xaa: {  	[dreg:$0x4] =	wrdreg $0xC0  }
0xab: {  	_ =	task [dreg:s6], $0x5FFFF  }
0xac: {  	[dreg:$0x1] =	wrdreg $0xFFFFFFFF  }
0xad: {  	[dreg:$0x0] =	wrdreg $0x60  }
0xae: {  	[dreg:$0x2] =	wrdreg s24  }
0xaf: {  	[dreg:$0x3] =	wrdreg $0x41000  }
0xb0: {  	[dreg:$0x4] =	wrdreg $0x9  }
0xb1: {  	_ =	task.clear_ibuf [dreg:s6], $0x5FFFF;
	_ =	strace $0x9000004F  }
0xb2: {  	s29 =	simm.s32 $0x9;
	_ =	strace $0x80000051  }
0xb3: {  	_ =	swait.ge [sflag:s29], $0x1  }
0xb4: {  	[sflag:s29] =	ssyncadd.s32 $0xFFFFFFFF  }
0xb5: {  	_ =	strace $0x90000051  }
0xb6: {  	_ =	sfence  }
0xb7: {  	s30 =	sld [smem:$0x0];
	_ =	sdelay $0x2  }
0xb8: {  	s31 =	sshll.u32 s1, $0xD;
	s1 =	sshrl.u32 s1, $0x2  }
0xb9: {  	s3 =	sand.u32 $0x4000, s31;
	s1 =	sadd.s32 s1, s30  }
0xba: {  	s0 =	sor.u32 s3, s0;
	s1 =	sshll.u32 s1, $0x11  }
0xbb: {  	s0 =	sor.u32 s1, s0  }
0xbc: {  	s0 =	sadd.s32 $0x8F2B, s0  }
0xbd: {  	[sflag:s0] =	ssyncadd.remote.s32 $0x1  }
0xbe: {  	_ =	sfence.sel $0xFFFF  }
0xbf: {  	[dreg:$0x0] =	wrdreg $0xFFFFFFFF;
	(pc) =	sbr.abs _section_cstart, $3  }
0xc0: {  	[dreg:$0x1] =	wrdreg $0xFFFFFFFF  }
0xc1: {  	_ =	task.clear_ibuf [dreg:s6], $0x2FFFF;
	_ =	strace $0x9FFFFFFF  }
0xc2: {  	(tm) =	ssettm $0x7FFFFFFF  }
0xc3: {  	_ =	shalt  }
tec
execute0_lowered:
.L_overlay_start_1:
0x0: {  	(tag) =	ssettag $0x1  }
0x1: {  	s8 =	rddreg [dreg:$0x0]  }
0x2: {  	s2 =	rddreg [dreg:$0x1]  }
0x3: {  	s0 =	rddreg [dreg:$0x2];
	s3 =	simm.s32 $0x0  }
0x4: {  	s1 =	stileid.u32;
	s7 =	srdreg.scid;
	s16 =	simm.s32 $0x2  }
0x5: {  	s17 =	simm.s32 $0x80;
	s18 =	simm.s32 $0x100;
	s19 =	simm.s32 $0x1  }
0x6: {  	s20 =	simm.s32 $0x0;
	[smem:$0x7FF] =	sst s3;
	s6 =	smul.u32 $0x1400, s1  }
0x7: {  	s4 =	sadd.s32 $0x2FC00, s8;
	s5 =	sadd.s32 $0x57C00, s8;
	s11 =	smul.u32 $0x50000, s1  }
0x8: {  	s9 =	sand.u32 $0x1, s7;
	s7 =	smul.u32 $0x2800, s1;
	s14 =	sshll.u32 s1, $0x6  }
0x9: {  	_ =	strace $0x80000050;
	s10 =	ssub.s32 $0x2, s9;
	p0 =	seq.s32 s9, $0x1  }
.Ltmp0:
0xa: {  	s14 =	sor.u32 $0x1C02, s14;
	s13 =	sadd.s32 s6, s8;
	(pc) =	sbr.rel .LBB2_1-.Ltmp0, $4  }
0xb: {  	s6 =	sadd.s32 $0xA7C00, s8;
	s12 =	sshrl.u32 s10, $0x1;
	s8 =	sadd.s32 $0xCFC00, s8  }
0xc: {  	s31 =	sshrl.u32 s11, $0x2;
	s9 =	sadd.s32 s4, s7;
	s12 =	ssub.s32 s10, s12  }
0xd: {  	s15 =	sadd.s32 s31, s2;
	s10 =	sadd.s32 s5, s7;
	s11 =	smax.u32 s12, $0x1  }
0xe: {  	s12 =	sadd.s32 $0x1BC00, s13;
	s13 =	sadd.s32 $0x7C00, s13;
	s15 =	sshrl.u32 s15, $0x3  }
.LBB2_7:
0xf: {  	s22 =	sadd.s32 s21, s13;
	[sflag:s16] =	ssyncadd.s32 $0xFFFFC000  }
0x10: {  	[tilespmem:s3], [sflag:$0x2] =	stream.linear.gather [hbm4b:s22+s3], $0x80, $0x38;
	[tilespmem:$0x18100] =	vst v63  }
0x11: {  	_ =	swait.ge [sflag:s16], $0x80  }
0x12: {  	[sflag:s16] =	ssyncset.done $0x0  }
0x13: {  	s31 =	sadd.s32 s21, s12;
	[sflag:s16] =	ssyncadd.s32 $0xFFFFFF80  }
0x14: {  	[tilespmem:s17], [sflag:$0x2] =	stream.linear.gather [hbm4b:s31+s3], $0x80, $0x38;
	[tilespmem:$0x18100] =	vst v63  }
0x15: {  	_ =	swait.ge [sflag:s16], $0x80  }
0x16: {  	[sflag:s16] =	ssyncset.done $0x0  }
0x17: {  	[sflag:s16] =	ssyncadd.s32 $0xFFFFFF80  }
0x18: {  	[tilespmem:s18], [sflag:$0x1] =	stream.indirect.gather [hbm4b:s5+s17], $0x80, s3, s17, $0xb8;
	[tilespmem:$0x18100] =	vst v63  }
0x19: {  	_ =	swait.ge [sflag:s19], $0x4000  }
0x1a: {  	[sflag:s19] =	ssyncset.done $0x0  }
0x1b: {  	[sflag:s19] =	ssyncadd.s32 $0xFFFFC000  }
0x1c: {  	[spmem:s2] =	stream.indirect.scatter.add.f32 [tilespmem:s18], [sflag:$0x2], $0x80, s17, s17, $0xb8;
	[tilespmem:$0x18100] =	vst v63  }
0x1d: {  	_ =	swait.ge [sflag:s16], $0x4000  }
0x1e: {  	[sflag:s16] =	ssyncset.done $0x0  }
0x1f: {  	s21 =	smov.u32 s8;
	[sflag:s16] =	ssyncadd.s32 $0xFFFFC000  }
.LBB2_8:
0x20: {  	s20 =	sadd.s32 $0x1, s20  }
0x21: {  	p1 =	sne.s32 s20, s11  }
.Ltmp1:
0x22: {  	s21 =	sadd.s32 s21, s7;
	[bflag:$0x0] =	sbarrier.arrive $0xFFFF;
	(pc) =	sbr.rel @!p1 .LBB2_9-.Ltmp1, $4  }
0x23: {  	[hbm:s21], [sflag:s14] =	dma.local [spmem:s15], $0x2800  }
0x24: {  	_ =	swait.ge [sflag:s16], $0x2800  }
0x25: {  	[sflag:s16] =	ssyncset.done $0x0  }
0x26: {  	[sflag:s16] =	ssyncadd.s32 $0xFFFFD800  }
.LBB2_1:
.Ltmp2:
0x27: {  	(pc) =	sbr.rel @!p0 .LBB2_2-.Ltmp2, $1  }
0x28: {  	_ =	sdelay $0x3  }
0x29: {  	[spmem:s15], [sflag:s14] =	dma.local [hbm:s10], $0x2800  }
0x2a: {  	_ =	swait.ge [sflag:s16], $0x2800  }
0x2b: {  	[sflag:s16] =	ssyncset.done $0x0  }
0x2c: {  	[sflag:s16] =	ssyncadd.s32 $0xFFFFD800  }
0x2d: {  	s21 =	sadd.s32 $0x0, s13;
	[bflag:$0x0] =	sbarrier.arrive $0xFFFF  }
0x2e: {  	[tilespmem:s3], [sflag:$0x2] =	stream.linear.gather [hbm4b:s21+s3], $0x80, $0x38;
	[tilespmem:$0x18100] =	vst v63  }
0x2f: {  	_ =	swait.ge [sflag:s16], $0x80  }
0x30: {  	[sflag:s16] =	ssyncset.done $0x0  }
0x31: {  	s31 =	sadd.s32 $0x0, s12;
	[sflag:s16] =	ssyncadd.s32 $0xFFFFFF80  }
0x32: {  	[tilespmem:s17], [sflag:$0x2] =	stream.linear.gather [hbm4b:s31+s3], $0x80, $0x38;
	[tilespmem:$0x18100] =	vst v63  }
0x33: {  	_ =	swait.ge [sflag:s16], $0x80  }
0x34: {  	[sflag:s16] =	ssyncset.done $0x0  }
0x35: {  	[sflag:s16] =	ssyncadd.s32 $0xFFFFFF80  }
0x36: {  	[tilespmem:s18], [sflag:$0x1] =	stream.indirect.gather [hbm4b:s5+s17], $0x80, s3, s17, $0xb8;
	[tilespmem:$0x18100] =	vst v63  }
0x37: {  	_ =	swait.ge [sflag:s19], $0x4000  }
0x38: {  	[sflag:s19] =	ssyncset.done $0x0  }
0x39: {  	[sflag:s19] =	ssyncadd.s32 $0xFFFFC000  }
0x3a: {  	[spmem:s2] =	stream.indirect.scatter.add.f32 [tilespmem:s18], [sflag:$0x2], $0x80, s17, s17, $0xb8;
	[tilespmem:$0x18100] =	vst v63  }
0x3b: {  	_ =	swait.ge [sflag:s16], $0x4000  }
0x3c: {  	s22 =	simm.s32 $0x20;
	s21 =	simm.s32 $0x10;
	[sflag:s16] =	ssyncset.done $0x0  }
.LBB2_6:
0x3d: {  	s23 =	sadd.s32 s21, s13  }
0x3e: {  	[sflag:s16] =	ssyncadd.s32 $0xFFFFC000;
	s24 =	smov.u32 s22;
	s25 =	sadd.s32 $0x10, s22  }
0x3f: {  	[tilespmem:s3], [sflag:$0x2] =	stream.linear.gather [hbm4b:s23+s3], $0x80, $0x38;
	[tilespmem:$0x18100] =	vst v63  }
0x40: {  	p1 =	sne.s32 s22, $0x13F0;
	_ =	swait.ge [sflag:s16], $0x80  }
0x41: {  	[sflag:s16] =	ssyncset.done $0x0  }
0x42: {  	s22 =	sadd.s32 s21, s12;
	s21 =	smov.u32 s24;
	[sflag:s16] =	ssyncadd.s32 $0xFFFFFF80  }
0x43: {  	[tilespmem:s17], [sflag:$0x2] =	stream.linear.gather [hbm4b:s22+s3], $0x80, $0x38;
	[tilespmem:$0x18100] =	vst v63  }
0x44: {  	_ =	swait.ge [sflag:s16], $0x80  }
0x45: {  	[sflag:s16] =	ssyncset.done $0x0  }
0x46: {  	[sflag:s16] =	ssyncadd.s32 $0xFFFFFF80  }
0x47: {  	[tilespmem:s18], [sflag:$0x1] =	stream.indirect.gather [hbm4b:s5+s17], $0x80, s3, s17, $0xb8;
	[tilespmem:$0x18100] =	vst v63  }
0x48: {  	_ =	swait.ge [sflag:s19], $0x4000  }
.Ltmp3:
0x49: {  	[sflag:s19] =	ssyncset.done $0x0;
	(pc) =	sbr.rel @p1 .LBB2_6-.Ltmp3, $4  }
0x4a: {  	[sflag:s19] =	ssyncadd.s32 $0xFFFFC000  }
0x4b: {  	[spmem:s2] =	stream.indirect.scatter.add.f32 [tilespmem:s18], [sflag:$0x2], $0x80, s17, s17, $0xb8;
	[tilespmem:$0x18100] =	vst v63  }
0x4c: {  	_ =	swait.ge [sflag:s16], $0x4000  }
0x4d: {  	s22 =	smov.u32 s25;
	[sflag:s16] =	ssyncset.done $0x0  }
.Ltmp4:
0x4e: {  	_ = 	snop;
	(pc) =	sbr.rel .LBB2_7-.Ltmp4, $1  }
0x4f: {  	_ =	sdelay $0x3  }
.LBB2_2:
0x50: {  	[spmem:s15], [sflag:s14] =	dma.local [hbm:s9], $0x2800  }
0x51: {  	_ =	swait.ge [sflag:s16], $0x2800  }
0x52: {  	[sflag:s16] =	ssyncset.done $0x0  }
0x53: {  	[sflag:s16] =	ssyncadd.s32 $0xFFFFD800  }
0x54: {  	s21 =	sadd.s32 $0x0, s13;
	[bflag:$0x0] =	sbarrier.arrive $0xFFFF  }
0x55: {  	[tilespmem:s3], [sflag:$0x2] =	stream.linear.gather [hbm4b:s21+s3], $0x80, $0x38;
	[tilespmem:$0x18100] =	vst v63  }
0x56: {  	_ =	swait.ge [sflag:s16], $0x80  }
0x57: {  	[sflag:s16] =	ssyncset.done $0x0  }
0x58: {  	s31 =	sadd.s32 $0x0, s12;
	[sflag:s16] =	ssyncadd.s32 $0xFFFFFF80  }
0x59: {  	[tilespmem:s17], [sflag:$0x2] =	stream.linear.gather [hbm4b:s31+s3], $0x80, $0x38;
	[tilespmem:$0x18100] =	vst v63  }
0x5a: {  	_ =	swait.ge [sflag:s16], $0x80  }
0x5b: {  	[sflag:s16] =	ssyncset.done $0x0  }
0x5c: {  	[sflag:s16] =	ssyncadd.s32 $0xFFFFFF80  }
0x5d: {  	[tilespmem:s18], [sflag:$0x1] =	stream.indirect.gather [hbm4b:s4+s17], $0x80, s3, s17, $0xb8;
	[tilespmem:$0x18100] =	vst v63  }
0x5e: {  	_ =	swait.ge [sflag:s19], $0x4000  }
0x5f: {  	[sflag:s19] =	ssyncset.done $0x0  }
0x60: {  	[sflag:s19] =	ssyncadd.s32 $0xFFFFC000  }
0x61: {  	[spmem:s2] =	stream.indirect.scatter.add.f32 [tilespmem:s18], [sflag:$0x2], $0x80, s17, s17, $0xb8;
	[tilespmem:$0x18100] =	vst v63  }
0x62: {  	_ =	swait.ge [sflag:s16], $0x4000  }
0x63: {  	s22 =	simm.s32 $0x20;
	s21 =	simm.s32 $0x10;
	[sflag:s16] =	ssyncset.done $0x0  }
.LBB2_3:
0x64: {  	s23 =	sadd.s32 s21, s13  }
0x65: {  	[sflag:s16] =	ssyncadd.s32 $0xFFFFC000;
	s24 =	smov.u32 s22;
	s25 =	sadd.s32 $0x10, s22  }
0x66: {  	[tilespmem:s3], [sflag:$0x2] =	stream.linear.gather [hbm4b:s23+s3], $0x80, $0x38;
	[tilespmem:$0x18100] =	vst v63  }
0x67: {  	p1 =	seq.s32 s22, $0x13F0;
	_ =	swait.ge [sflag:s16], $0x80  }
0x68: {  	[sflag:s16] =	ssyncset.done $0x0  }
0x69: {  	s22 =	sadd.s32 s21, s12;
	s21 =	smov.u32 s24;
	[sflag:s16] =	ssyncadd.s32 $0xFFFFFF80  }
0x6a: {  	[tilespmem:s17], [sflag:$0x2] =	stream.linear.gather [hbm4b:s22+s3], $0x80, $0x38;
	[tilespmem:$0x18100] =	vst v63  }
0x6b: {  	_ =	swait.ge [sflag:s16], $0x80  }
0x6c: {  	[sflag:s16] =	ssyncset.done $0x0  }
0x6d: {  	[sflag:s16] =	ssyncadd.s32 $0xFFFFFF80  }
0x6e: {  	[tilespmem:s18], [sflag:$0x1] =	stream.indirect.gather [hbm4b:s4+s17], $0x80, s3, s17, $0xb8;
	[tilespmem:$0x18100] =	vst v63  }
0x6f: {  	_ =	swait.ge [sflag:s19], $0x4000  }
.Ltmp5:
0x70: {  	[sflag:s19] =	ssyncset.done $0x0;
	(pc) =	sbr.rel @!p1 .LBB2_3-.Ltmp5, $4  }
0x71: {  	[sflag:s19] =	ssyncadd.s32 $0xFFFFC000  }
0x72: {  	[spmem:s2] =	stream.indirect.scatter.add.f32 [tilespmem:s18], [sflag:$0x2], $0x80, s17, s17, $0xb8;
	[tilespmem:$0x18100] =	vst v63  }
0x73: {  	_ =	swait.ge [sflag:s16], $0x4000  }
0x74: {  	s22 =	smov.u32 s25;
	[sflag:s16] =	ssyncset.done $0x0  }
0x75: {  	s22 =	sadd.s32 s21, s13;
	[sflag:s16] =	ssyncadd.s32 $0xFFFFC000  }
0x76: {  	[tilespmem:s3], [sflag:$0x2] =	stream.linear.gather [hbm4b:s22+s3], $0x80, $0x38;
	[tilespmem:$0x18100] =	vst v63  }
0x77: {  	_ =	swait.ge [sflag:s16], $0x80  }
0x78: {  	[sflag:s16] =	ssyncset.done $0x0  }
0x79: {  	s31 =	sadd.s32 s21, s12;
	[sflag:s16] =	ssyncadd.s32 $0xFFFFFF80  }
0x7a: {  	[tilespmem:s17], [sflag:$0x2] =	stream.linear.gather [hbm4b:s31+s3], $0x80, $0x38;
	[tilespmem:$0x18100] =	vst v63  }
0x7b: {  	_ =	swait.ge [sflag:s16], $0x80  }
0x7c: {  	[sflag:s16] =	ssyncset.done $0x0  }
0x7d: {  	[sflag:s16] =	ssyncadd.s32 $0xFFFFFF80  }
0x7e: {  	[tilespmem:s18], [sflag:$0x1] =	stream.indirect.gather [hbm4b:s4+s17], $0x80, s3, s17, $0xb8;
	[tilespmem:$0x18100] =	vst v63  }
0x7f: {  	_ =	swait.ge [sflag:s19], $0x4000  }
0x80: {  	[sflag:s19] =	ssyncset.done $0x0  }
.Ltmp6:
0x81: {  	[sflag:s19] =	ssyncadd.s32 $0xFFFFC000;
	(pc) =	sbr.rel .LBB2_8-.Ltmp6, $4  }
0x82: {  	[spmem:s2] =	stream.indirect.scatter.add.f32 [tilespmem:s18], [sflag:$0x2], $0x80, s17, s17, $0xb8;
	[tilespmem:$0x18100] =	vst v63  }
0x83: {  	_ =	swait.ge [sflag:s16], $0x4000  }
0x84: {  	[sflag:s16] =	ssyncset.done $0x0  }
0x85: {  	s21 =	smov.u32 s6;
	[sflag:s16] =	ssyncadd.s32 $0xFFFFC000  }
.LBB2_9:
0x86: {  	_ =	sfence.sel $0x180000  }
0x87: {  	[bflag:$0x0] =	sbarrier.arrive $0xFFFF  }
0x88: {  	p0 =	sne.s32 s1, $0x0;
	_ =	strace $0x90000050  }
0x89: {  	s0 =	sadd.s32 @!p0 $0x100000, s0;
	[bflag:$0x2] =	sbarrier.arrive $0xFFFF  }
0x8a: {  	[sflag:s0] =	ssyncadd.tile.s32 @!p0 $0x1;
	_ =	shalt  }
.Lfunc_end2:
_tile_overlayer_lowered:
.L_overlay_start_2:
0x8b: {  	(tag) =	ssettag $0x2  }
0x8c: {  	s0 =	rddreg [dreg:$0x0];
	s2 =	stileid.u32  }
0x8d: {  	s1 =	rddreg [dreg:$0x1];
	p0 =	sne.s32 s2, $0x0  }
0x8e: {  	s3 =	rddreg [dreg:$0x2];
	[bflag:$0x3] =	sbarrier.arrive $0xFFFF;
	s2 =	simm.s32 @!p0 $0x1C02  }
0x8f: {  	[timem:s3], [sflag:s2] =	dma.local @!p0 [hbm:s0], s1  }
0x90: {  	s0 =	simm.s32 @!p0 $0x2  }
0x91: {  	_ =	swait.ge @!p0 [sflag:s0], s1  }
0x92: {  	s1 =	ssub.s32 @!p0 $0x0, s1;
	[sflag:s0] =	ssyncset.done @!p0 $0x0  }
0x93: {  	[sflag:s0] =	ssyncadd.s32 @!p0 s1  }
0x94: {  	[bflag:$0x3] =	sbarrier.arrive $0xFFFF  }
0x95: {  	_ =	shalt  }

</sc_bundles>
